<compile_context>
chip_gen: v7x
topology: tpu7x:2x2x1
jax: 0.10.2.dev20260603
libtpu: 0.0.44.dev20260713+nightly
codegen_flags: <defaults>
</compile_context>

<pallas_src>
import functools

import jax
import jax.numpy as jnp
from jax import lax
from jax.experimental import pallas as pl
from jax.experimental.pallas import tpu as pltpu
from jax.experimental.pallas import tpu_sc as plsc

BATCH = 4
SEQ = 2048
HIDDEN = 1024
PAD_IDX = 0
LANES = 16
NUM_CORES = 2
NUM_SUBCORES = 16
NUM_WORKERS = NUM_CORES * NUM_SUBCORES
TOTAL = BATCH * SEQ
BPW = TOTAL // NUM_WORKERS
WPB = SEQ // BPW
CHUNK = 32
CHUNK_SIZES = (16, 16, 32, 32, 32, 32, 32, 32, 16, 16)
CHUNK_OFFS = tuple(sum(CHUNK_SIZES[:i]) for i in range(len(CHUNK_SIZES)))
NCHUNKS = len(CHUNK_SIZES)
NBUF = 3


def _emb_body(ids_hbm, tab_hbm, out_hbm, idx_all, zrow, rows, idxc, gsem, wsem):
    wid = lax.axis_index("s") * NUM_CORES + lax.axis_index("c")
    base = wid * BPW

    def start_gather(c):
        b = c % NBUF
        off, n = CHUNK_OFFS[c], CHUNK_SIZES[c]
        pltpu.sync_copy(
            ids_hbm.at[wid // WPB, pl.ds((wid % WPB) * BPW + off, n)],
            idxc[b].at[pl.ds(0, n)],
        )
        return pltpu.async_copy(
            tab_hbm.at[idxc[b].at[pl.ds(0, n)]], rows[b].at[pl.ds(0, n)], gsem[b]
        )

    gathers = {c: start_gather(c) for c in range(NBUF)}

    pltpu.sync_copy(
        ids_hbm.at[wid // WPB, pl.ds((wid % WPB) * BPW, BPW)], idx_all
    )
    vmin = idx_all[pl.ds(0, LANES)]
    for g in range(1, BPW // LANES):
        vmin = jnp.minimum(vmin, idx_all[pl.ds(g * LANES, LANES)])
    has_pad = jnp.min(vmin) == PAD_IDX

    writes = {}
    for c in range(NCHUNKS):
        b = c % NBUF
        gathers[c].wait()
        off, n = CHUNK_OFFS[c], CHUNK_SIZES[c]
        writes[c] = pltpu.async_copy(
            rows[b].at[pl.ds(0, n)], out_hbm.at[pl.ds(base + off, n)], wsem[b]
        )
        nxt = c + NBUF
        if nxt < NCHUNKS:
            writes[c].wait()
            gathers[nxt] = start_gather(nxt)
    for c in range(max(0, NCHUNKS - NBUF), NCHUNKS):
        writes[c].wait()

    @pl.when(has_pad)
    def _fix():
        zero = jnp.zeros((LANES,), jnp.float32)
        for j in range(HIDDEN // LANES):
            zrow[0, pl.ds(j * LANES, LANES)] = zero

        def fix_row(r, carry):
            v = plsc.load_gather(idx_all, [jnp.full((LANES,), r, jnp.int32)])

            @pl.when(v[0] == PAD_IDX)
            def _zero_row():
                pltpu.sync_copy(zrow, out_hbm.at[pl.ds(base + r, 1)])

            return carry

        lax.fori_loop(0, BPW, fix_row, 0)


@functools.partial(
    pl.kernel,
    mesh=plsc.VectorSubcoreMesh(core_axis_name="c", subcore_axis_name="s"),
    out_type=jax.ShapeDtypeStruct((TOTAL, HIDDEN), jnp.float32),
    scratch_types=[
        pltpu.VMEM((BPW,), jnp.int32),
        pltpu.VMEM((1, HIDDEN), jnp.float32),
        [pltpu.VMEM((CHUNK, HIDDEN), jnp.float32) for _ in range(NBUF)],
        [pltpu.VMEM((CHUNK,), jnp.int32) for _ in range(NBUF)],
        [pltpu.SemaphoreType.DMA for _ in range(NBUF)],
        [pltpu.SemaphoreType.DMA for _ in range(NBUF)],
    ],
    compiler_params=pltpu.CompilerParams(needs_layout_passes=False),
)
def _emb_call(ids_hbm, tab_hbm, out_hbm, idx_all, zrow, rows, idxc, gsem, wsem):
    _emb_body(ids_hbm, tab_hbm, out_hbm, idx_all, zrow, rows, idxc, gsem, wsem)


@jax.jit
def kernel(input_ids, table):
    out = _emb_call(input_ids.astype(jnp.int32), table)
    return out.reshape(BATCH, SEQ, HIDDEN)

# --- scband reference (transcript-rebuilt; emitter-appended) ---
"""Pipeline reference for scband-embedding-49787260895691 (READ-ONLY COPY).

The authoritative reference and input builder live on the scoring server;
editing this copy changes nothing except your own understanding.
"""

import jax, jax.numpy as jnp
import numpy as np

VOCAB = 100000
HIDDEN = 1024
PAD_IDX = 0
BATCH = 4
SEQ = 2048


def setup_inputs(seed: int = 0) -> dict:
    key = jax.random.key(seed)
    k_ids, k_tab = jax.random.split(key)
    input_ids = jax.random.randint(k_ids, (BATCH, SEQ), 0, VOCAB, dtype=jnp.int64 if jax.config.jax_enable_x64 else jnp.int32)
    table = jax.random.normal(k_tab, (VOCAB, HIDDEN), dtype=jnp.float32) * 0.02
    return {"input_ids": input_ids, "table": table}


def reference(input_ids, table):
    # nn.Embedding with padding_idx: row PAD_IDX yields zeros
    table = table.at[PAD_IDX].set(0.0)
    words_embeddings = jnp.take(table, input_ids, axis=0)
    return words_embeddings

if __name__ == "__main__":
    import jax
    _d = setup_inputs()
    print(jax.jit(kernel)(*tuple(_d.values())))

</pallas_src>

<mosaic_0001>
#map = affine_map<(d0, d1) -> (0, 0)>
module attributes {stable_mosaic.version = 14 : i64} {
  func.func @_emb_call(%arg0: i32, %arg1: i32, %arg2: memref<4x2048xi32, #tpu.memory_space<hbm>>, %arg3: memref<100000x1024xf32, #tpu.memory_space<hbm>>, %arg4: memref<8192x1024xf32, #tpu.memory_space<hbm>>, %arg5: memref<256xi32, #tpu.memory_space<vmem>>, %arg6: memref<1x1024xf32, #tpu.memory_space<vmem>>, %arg7: memref<32x1024xf32, #tpu.memory_space<vmem>>, %arg8: memref<32x1024xf32, #tpu.memory_space<vmem>>, %arg9: memref<32x1024xf32, #tpu.memory_space<vmem>>, %arg10: memref<32xi32, #tpu.memory_space<vmem>>, %arg11: memref<32xi32, #tpu.memory_space<vmem>>, %arg12: memref<32xi32, #tpu.memory_space<vmem>>, %arg13: memref<!tpu.dma_semaphore, #tpu.memory_space<semaphore_mem>>, %arg14: memref<!tpu.dma_semaphore, #tpu.memory_space<semaphore_mem>>, %arg15: memref<!tpu.dma_semaphore, #tpu.memory_space<semaphore_mem>>, %arg16: memref<!tpu.dma_semaphore, #tpu.memory_space<semaphore_mem>>, %arg17: memref<!tpu.dma_semaphore, #tpu.memory_space<semaphore_mem>>, %arg18: memref<!tpu.dma_semaphore, #tpu.memory_space<semaphore_mem>>) attributes {dimension_semantics = [#tpu.dimension_semantics<core_parallel>, #tpu.dimension_semantics<subcore_parallel>], iteration_bounds = array<i64: 2, 16>, scalar_prefetch = 0 : i64, scratch_operands = 14 : i64, tpu.core_type = #tpu.core_type<sc_vector_subcore>, window_params = [{transform_indices = #map}, {transform_indices = #map}, {transform_indices = #map}]} {
    %mul3A = arith.constant 2 : i32
    %mul3A_0 = arith.muli %arg1, %mul3A : i32
    %add3A = arith.addi %mul3A_0, %arg0 : i32
    %mul3A_1 = arith.constant 256 : i32
    %mul3A_2 = arith.muli %add3A, %mul3A_1 : i32
    %jit3A = arith.constant 8 : i32
    %div3A = arith.divsi %add3A, %jit3A : i32
    %sign3A = arith.constant 0 : i32
    %sign3A_3 = arith.cmpi sgt, %add3A, %sign3A : i32
    %sign3A_4 = arith.extui %sign3A_3 : i1 to i32
    %sign3A_5 = arith.constant 0 : i32
    %sign3A_6 = arith.cmpi slt, %add3A, %sign3A_5 : i32
    %sign3A_7 = arith.extui %sign3A_6 : i1 to i32
    %sign3A_8 = arith.subi %sign3A_4, %sign3A_7 : i32
    %sign3A_9 = arith.constant 0 : i32
    %sign3A_10 = arith.cmpi sgt, %jit3A, %sign3A_9 : i32
    %sign3A_11 = arith.extui %sign3A_10 : i1 to i32
    %sign3A_12 = arith.constant 0 : i32
    %sign3A_13 = arith.cmpi slt, %jit3A, %sign3A_12 : i32
    %sign3A_14 = arith.extui %sign3A_13 : i1 to i32
    %sign3A_15 = arith.subi %sign3A_11, %sign3A_14 : i32
    %ne3A = arith.cmpi ne, %sign3A_8, %sign3A_15 : i32
    %rem3A = arith.remsi %add3A, %jit3A : i32
    %ne3A_16 = arith.constant 0 : i32
    %ne3A_17 = arith.cmpi ne, %rem3A, %ne3A_16 : i32
    %and3A = arith.andi %ne3A, %ne3A_17 : i1
    %sub3A = arith.constant 1 : i32
    %sub3A_18 = arith.subi %div3A, %sub3A : i32
    %select_n3A = arith.select %and3A, %sub3A_18, %div3A : i32
    %jit3A_19 = arith.constant 8 : i32
    %eq3A = arith.constant 0 : i32
    %eq3A_20 = arith.cmpi eq, %jit3A_19, %eq3A : i32
    %jit3A_21 = arith.constant 1 : i32
    %select_n3A_22 = arith.select %eq3A_20, %jit3A_21, %jit3A_19 : i32
    %rem3A_23 = arith.remsi %add3A, %select_n3A_22 : i32
    %ne3A_24 = arith.constant 0 : i32
    %ne3A_25 = arith.cmpi ne, %rem3A_23, %ne3A_24 : i32
    %lt3A = arith.constant 0 : i32
    %lt3A_26 = arith.cmpi slt, %rem3A_23, %lt3A : i32
    %lt3A_27 = arith.constant 0 : i32
    %lt3A_28 = arith.cmpi slt, %select_n3A_22, %lt3A_27 : i32
    %ne3A_29 = arith.xori %lt3A_26, %lt3A_28 : i1
    %and3A_30 = arith.andi %ne3A_29, %ne3A_25 : i1
    %add3A_31 = arith.addi %rem3A_23, %select_n3A_22 : i32
    %select_n3A_32 = arith.select %and3A_30, %add3A_31, %rem3A_23 : i32
    %mul3A_33 = arith.constant 256 : i32
    %mul3A_34 = arith.muli %select_n3A_32, %mul3A_33 : i32
    %add3A_35 = arith.constant 0 : i32
    %add3A_36 = arith.addi %mul3A_34, %add3A_35 : i32
    "tpu.region"() ({
      %run_scoped3A = tpu.sem_alloc : memref<!tpu.dma_semaphore, #tpu.memory_space<semaphore_mem>>
      %dma_start3A_908 = arith.constant 0 : i32
      %dma_start3A_909 = tpu.memref_slice %arg10[%dma_start3A_908] : memref<32xi32, #tpu.memory_space<vmem>> -> memref<16xi32, #tpu.memory_space<vmem>>
      %dma_start3A_910 = tpu.memref_slice %arg2[%select_n3A, %add3A_36] : memref<4x2048xi32, #tpu.memory_space<hbm>> -> memref<1x16xi32, #tpu.memory_space<hbm>>
      %dma_start3A_911 = tpu.memref_squeeze %dma_start3A_910 : memref<1x16xi32, #tpu.memory_space<hbm>> -> memref<16xi32, #tpu.memory_space<hbm>>
      %dma_start3A_912 = arith.constant 0 : i32
      %dma_start3A_913 = tpu.memref_slice %arg10[%dma_start3A_912] : memref<32xi32, #tpu.memory_space<vmem>> -> memref<16xi32, #tpu.memory_space<vmem>>
      %dma_start3A_914 = tpu.memref_slice %arg2[%select_n3A, %add3A_36] : memref<4x2048xi32, #tpu.memory_space<hbm>> -> memref<1x16xi32, #tpu.memory_space<hbm>>
      %dma_start3A_915 = tpu.memref_squeeze %dma_start3A_914 : memref<1x16xi32, #tpu.memory_space<hbm>> -> memref<16xi32, #tpu.memory_space<hbm>>
      tpu.enqueue_dma source(%dma_start3A_915 : memref<16xi32, #tpu.memory_space<hbm>>) target(%dma_start3A_913 : memref<16xi32, #tpu.memory_space<vmem>>) target_semaphore(%run_scoped3A : memref<!tpu.dma_semaphore, #tpu.memory_space<semaphore_mem>>)
      %dma_wait3A_916 = arith.constant 0 : i32
      %dma_wait3A_917 = tpu.memref_slice %arg10[%dma_wait3A_916] : memref<32xi32, #tpu.memory_space<vmem>> -> memref<16xi32, #tpu.memory_space<vmem>>
      %dma_wait3A_918 = tpu.memref_slice %arg2[%select_n3A, %add3A_36] : memref<4x2048xi32, #tpu.memory_space<hbm>> -> memref<1x16xi32, #tpu.memory_space<hbm>>
      %dma_wait3A_919 = tpu.memref_squeeze %dma_wait3A_918 : memref<1x16xi32, #tpu.memory_space<hbm>> -> memref<16xi32, #tpu.memory_space<hbm>>
      %dma_wait3A_920 = arith.constant 0 : i32
      %dma_wait3A_921 = tpu.memref_slice %arg10[%dma_wait3A_920] : memref<32xi32, #tpu.memory_space<vmem>> -> memref<16xi32, #tpu.memory_space<vmem>>
      %dma_wait3A_922 = tpu.memref_slice %arg2[%select_n3A, %add3A_36] : memref<4x2048xi32, #tpu.memory_space<hbm>> -> memref<1x16xi32, #tpu.memory_space<hbm>>
      %dma_wait3A_923 = tpu.memref_squeeze %dma_wait3A_922 : memref<1x16xi32, #tpu.memory_space<hbm>> -> memref<16xi32, #tpu.memory_space<hbm>>
      tpu.wait_dma2 semaphore(%run_scoped3A : memref<!tpu.dma_semaphore, #tpu.memory_space<semaphore_mem>>) src(%dma_wait3A_923 : memref<16xi32, #tpu.memory_space<hbm>>) dst(%dma_wait3A_921 : memref<16xi32, #tpu.memory_space<vmem>>)
      tpu.yield
    }) : () -> ()
    %dma_start3A = arith.constant 0 : i32
    %dma_start3A_37 = arith.constant 0 : i32
    %dma_start3A_38 = tpu.memref_slice %arg7[%dma_start3A, %dma_start3A_37] : memref<32x1024xf32, #tpu.memory_space<vmem>> -> memref<16x1024xf32, #tpu.memory_space<vmem>>
    %dma_start3A_39 = arith.constant 0 : i32
    %dma_start3A_40 = tpu.memref_slice %arg10[%dma_start3A_39] : memref<32xi32, #tpu.memory_space<vmem>> -> memref<16xi32, #tpu.memory_space<vmem>>
    %dma_start3A_41 = arith.constant 0 : i32
    %dma_start3A_42 = arith.constant 0 : i32
    %dma_start3A_43 = tpu.memref_slice %arg3[%dma_start3A_41, %dma_start3A_42] : memref<100000x1024xf32, #tpu.memory_space<hbm>> -> memref<100000x1024xf32, #tpu.memory_space<hbm>>
    tpu.enqueue_indirect_dma source(%dma_start3A_43 : memref<100000x1024xf32, #tpu.memory_space<hbm>>) target(%dma_start3A_38 : memref<16x1024xf32, #tpu.memory_space<vmem>>) offsets(%dma_start3A_40 : memref<16xi32, #tpu.memory_space<vmem>>) semaphore(%arg13 : memref<!tpu.dma_semaphore, #tpu.memory_space<semaphore_mem>>)
    %jit3A_44 = arith.constant 8 : i32
    %div3A_45 = arith.divsi %add3A, %jit3A_44 : i32
    %sign3A_46 = arith.constant 0 : i32
    %sign3A_47 = arith.cmpi sgt, %add3A, %sign3A_46 : i32
    %sign3A_48 = arith.extui %sign3A_47 : i1 to i32
    %sign3A_49 = arith.constant 0 : i32
    %sign3A_50 = arith.cmpi slt, %add3A, %sign3A_49 : i32
    %sign3A_51 = arith.extui %sign3A_50 : i1 to i32
    %sign3A_52 = arith.subi %sign3A_48, %sign3A_51 : i32
    %sign3A_53 = arith.constant 0 : i32
    %sign3A_54 = arith.cmpi sgt, %jit3A_44, %sign3A_53 : i32
    %sign3A_55 = arith.extui %sign3A_54 : i1 to i32
    %sign3A_56 = arith.constant 0 : i32
    %sign3A_57 = arith.cmpi slt, %jit3A_44, %sign3A_56 : i32
    %sign3A_58 = arith.extui %sign3A_57 : i1 to i32
    %sign3A_59 = arith.subi %sign3A_55, %sign3A_58 : i32
    %ne3A_60 = arith.cmpi ne, %sign3A_52, %sign3A_59 : i32
    %rem3A_61 = arith.remsi %add3A, %jit3A_44 : i32
    %ne3A_62 = arith.constant 0 : i32
    %ne3A_63 = arith.cmpi ne, %rem3A_61, %ne3A_62 : i32
    %and3A_64 = arith.andi %ne3A_60, %ne3A_63 : i1
    %sub3A_65 = arith.constant 1 : i32
    %sub3A_66 = arith.subi %div3A_45, %sub3A_65 : i32
    %select_n3A_67 = arith.select %and3A_64, %sub3A_66, %div3A_45 : i32
    %jit3A_68 = arith.constant 8 : i32
    %eq3A_69 = arith.constant 0 : i32
    %eq3A_70 = arith.cmpi eq, %jit3A_68, %eq3A_69 : i32
    %jit3A_71 = arith.constant 1 : i32
    %select_n3A_72 = arith.select %eq3A_70, %jit3A_71, %jit3A_68 : i32
    %rem3A_73 = arith.remsi %add3A, %select_n3A_72 : i32
    %ne3A_74 = arith.constant 0 : i32
    %ne3A_75 = arith.cmpi ne, %rem3A_73, %ne3A_74 : i32
    %lt3A_76 = arith.constant 0 : i32
    %lt3A_77 = arith.cmpi slt, %rem3A_73, %lt3A_76 : i32
    %lt3A_78 = arith.constant 0 : i32
    %lt3A_79 = arith.cmpi slt, %select_n3A_72, %lt3A_78 : i32
    %ne3A_80 = arith.xori %lt3A_77, %lt3A_79 : i1
    %and3A_81 = arith.andi %ne3A_80, %ne3A_75 : i1
    %add3A_82 = arith.addi %rem3A_73, %select_n3A_72 : i32
    %select_n3A_83 = arith.select %and3A_81, %add3A_82, %rem3A_73 : i32
    %mul3A_84 = arith.constant 256 : i32
    %mul3A_85 = arith.muli %select_n3A_83, %mul3A_84 : i32
    %add3A_86 = arith.constant 16 : i32
    %add3A_87 = arith.addi %mul3A_85, %add3A_86 : i32
    "tpu.region"() ({
      %run_scoped3A = tpu.sem_alloc : memref<!tpu.dma_semaphore, #tpu.memory_space<semaphore_mem>>
      %dma_start3A_908 = arith.constant 0 : i32
      %dma_start3A_909 = tpu.memref_slice %arg11[%dma_start3A_908] : memref<32xi32, #tpu.memory_space<vmem>> -> memref<16xi32, #tpu.memory_space<vmem>>
      %dma_start3A_910 = tpu.memref_slice %arg2[%select_n3A_67, %add3A_87] : memref<4x2048xi32, #tpu.memory_space<hbm>> -> memref<1x16xi32, #tpu.memory_space<hbm>>
      %dma_start3A_911 = tpu.memref_squeeze %dma_start3A_910 : memref<1x16xi32, #tpu.memory_space<hbm>> -> memref<16xi32, #tpu.memory_space<hbm>>
      %dma_start3A_912 = arith.constant 0 : i32
      %dma_start3A_913 = tpu.memref_slice %arg11[%dma_start3A_912] : memref<32xi32, #tpu.memory_space<vmem>> -> memref<16xi32, #tpu.memory_space<vmem>>
      %dma_start3A_914 = tpu.memref_slice %arg2[%select_n3A_67, %add3A_87] : memref<4x2048xi32, #tpu.memory_space<hbm>> -> memref<1x16xi32, #tpu.memory_space<hbm>>
      %dma_start3A_915 = tpu.memref_squeeze %dma_start3A_914 : memref<1x16xi32, #tpu.memory_space<hbm>> -> memref<16xi32, #tpu.memory_space<hbm>>
      tpu.enqueue_dma source(%dma_start3A_915 : memref<16xi32, #tpu.memory_space<hbm>>) target(%dma_start3A_913 : memref<16xi32, #tpu.memory_space<vmem>>) target_semaphore(%run_scoped3A : memref<!tpu.dma_semaphore, #tpu.memory_space<semaphore_mem>>)
      %dma_wait3A_916 = arith.constant 0 : i32
      %dma_wait3A_917 = tpu.memref_slice %arg11[%dma_wait3A_916] : memref<32xi32, #tpu.memory_space<vmem>> -> memref<16xi32, #tpu.memory_space<vmem>>
      %dma_wait3A_918 = tpu.memref_slice %arg2[%select_n3A_67, %add3A_87] : memref<4x2048xi32, #tpu.memory_space<hbm>> -> memref<1x16xi32, #tpu.memory_space<hbm>>
      %dma_wait3A_919 = tpu.memref_squeeze %dma_wait3A_918 : memref<1x16xi32, #tpu.memory_space<hbm>> -> memref<16xi32, #tpu.memory_space<hbm>>
      %dma_wait3A_920 = arith.constant 0 : i32
      %dma_wait3A_921 = tpu.memref_slice %arg11[%dma_wait3A_920] : memref<32xi32, #tpu.memory_space<vmem>> -> memref<16xi32, #tpu.memory_space<vmem>>
      %dma_wait3A_922 = tpu.memref_slice %arg2[%select_n3A_67, %add3A_87] : memref<4x2048xi32, #tpu.memory_space<hbm>> -> memref<1x16xi32, #tpu.memory_space<hbm>>
      %dma_wait3A_923 = tpu.memref_squeeze %dma_wait3A_922 : memref<1x16xi32, #tpu.memory_space<hbm>> -> memref<16xi32, #tpu.memory_space<hbm>>
      tpu.wait_dma2 semaphore(%run_scoped3A : memref<!tpu.dma_semaphore, #tpu.memory_space<semaphore_mem>>) src(%dma_wait3A_923 : memref<16xi32, #tpu.memory_space<hbm>>) dst(%dma_wait3A_921 : memref<16xi32, #tpu.memory_space<vmem>>)
      tpu.yield
    }) : () -> ()
    %dma_start3A_88 = arith.constant 0 : i32
    %dma_start3A_89 = arith.constant 0 : i32
    %dma_start3A_90 = tpu.memref_slice %arg8[%dma_start3A_88, %dma_start3A_89] : memref<32x1024xf32, #tpu.memory_space<vmem>> -> memref<16x1024xf32, #tpu.memory_space<vmem>>
    %dma_start3A_91 = arith.constant 0 : i32
    %dma_start3A_92 = tpu.memref_slice %arg11[%dma_start3A_91] : memref<32xi32, #tpu.memory_space<vmem>> -> memref<16xi32, #tpu.memory_space<vmem>>
    %dma_start3A_93 = arith.constant 0 : i32
    %dma_start3A_94 = arith.constant 0 : i32
    %dma_start3A_95 = tpu.memref_slice %arg3[%dma_start3A_93, %dma_start3A_94] : memref<100000x1024xf32, #tpu.memory_space<hbm>> -> memref<100000x1024xf32, #tpu.memory_space<hbm>>
    tpu.enqueue_indirect_dma source(%dma_start3A_95 : memref<100000x1024xf32, #tpu.memory_space<hbm>>) target(%dma_start3A_90 : memref<16x1024xf32, #tpu.memory_space<vmem>>) offsets(%dma_start3A_92 : memref<16xi32, #tpu.memory_space<vmem>>) semaphore(%arg14 : memref<!tpu.dma_semaphore, #tpu.memory_space<semaphore_mem>>)
    %jit3A_96 = arith.constant 8 : i32
    %div3A_97 = arith.divsi %add3A, %jit3A_96 : i32
    %sign3A_98 = arith.constant 0 : i32
    %sign3A_99 = arith.cmpi sgt, %add3A, %sign3A_98 : i32
    %sign3A_100 = arith.extui %sign3A_99 : i1 to i32
    %sign3A_101 = arith.constant 0 : i32
    %sign3A_102 = arith.cmpi slt, %add3A, %sign3A_101 : i32
    %sign3A_103 = arith.extui %sign3A_102 : i1 to i32
    %sign3A_104 = arith.subi %sign3A_100, %sign3A_103 : i32
    %sign3A_105 = arith.constant 0 : i32
    %sign3A_106 = arith.cmpi sgt, %jit3A_96, %sign3A_105 : i32
    %sign3A_107 = arith.extui %sign3A_106 : i1 to i32
    %sign3A_108 = arith.constant 0 : i32
    %sign3A_109 = arith.cmpi slt, %jit3A_96, %sign3A_108 : i32
    %sign3A_110 = arith.extui %sign3A_109 : i1 to i32
    %sign3A_111 = arith.subi %sign3A_107, %sign3A_110 : i32
    %ne3A_112 = arith.cmpi ne, %sign3A_104, %sign3A_111 : i32
    %rem3A_113 = arith.remsi %add3A, %jit3A_96 : i32
    %ne3A_114 = arith.constant 0 : i32
    %ne3A_115 = arith.cmpi ne, %rem3A_113, %ne3A_114 : i32
    %and3A_116 = arith.andi %ne3A_112, %ne3A_115 : i1
    %sub3A_117 = arith.constant 1 : i32
    %sub3A_118 = arith.subi %div3A_97, %sub3A_117 : i32
    %select_n3A_119 = arith.select %and3A_116, %sub3A_118, %div3A_97 : i32
    %jit3A_120 = arith.constant 8 : i32
    %eq3A_121 = arith.constant 0 : i32
    %eq3A_122 = arith.cmpi eq, %jit3A_120, %eq3A_121 : i32
    %jit3A_123 = arith.constant 1 : i32
    %select_n3A_124 = arith.select %eq3A_122, %jit3A_123, %jit3A_120 : i32
    %rem3A_125 = arith.remsi %add3A, %select_n3A_124 : i32
    %ne3A_126 = arith.constant 0 : i32
    %ne3A_127 = arith.cmpi ne, %rem3A_125, %ne3A_126 : i32
    %lt3A_128 = arith.constant 0 : i32
    %lt3A_129 = arith.cmpi slt, %rem3A_125, %lt3A_128 : i32
    %lt3A_130 = arith.constant 0 : i32
    %lt3A_131 = arith.cmpi slt, %select_n3A_124, %lt3A_130 : i32
    %ne3A_132 = arith.xori %lt3A_129, %lt3A_131 : i1
    %and3A_133 = arith.andi %ne3A_132, %ne3A_127 : i1
    %add3A_134 = arith.addi %rem3A_125, %select_n3A_124 : i32
    %select_n3A_135 = arith.select %and3A_133, %add3A_134, %rem3A_125 : i32
    %mul3A_136 = arith.constant 256 : i32
    %mul3A_137 = arith.muli %select_n3A_135, %mul3A_136 : i32
    %add3A_138 = arith.constant 32 : i32
    %add3A_139 = arith.addi %mul3A_137, %add3A_138 : i32
    "tpu.region"() ({
      %run_scoped3A = tpu.sem_alloc : memref<!tpu.dma_semaphore, #tpu.memory_space<semaphore_mem>>
      %dma_start3A_908 = arith.constant 0 : i32
      %dma_start3A_909 = tpu.memref_slice %arg12[%dma_start3A_908] : memref<32xi32, #tpu.memory_space<vmem>> -> memref<32xi32, #tpu.memory_space<vmem>>
      %dma_start3A_910 = tpu.memref_slice %arg2[%select_n3A_119, %add3A_139] : memref<4x2048xi32, #tpu.memory_space<hbm>> -> memref<1x32xi32, #tpu.memory_space<hbm>>
      %dma_start3A_911 = tpu.memref_squeeze %dma_start3A_910 : memref<1x32xi32, #tpu.memory_space<hbm>> -> memref<32xi32, #tpu.memory_space<hbm>>
      %dma_start3A_912 = arith.constant 0 : i32
      %dma_start3A_913 = tpu.memref_slice %arg12[%dma_start3A_912] : memref<32xi32, #tpu.memory_space<vmem>> -> memref<32xi32, #tpu.memory_space<vmem>>
      %dma_start3A_914 = tpu.memref_slice %arg2[%select_n3A_119, %add3A_139] : memref<4x2048xi32, #tpu.memory_space<hbm>> -> memref<1x32xi32, #tpu.memory_space<hbm>>
      %dma_start3A_915 = tpu.memref_squeeze %dma_start3A_914 : memref<1x32xi32, #tpu.memory_space<hbm>> -> memref<32xi32, #tpu.memory_space<hbm>>
      tpu.enqueue_dma source(%dma_start3A_915 : memref<32xi32, #tpu.memory_space<hbm>>) target(%dma_start3A_913 : memref<32xi32, #tpu.memory_space<vmem>>) target_semaphore(%run_scoped3A : memref<!tpu.dma_semaphore, #tpu.memory_space<semaphore_mem>>)
      %dma_wait3A_916 = arith.constant 0 : i32
      %dma_wait3A_917 = tpu.memref_slice %arg12[%dma_wait3A_916] : memref<32xi32, #tpu.memory_space<vmem>> -> memref<32xi32, #tpu.memory_space<vmem>>
      %dma_wait3A_918 = tpu.memref_slice %arg2[%select_n3A_119, %add3A_139] : memref<4x2048xi32, #tpu.memory_space<hbm>> -> memref<1x32xi32, #tpu.memory_space<hbm>>
      %dma_wait3A_919 = tpu.memref_squeeze %dma_wait3A_918 : memref<1x32xi32, #tpu.memory_space<hbm>> -> memref<32xi32, #tpu.memory_space<hbm>>
      %dma_wait3A_920 = arith.constant 0 : i32
      %dma_wait3A_921 = tpu.memref_slice %arg12[%dma_wait3A_920] : memref<32xi32, #tpu.memory_space<vmem>> -> memref<32xi32, #tpu.memory_space<vmem>>
      %dma_wait3A_922 = tpu.memref_slice %arg2[%select_n3A_119, %add3A_139] : memref<4x2048xi32, #tpu.memory_space<hbm>> -> memref<1x32xi32, #tpu.memory_space<hbm>>
      %dma_wait3A_923 = tpu.memref_squeeze %dma_wait3A_922 : memref<1x32xi32, #tpu.memory_space<hbm>> -> memref<32xi32, #tpu.memory_space<hbm>>
      tpu.wait_dma2 semaphore(%run_scoped3A : memref<!tpu.dma_semaphore, #tpu.memory_space<semaphore_mem>>) src(%dma_wait3A_923 : memref<32xi32, #tpu.memory_space<hbm>>) dst(%dma_wait3A_921 : memref<32xi32, #tpu.memory_space<vmem>>)
      tpu.yield
    }) : () -> ()
    %dma_start3A_140 = arith.constant 0 : i32
    %dma_start3A_141 = arith.constant 0 : i32
    %dma_start3A_142 = tpu.memref_slice %arg9[%dma_start3A_140, %dma_start3A_141] : memref<32x1024xf32, #tpu.memory_space<vmem>> -> memref<32x1024xf32, #tpu.memory_space<vmem>>
    %dma_start3A_143 = arith.constant 0 : i32
    %dma_start3A_144 = tpu.memref_slice %arg12[%dma_start3A_143] : memref<32xi32, #tpu.memory_space<vmem>> -> memref<32xi32, #tpu.memory_space<vmem>>
    %dma_start3A_145 = arith.constant 0 : i32
    %dma_start3A_146 = arith.constant 0 : i32
    %dma_start3A_147 = tpu.memref_slice %arg3[%dma_start3A_145, %dma_start3A_146] : memref<100000x1024xf32, #tpu.memory_space<hbm>> -> memref<100000x1024xf32, #tpu.memory_space<hbm>>
    tpu.enqueue_indirect_dma source(%dma_start3A_147 : memref<100000x1024xf32, #tpu.memory_space<hbm>>) target(%dma_start3A_142 : memref<32x1024xf32, #tpu.memory_space<vmem>>) offsets(%dma_start3A_144 : memref<32xi32, #tpu.memory_space<vmem>>) semaphore(%arg15 : memref<!tpu.dma_semaphore, #tpu.memory_space<semaphore_mem>>)
    %jit3A_148 = arith.constant 8 : i32
    %div3A_149 = arith.divsi %add3A, %jit3A_148 : i32
    %sign3A_150 = arith.constant 0 : i32
    %sign3A_151 = arith.cmpi sgt, %add3A, %sign3A_150 : i32
    %sign3A_152 = arith.extui %sign3A_151 : i1 to i32
    %sign3A_153 = arith.constant 0 : i32
    %sign3A_154 = arith.cmpi slt, %add3A, %sign3A_153 : i32
    %sign3A_155 = arith.extui %sign3A_154 : i1 to i32
    %sign3A_156 = arith.subi %sign3A_152, %sign3A_155 : i32
    %sign3A_157 = arith.constant 0 : i32
    %sign3A_158 = arith.cmpi sgt, %jit3A_148, %sign3A_157 : i32
    %sign3A_159 = arith.extui %sign3A_158 : i1 to i32
    %sign3A_160 = arith.constant 0 : i32
    %sign3A_161 = arith.cmpi slt, %jit3A_148, %sign3A_160 : i32
    %sign3A_162 = arith.extui %sign3A_161 : i1 to i32
    %sign3A_163 = arith.subi %sign3A_159, %sign3A_162 : i32
    %ne3A_164 = arith.cmpi ne, %sign3A_156, %sign3A_163 : i32
    %rem3A_165 = arith.remsi %add3A, %jit3A_148 : i32
    %ne3A_166 = arith.constant 0 : i32
    %ne3A_167 = arith.cmpi ne, %rem3A_165, %ne3A_166 : i32
    %and3A_168 = arith.andi %ne3A_164, %ne3A_167 : i1
    %sub3A_169 = arith.constant 1 : i32
    %sub3A_170 = arith.subi %div3A_149, %sub3A_169 : i32
    %select_n3A_171 = arith.select %and3A_168, %sub3A_170, %div3A_149 : i32
    %jit3A_172 = arith.constant 8 : i32
    %eq3A_173 = arith.constant 0 : i32
    %eq3A_174 = arith.cmpi eq, %jit3A_172, %eq3A_173 : i32
    %jit3A_175 = arith.constant 1 : i32
    %select_n3A_176 = arith.select %eq3A_174, %jit3A_175, %jit3A_172 : i32
    %rem3A_177 = arith.remsi %add3A, %select_n3A_176 : i32
    %ne3A_178 = arith.constant 0 : i32
    %ne3A_179 = arith.cmpi ne, %rem3A_177, %ne3A_178 : i32
    %lt3A_180 = arith.constant 0 : i32
    %lt3A_181 = arith.cmpi slt, %rem3A_177, %lt3A_180 : i32
    %lt3A_182 = arith.constant 0 : i32
    %lt3A_183 = arith.cmpi slt, %select_n3A_176, %lt3A_182 : i32
    %ne3A_184 = arith.xori %lt3A_181, %lt3A_183 : i1
    %and3A_185 = arith.andi %ne3A_184, %ne3A_179 : i1
    %add3A_186 = arith.addi %rem3A_177, %select_n3A_176 : i32
    %select_n3A_187 = arith.select %and3A_185, %add3A_186, %rem3A_177 : i32
    %mul3A_188 = arith.constant 256 : i32
    %mul3A_189 = arith.muli %select_n3A_187, %mul3A_188 : i32
    "tpu.region"() ({
      %run_scoped3A = tpu.sem_alloc : memref<!tpu.dma_semaphore, #tpu.memory_space<semaphore_mem>>
      %dma_start3A_908 = tpu.memref_slice %arg2[%select_n3A_171, %mul3A_189] : memref<4x2048xi32, #tpu.memory_space<hbm>> -> memref<1x256xi32, #tpu.memory_space<hbm>>
      %dma_start3A_909 = tpu.memref_squeeze %dma_start3A_908 : memref<1x256xi32, #tpu.memory_space<hbm>> -> memref<256xi32, #tpu.memory_space<hbm>>
      %dma_start3A_910 = tpu.memref_slice %arg2[%select_n3A_171, %mul3A_189] : memref<4x2048xi32, #tpu.memory_space<hbm>> -> memref<1x256xi32, #tpu.memory_space<hbm>>
      %dma_start3A_911 = tpu.memref_squeeze %dma_start3A_910 : memref<1x256xi32, #tpu.memory_space<hbm>> -> memref<256xi32, #tpu.memory_space<hbm>>
      tpu.enqueue_dma source(%dma_start3A_911 : memref<256xi32, #tpu.memory_space<hbm>>) target(%arg5 : memref<256xi32, #tpu.memory_space<vmem>>) target_semaphore(%run_scoped3A : memref<!tpu.dma_semaphore, #tpu.memory_space<semaphore_mem>>)
      %dma_wait3A_912 = tpu.memref_slice %arg2[%select_n3A_171, %mul3A_189] : memref<4x2048xi32, #tpu.memory_space<hbm>> -> memref<1x256xi32, #tpu.memory_space<hbm>>
      %dma_wait3A_913 = tpu.memref_squeeze %dma_wait3A_912 : memref<1x256xi32, #tpu.memory_space<hbm>> -> memref<256xi32, #tpu.memory_space<hbm>>
      %dma_wait3A_914 = tpu.memref_slice %arg2[%select_n3A_171, %mul3A_189] : memref<4x2048xi32, #tpu.memory_space<hbm>> -> memref<1x256xi32, #tpu.memory_space<hbm>>
      %dma_wait3A_915 = tpu.memref_squeeze %dma_wait3A_914 : memref<1x256xi32, #tpu.memory_space<hbm>> -> memref<256xi32, #tpu.memory_space<hbm>>
      tpu.wait_dma2 semaphore(%run_scoped3A : memref<!tpu.dma_semaphore, #tpu.memory_space<semaphore_mem>>) src(%dma_wait3A_915 : memref<256xi32, #tpu.memory_space<hbm>>) dst(%arg5 : memref<256xi32, #tpu.memory_space<vmem>>)
      tpu.yield
    }) : () -> ()
    %get3A = arith.constant 0 : index
    %get3A_190 = tpu.vector_load %arg5[%get3A] {strides = array<i32>} : memref<256xi32, #tpu.memory_space<vmem>>, vector<16xi32>,
    %get3A_191 = arith.constant 16 : index
    %get3A_192 = tpu.vector_load %arg5[%get3A_191] {strides = array<i32>} : memref<256xi32, #tpu.memory_space<vmem>>, vector<16xi32>,
    %min3A = arith.minsi %get3A_190, %get3A_192 : vector<16xi32>
    %get3A_193 = arith.constant 32 : index
    %get3A_194 = tpu.vector_load %arg5[%get3A_193] {strides = array<i32>} : memref<256xi32, #tpu.memory_space<vmem>>, vector<16xi32>,
    %min3A_195 = arith.minsi %min3A, %get3A_194 : vector<16xi32>
    %get3A_196 = arith.constant 48 : index
    %get3A_197 = tpu.vector_load %arg5[%get3A_196] {strides = array<i32>} : memref<256xi32, #tpu.memory_space<vmem>>, vector<16xi32>,
    %min3A_198 = arith.minsi %min3A_195, %get3A_197 : vector<16xi32>
    %get3A_199 = arith.constant 64 : index
    %get3A_200 = tpu.vector_load %arg5[%get3A_199] {strides = array<i32>} : memref<256xi32, #tpu.memory_space<vmem>>, vector<16xi32>,
    %min3A_201 = arith.minsi %min3A_198, %get3A_200 : vector<16xi32>
    %get3A_202 = arith.constant 80 : index
    %get3A_203 = tpu.vector_load %arg5[%get3A_202] {strides = array<i32>} : memref<256xi32, #tpu.memory_space<vmem>>, vector<16xi32>,
    %min3A_204 = arith.minsi %min3A_201, %get3A_203 : vector<16xi32>
    %get3A_205 = arith.constant 96 : index
    %get3A_206 = tpu.vector_load %arg5[%get3A_205] {strides = array<i32>} : memref<256xi32, #tpu.memory_space<vmem>>, vector<16xi32>,
    %min3A_207 = arith.minsi %min3A_204, %get3A_206 : vector<16xi32>
    %get3A_208 = arith.constant 112 : index
    %get3A_209 = tpu.vector_load %arg5[%get3A_208] {strides = array<i32>} : memref<256xi32, #tpu.memory_space<vmem>>, vector<16xi32>,
    %min3A_210 = arith.minsi %min3A_207, %get3A_209 : vector<16xi32>
    %get3A_211 = arith.constant 128 : index
    %get3A_212 = tpu.vector_load %arg5[%get3A_211] {strides = array<i32>} : memref<256xi32, #tpu.memory_space<vmem>>, vector<16xi32>,
    %min3A_213 = arith.minsi %min3A_210, %get3A_212 : vector<16xi32>
    %get3A_214 = arith.constant 144 : index
    %get3A_215 = tpu.vector_load %arg5[%get3A_214] {strides = array<i32>} : memref<256xi32, #tpu.memory_space<vmem>>, vector<16xi32>,
    %min3A_216 = arith.minsi %min3A_213, %get3A_215 : vector<16xi32>
    %get3A_217 = arith.constant 160 : index
    %get3A_218 = tpu.vector_load %arg5[%get3A_217] {strides = array<i32>} : memref<256xi32, #tpu.memory_space<vmem>>, vector<16xi32>,
    %min3A_219 = arith.minsi %min3A_216, %get3A_218 : vector<16xi32>
    %get3A_220 = arith.constant 176 : index
    %get3A_221 = tpu.vector_load %arg5[%get3A_220] {strides = array<i32>} : memref<256xi32, #tpu.memory_space<vmem>>, vector<16xi32>,
    %min3A_222 = arith.minsi %min3A_219, %get3A_221 : vector<16xi32>
    %get3A_223 = arith.constant 192 : index
    %get3A_224 = tpu.vector_load %arg5[%get3A_223] {strides = array<i32>} : memref<256xi32, #tpu.memory_space<vmem>>, vector<16xi32>,
    %min3A_225 = arith.minsi %min3A_222, %get3A_224 : vector<16xi32>
    %get3A_226 = arith.constant 208 : index
    %get3A_227 = tpu.vector_load %arg5[%get3A_226] {strides = array<i32>} : memref<256xi32, #tpu.memory_space<vmem>>, vector<16xi32>,
    %min3A_228 = arith.minsi %min3A_225, %get3A_227 : vector<16xi32>
    %get3A_229 = arith.constant 224 : index
    %get3A_230 = tpu.vector_load %arg5[%get3A_229] {strides = array<i32>} : memref<256xi32, #tpu.memory_space<vmem>>, vector<16xi32>,
    %min3A_231 = arith.minsi %min3A_228, %get3A_230 : vector<16xi32>
    %get3A_232 = arith.constant 240 : index
    %get3A_233 = tpu.vector_load %arg5[%get3A_232] {strides = array<i32>} : memref<256xi32, #tpu.memory_space<vmem>>, vector<16xi32>,
    %min3A_234 = arith.minsi %min3A_231, %get3A_233 : vector<16xi32>
    %reduce_min3A = arith.constant true
    %reduce_min3A_235 = vector.broadcast %reduce_min3A : i1 to vector<16xi1>
    %reduce_min3A_236 = arith.constant -2147483648 : i32
    %reduce_min3A_237 = vector.broadcast %reduce_min3A_236 : i32 to vector<16xi32>
    %reduce_min3A_238 = arith.xori %min3A_234, %reduce_min3A_237 : vector<16xi32>
    %reduce_min3A_239 = tpu.scan <min>, %reduce_min3A_238 masked %reduce_min3A_235 : vector<16xi32>, vector<16xi1> -> vector<16xi32>
    %reduce_min3A_240 = arith.xori %reduce_min3A_239, %reduce_min3A_237 : vector<16xi32>
    %reduce_min3A_241 = vector.extract %reduce_min3A_240[15] : i32 from vector<16xi32>
    %eq3A_242 = arith.constant 0 : i32
    %eq3A_243 = arith.cmpi eq, %reduce_min3A_241, %eq3A_242 : i32
    %dma_wait3A = arith.constant 0 : i32
    %dma_wait3A_244 = arith.constant 0 : i32
    %dma_wait3A_245 = tpu.memref_slice %arg7[%dma_wait3A, %dma_wait3A_244] : memref<32x1024xf32, #tpu.memory_space<vmem>> -> memref<16x1024xf32, #tpu.memory_space<vmem>>
    %dma_wait3A_246 = arith.constant 0 : i32
    %dma_wait3A_247 = tpu.memref_slice %arg10[%dma_wait3A_246] : memref<32xi32, #tpu.memory_space<vmem>> -> memref<16xi32, #tpu.memory_space<vmem>>
    %dma_wait3A_248 = arith.constant 0 : i32
    %dma_wait3A_249 = arith.constant 0 : i32
    %dma_wait3A_250 = tpu.memref_slice %arg3[%dma_wait3A_248, %dma_wait3A_249] : memref<100000x1024xf32, #tpu.memory_space<hbm>> -> memref<100000x1024xf32, #tpu.memory_space<hbm>>
    tpu.wait_indirect_dma semaphore(%arg13 : memref<!tpu.dma_semaphore, #tpu.memory_space<semaphore_mem>>) src(%dma_wait3A_250 : memref<100000x1024xf32, #tpu.memory_space<hbm>>) dst(%dma_wait3A_245 : memref<16x1024xf32, #tpu.memory_space<vmem>>)
    %add3A_251 = arith.constant 0 : i32
    %add3A_252 = arith.addi %mul3A_2, %add3A_251 : i32
    %dma_start3A_253 = arith.constant 0 : i32
    %dma_start3A_254 = arith.constant 0 : i32
    %dma_start3A_255 = tpu.memref_slice %arg7[%dma_start3A_253, %dma_start3A_254] : memref<32x1024xf32, #tpu.memory_space<vmem>> -> memref<16x1024xf32, #tpu.memory_space<vmem>>
    %dma_start3A_256 = arith.constant 0 : i32
    %dma_start3A_257 = tpu.memref_slice %arg4[%add3A_252, %dma_start3A_256] : memref<8192x1024xf32, #tpu.memory_space<hbm>> -> memref<16x1024xf32, #tpu.memory_space<hbm>>
    %dma_start3A_258 = arith.constant 0 : i32
    %dma_start3A_259 = tpu.memref_slice %arg4[%add3A_252, %dma_start3A_258] : memref<8192x1024xf32, #tpu.memory_space<hbm>> -> memref<16x1024xf32, #tpu.memory_space<hbm>>
    %dma_start3A_260 = arith.constant 0 : i32
    %dma_start3A_261 = arith.constant 0 : i32
    %dma_start3A_262 = tpu.memref_slice %arg7[%dma_start3A_260, %dma_start3A_261] : memref<32x1024xf32, #tpu.memory_space<vmem>> -> memref<16x1024xf32, #tpu.memory_space<vmem>>
    tpu.enqueue_dma source(%dma_start3A_262 : memref<16x1024xf32, #tpu.memory_space<vmem>>) target(%dma_start3A_259 : memref<16x1024xf32, #tpu.memory_space<hbm>>) target_semaphore(%arg16 : memref<!tpu.dma_semaphore, #tpu.memory_space<semaphore_mem>>)
    %dma_wait3A_263 = arith.constant 0 : i32
    %dma_wait3A_264 = arith.constant 0 : i32
    %dma_wait3A_265 = tpu.memref_slice %arg7[%dma_wait3A_263, %dma_wait3A_264] : memref<32x1024xf32, #tpu.memory_space<vmem>> -> memref<16x1024xf32, #tpu.memory_space<vmem>>
    %dma_wait3A_266 = arith.constant 0 : i32
    %dma_wait3A_267 = tpu.memref_slice %arg4[%add3A_252, %dma_wait3A_266] : memref<8192x1024xf32, #tpu.memory_space<hbm>> -> memref<16x1024xf32, #tpu.memory_space<hbm>>
    %dma_wait3A_268 = arith.constant 0 : i32
    %dma_wait3A_269 = tpu.memref_slice %arg4[%add3A_252, %dma_wait3A_268] : memref<8192x1024xf32, #tpu.memory_space<hbm>> -> memref<16x1024xf32, #tpu.memory_space<hbm>>
    %dma_wait3A_270 = arith.constant 0 : i32
    %dma_wait3A_271 = arith.constant 0 : i32
    %dma_wait3A_272 = tpu.memref_slice %arg7[%dma_wait3A_270, %dma_wait3A_271] : memref<32x1024xf32, #tpu.memory_space<vmem>> -> memref<16x1024xf32, #tpu.memory_space<vmem>>
    tpu.wait_dma2 semaphore(%arg16 : memref<!tpu.dma_semaphore, #tpu.memory_space<semaphore_mem>>) src(%dma_wait3A_272 : memref<16x1024xf32, #tpu.memory_space<vmem>>) dst(%dma_wait3A_269 : memref<16x1024xf32, #tpu.memory_space<hbm>>)
    %jit3A_273 = arith.constant 8 : i32
    %div3A_274 = arith.divsi %add3A, %jit3A_273 : i32
    %sign3A_275 = arith.constant 0 : i32
    %sign3A_276 = arith.cmpi sgt, %add3A, %sign3A_275 : i32
    %sign3A_277 = arith.extui %sign3A_276 : i1 to i32
    %sign3A_278 = arith.constant 0 : i32
    %sign3A_279 = arith.cmpi slt, %add3A, %sign3A_278 : i32
    %sign3A_280 = arith.extui %sign3A_279 : i1 to i32
    %sign3A_281 = arith.subi %sign3A_277, %sign3A_280 : i32
    %sign3A_282 = arith.constant 0 : i32
    %sign3A_283 = arith.cmpi sgt, %jit3A_273, %sign3A_282 : i32
    %sign3A_284 = arith.extui %sign3A_283 : i1 to i32
    %sign3A_285 = arith.constant 0 : i32
    %sign3A_286 = arith.cmpi slt, %jit3A_273, %sign3A_285 : i32
    %sign3A_287 = arith.extui %sign3A_286 : i1 to i32
    %sign3A_288 = arith.subi %sign3A_284, %sign3A_287 : i32
    %ne3A_289 = arith.cmpi ne, %sign3A_281, %sign3A_288 : i32
    %rem3A_290 = arith.remsi %add3A, %jit3A_273 : i32
    %ne3A_291 = arith.constant 0 : i32
    %ne3A_292 = arith.cmpi ne, %rem3A_290, %ne3A_291 : i32
    %and3A_293 = arith.andi %ne3A_289, %ne3A_292 : i1
    %sub3A_294 = arith.constant 1 : i32
    %sub3A_295 = arith.subi %div3A_274, %sub3A_294 : i32
    %select_n3A_296 = arith.select %and3A_293, %sub3A_295, %div3A_274 : i32
    %jit3A_297 = arith.constant 8 : i32
    %eq3A_298 = arith.constant 0 : i32
    %eq3A_299 = arith.cmpi eq, %jit3A_297, %eq3A_298 : i32
    %jit3A_300 = arith.constant 1 : i32
    %select_n3A_301 = arith.select %eq3A_299, %jit3A_300, %jit3A_297 : i32
    %rem3A_302 = arith.remsi %add3A, %select_n3A_301 : i32
    %ne3A_303 = arith.constant 0 : i32
    %ne3A_304 = arith.cmpi ne, %rem3A_302, %ne3A_303 : i32
    %lt3A_305 = arith.constant 0 : i32
    %lt3A_306 = arith.cmpi slt, %rem3A_302, %lt3A_305 : i32
    %lt3A_307 = arith.constant 0 : i32
    %lt3A_308 = arith.cmpi slt, %select_n3A_301, %lt3A_307 : i32
    %ne3A_309 = arith.xori %lt3A_306, %lt3A_308 : i1
    %and3A_310 = arith.andi %ne3A_309, %ne3A_304 : i1
    %add3A_311 = arith.addi %rem3A_302, %select_n3A_301 : i32
    %select_n3A_312 = arith.select %and3A_310, %add3A_311, %rem3A_302 : i32
    %mul3A_313 = arith.constant 256 : i32
    %mul3A_314 = arith.muli %select_n3A_312, %mul3A_313 : i32
    %add3A_315 = arith.constant 64 : i32
    %add3A_316 = arith.addi %mul3A_314, %add3A_315 : i32
    "tpu.region"() ({
      %run_scoped3A = tpu.sem_alloc : memref<!tpu.dma_semaphore, #tpu.memory_space<semaphore_mem>>
      %dma_start3A_908 = arith.constant 0 : i32
      %dma_start3A_909 = tpu.memref_slice %arg10[%dma_start3A_908] : memref<32xi32, #tpu.memory_space<vmem>> -> memref<32xi32, #tpu.memory_space<vmem>>
      %dma_start3A_910 = tpu.memref_slice %arg2[%select_n3A_296, %add3A_316] : memref<4x2048xi32, #tpu.memory_space<hbm>> -> memref<1x32xi32, #tpu.memory_space<hbm>>
      %dma_start3A_911 = tpu.memref_squeeze %dma_start3A_910 : memref<1x32xi32, #tpu.memory_space<hbm>> -> memref<32xi32, #tpu.memory_space<hbm>>
      %dma_start3A_912 = arith.constant 0 : i32
      %dma_start3A_913 = tpu.memref_slice %arg10[%dma_start3A_912] : memref<32xi32, #tpu.memory_space<vmem>> -> memref<32xi32, #tpu.memory_space<vmem>>
      %dma_start3A_914 = tpu.memref_slice %arg2[%select_n3A_296, %add3A_316] : memref<4x2048xi32, #tpu.memory_space<hbm>> -> memref<1x32xi32, #tpu.memory_space<hbm>>
      %dma_start3A_915 = tpu.memref_squeeze %dma_start3A_914 : memref<1x32xi32, #tpu.memory_space<hbm>> -> memref<32xi32, #tpu.memory_space<hbm>>
      tpu.enqueue_dma source(%dma_start3A_915 : memref<32xi32, #tpu.memory_space<hbm>>) target(%dma_start3A_913 : memref<32xi32, #tpu.memory_space<vmem>>) target_semaphore(%run_scoped3A : memref<!tpu.dma_semaphore, #tpu.memory_space<semaphore_mem>>)
      %dma_wait3A_916 = arith.constant 0 : i32
      %dma_wait3A_917 = tpu.memref_slice %arg10[%dma_wait3A_916] : memref<32xi32, #tpu.memory_space<vmem>> -> memref<32xi32, #tpu.memory_space<vmem>>
      %dma_wait3A_918 = tpu.memref_slice %arg2[%select_n3A_296, %add3A_316] : memref<4x2048xi32, #tpu.memory_space<hbm>> -> memref<1x32xi32, #tpu.memory_space<hbm>>
      %dma_wait3A_919 = tpu.memref_squeeze %dma_wait3A_918 : memref<1x32xi32, #tpu.memory_space<hbm>> -> memref<32xi32, #tpu.memory_space<hbm>>
      %dma_wait3A_920 = arith.constant 0 : i32
      %dma_wait3A_921 = tpu.memref_slice %arg10[%dma_wait3A_920] : memref<32xi32, #tpu.memory_space<vmem>> -> memref<32xi32, #tpu.memory_space<vmem>>
      %dma_wait3A_922 = tpu.memref_slice %arg2[%select_n3A_296, %add3A_316] : memref<4x2048xi32, #tpu.memory_space<hbm>> -> memref<1x32xi32, #tpu.memory_space<hbm>>
      %dma_wait3A_923 = tpu.memref_squeeze %dma_wait3A_922 : memref<1x32xi32, #tpu.memory_space<hbm>> -> memref<32xi32, #tpu.memory_space<hbm>>
      tpu.wait_dma2 semaphore(%run_scoped3A : memref<!tpu.dma_semaphore, #tpu.memory_space<semaphore_mem>>) src(%dma_wait3A_923 : memref<32xi32, #tpu.memory_space<hbm>>) dst(%dma_wait3A_921 : memref<32xi32, #tpu.memory_space<vmem>>)
      tpu.yield
    }) : () -> ()
    %dma_start3A_317 = arith.constant 0 : i32
    %dma_start3A_318 = arith.constant 0 : i32
    %dma_start3A_319 = tpu.memref_slice %arg7[%dma_start3A_317, %dma_start3A_318] : memref<32x1024xf32, #tpu.memory_space<vmem>> -> memref<32x1024xf32, #tpu.memory_space<vmem>>
    %dma_start3A_320 = arith.constant 0 : i32
    %dma_start3A_321 = tpu.memref_slice %arg10[%dma_start3A_320] : memref<32xi32, #tpu.memory_space<vmem>> -> memref<32xi32, #tpu.memory_space<vmem>>
    %dma_start3A_322 = arith.constant 0 : i32
    %dma_start3A_323 = arith.constant 0 : i32
    %dma_start3A_324 = tpu.memref_slice %arg3[%dma_start3A_322, %dma_start3A_323] : memref<100000x1024xf32, #tpu.memory_space<hbm>> -> memref<100000x1024xf32, #tpu.memory_space<hbm>>
    tpu.enqueue_indirect_dma source(%dma_start3A_324 : memref<100000x1024xf32, #tpu.memory_space<hbm>>) target(%dma_start3A_319 : memref<32x1024xf32, #tpu.memory_space<vmem>>) offsets(%dma_start3A_321 : memref<32xi32, #tpu.memory_space<vmem>>) semaphore(%arg13 : memref<!tpu.dma_semaphore, #tpu.memory_space<semaphore_mem>>)
    %dma_wait3A_325 = arith.constant 0 : i32
    %dma_wait3A_326 = arith.constant 0 : i32
    %dma_wait3A_327 = tpu.memref_slice %arg8[%dma_wait3A_325, %dma_wait3A_326] : memref<32x1024xf32, #tpu.memory_space<vmem>> -> memref<16x1024xf32, #tpu.memory_space<vmem>>
    %dma_wait3A_328 = arith.constant 0 : i32
    %dma_wait3A_329 = tpu.memref_slice %arg11[%dma_wait3A_328] : memref<32xi32, #tpu.memory_space<vmem>> -> memref<16xi32, #tpu.memory_space<vmem>>
    %dma_wait3A_330 = arith.constant 0 : i32
    %dma_wait3A_331 = arith.constant 0 : i32
    %dma_wait3A_332 = tpu.memref_slice %arg3[%dma_wait3A_330, %dma_wait3A_331] : memref<100000x1024xf32, #tpu.memory_space<hbm>> -> memref<100000x1024xf32, #tpu.memory_space<hbm>>
    tpu.wait_indirect_dma semaphore(%arg14 : memref<!tpu.dma_semaphore, #tpu.memory_space<semaphore_mem>>) src(%dma_wait3A_332 : memref<100000x1024xf32, #tpu.memory_space<hbm>>) dst(%dma_wait3A_327 : memref<16x1024xf32, #tpu.memory_space<vmem>>)
    %add3A_333 = arith.constant 16 : i32
    %add3A_334 = arith.addi %mul3A_2, %add3A_333 : i32
    %dma_start3A_335 = arith.constant 0 : i32
    %dma_start3A_336 = arith.constant 0 : i32
    %dma_start3A_337 = tpu.memref_slice %arg8[%dma_start3A_335, %dma_start3A_336] : memref<32x1024xf32, #tpu.memory_space<vmem>> -> memref<16x1024xf32, #tpu.memory_space<vmem>>
    %dma_start3A_338 = arith.constant 0 : i32
    %dma_start3A_339 = tpu.memref_slice %arg4[%add3A_334, %dma_start3A_338] : memref<8192x1024xf32, #tpu.memory_space<hbm>> -> memref<16x1024xf32, #tpu.memory_space<hbm>>
    %dma_start3A_340 = arith.constant 0 : i32
    %dma_start3A_341 = tpu.memref_slice %arg4[%add3A_334, %dma_start3A_340] : memref<8192x1024xf32, #tpu.memory_space<hbm>> -> memref<16x1024xf32, #tpu.memory_space<hbm>>
    %dma_start3A_342 = arith.constant 0 : i32
    %dma_start3A_343 = arith.constant 0 : i32
    %dma_start3A_344 = tpu.memref_slice %arg8[%dma_start3A_342, %dma_start3A_343] : memref<32x1024xf32, #tpu.memory_space<vmem>> -> memref<16x1024xf32, #tpu.memory_space<vmem>>
    tpu.enqueue_dma source(%dma_start3A_344 : memref<16x1024xf32, #tpu.memory_space<vmem>>) target(%dma_start3A_341 : memref<16x1024xf32, #tpu.memory_space<hbm>>) target_semaphore(%arg17 : memref<!tpu.dma_semaphore, #tpu.memory_space<semaphore_mem>>)
    %dma_wait3A_345 = arith.constant 0 : i32
    %dma_wait3A_346 = arith.constant 0 : i32
    %dma_wait3A_347 = tpu.memref_slice %arg8[%dma_wait3A_345, %dma_wait3A_346] : memref<32x1024xf32, #tpu.memory_space<vmem>> -> memref<16x1024xf32, #tpu.memory_space<vmem>>
    %dma_wait3A_348 = arith.constant 0 : i32
    %dma_wait3A_349 = tpu.memref_slice %arg4[%add3A_334, %dma_wait3A_348] : memref<8192x1024xf32, #tpu.memory_space<hbm>> -> memref<16x1024xf32, #tpu.memory_space<hbm>>
    %dma_wait3A_350 = arith.constant 0 : i32
    %dma_wait3A_351 = tpu.memref_slice %arg4[%add3A_334, %dma_wait3A_350] : memref<8192x1024xf32, #tpu.memory_space<hbm>> -> memref<16x1024xf32, #tpu.memory_space<hbm>>
    %dma_wait3A_352 = arith.constant 0 : i32
    %dma_wait3A_353 = arith.constant 0 : i32
    %dma_wait3A_354 = tpu.memref_slice %arg8[%dma_wait3A_352, %dma_wait3A_353] : memref<32x1024xf32, #tpu.memory_space<vmem>> -> memref<16x1024xf32, #tpu.memory_space<vmem>>
    tpu.wait_dma2 semaphore(%arg17 : memref<!tpu.dma_semaphore, #tpu.memory_space<semaphore_mem>>) src(%dma_wait3A_354 : memref<16x1024xf32, #tpu.memory_space<vmem>>) dst(%dma_wait3A_351 : memref<16x1024xf32, #tpu.memory_space<hbm>>)
    %jit3A_355 = arith.constant 8 : i32
    %div3A_356 = arith.divsi %add3A, %jit3A_355 : i32
    %sign3A_357 = arith.constant 0 : i32
    %sign3A_358 = arith.cmpi sgt, %add3A, %sign3A_357 : i32
    %sign3A_359 = arith.extui %sign3A_358 : i1 to i32
    %sign3A_360 = arith.constant 0 : i32
    %sign3A_361 = arith.cmpi slt, %add3A, %sign3A_360 : i32
    %sign3A_362 = arith.extui %sign3A_361 : i1 to i32
    %sign3A_363 = arith.subi %sign3A_359, %sign3A_362 : i32
    %sign3A_364 = arith.constant 0 : i32
    %sign3A_365 = arith.cmpi sgt, %jit3A_355, %sign3A_364 : i32
    %sign3A_366 = arith.extui %sign3A_365 : i1 to i32
    %sign3A_367 = arith.constant 0 : i32
    %sign3A_368 = arith.cmpi slt, %jit3A_355, %sign3A_367 : i32
    %sign3A_369 = arith.extui %sign3A_368 : i1 to i32
    %sign3A_370 = arith.subi %sign3A_366, %sign3A_369 : i32
    %ne3A_371 = arith.cmpi ne, %sign3A_363, %sign3A_370 : i32
    %rem3A_372 = arith.remsi %add3A, %jit3A_355 : i32
    %ne3A_373 = arith.constant 0 : i32
    %ne3A_374 = arith.cmpi ne, %rem3A_372, %ne3A_373 : i32
    %and3A_375 = arith.andi %ne3A_371, %ne3A_374 : i1
    %sub3A_376 = arith.constant 1 : i32
    %sub3A_377 = arith.subi %div3A_356, %sub3A_376 : i32
    %select_n3A_378 = arith.select %and3A_375, %sub3A_377, %div3A_356 : i32
    %jit3A_379 = arith.constant 8 : i32
    %eq3A_380 = arith.constant 0 : i32
    %eq3A_381 = arith.cmpi eq, %jit3A_379, %eq3A_380 : i32
    %jit3A_382 = arith.constant 1 : i32
    %select_n3A_383 = arith.select %eq3A_381, %jit3A_382, %jit3A_379 : i32
    %rem3A_384 = arith.remsi %add3A, %select_n3A_383 : i32
    %ne3A_385 = arith.constant 0 : i32
    %ne3A_386 = arith.cmpi ne, %rem3A_384, %ne3A_385 : i32
    %lt3A_387 = arith.constant 0 : i32
    %lt3A_388 = arith.cmpi slt, %rem3A_384, %lt3A_387 : i32
    %lt3A_389 = arith.constant 0 : i32
    %lt3A_390 = arith.cmpi slt, %select_n3A_383, %lt3A_389 : i32
    %ne3A_391 = arith.xori %lt3A_388, %lt3A_390 : i1
    %and3A_392 = arith.andi %ne3A_391, %ne3A_386 : i1
    %add3A_393 = arith.addi %rem3A_384, %select_n3A_383 : i32
    %select_n3A_394 = arith.select %and3A_392, %add3A_393, %rem3A_384 : i32
    %mul3A_395 = arith.constant 256 : i32
    %mul3A_396 = arith.muli %select_n3A_394, %mul3A_395 : i32
    %add3A_397 = arith.constant 96 : i32
    %add3A_398 = arith.addi %mul3A_396, %add3A_397 : i32
    "tpu.region"() ({
      %run_scoped3A = tpu.sem_alloc : memref<!tpu.dma_semaphore, #tpu.memory_space<semaphore_mem>>
      %dma_start3A_908 = arith.constant 0 : i32
      %dma_start3A_909 = tpu.memref_slice %arg11[%dma_start3A_908] : memref<32xi32, #tpu.memory_space<vmem>> -> memref<32xi32, #tpu.memory_space<vmem>>
      %dma_start3A_910 = tpu.memref_slice %arg2[%select_n3A_378, %add3A_398] : memref<4x2048xi32, #tpu.memory_space<hbm>> -> memref<1x32xi32, #tpu.memory_space<hbm>>
      %dma_start3A_911 = tpu.memref_squeeze %dma_start3A_910 : memref<1x32xi32, #tpu.memory_space<hbm>> -> memref<32xi32, #tpu.memory_space<hbm>>
      %dma_start3A_912 = arith.constant 0 : i32
      %dma_start3A_913 = tpu.memref_slice %arg11[%dma_start3A_912] : memref<32xi32, #tpu.memory_space<vmem>> -> memref<32xi32, #tpu.memory_space<vmem>>
      %dma_start3A_914 = tpu.memref_slice %arg2[%select_n3A_378, %add3A_398] : memref<4x2048xi32, #tpu.memory_space<hbm>> -> memref<1x32xi32, #tpu.memory_space<hbm>>
      %dma_start3A_915 = tpu.memref_squeeze %dma_start3A_914 : memref<1x32xi32, #tpu.memory_space<hbm>> -> memref<32xi32, #tpu.memory_space<hbm>>
      tpu.enqueue_dma source(%dma_start3A_915 : memref<32xi32, #tpu.memory_space<hbm>>) target(%dma_start3A_913 : memref<32xi32, #tpu.memory_space<vmem>>) target_semaphore(%run_scoped3A : memref<!tpu.dma_semaphore, #tpu.memory_space<semaphore_mem>>)
      %dma_wait3A_916 = arith.constant 0 : i32
      %dma_wait3A_917 = tpu.memref_slice %arg11[%dma_wait3A_916] : memref<32xi32, #tpu.memory_space<vmem>> -> memref<32xi32, #tpu.memory_space<vmem>>
      %dma_wait3A_918 = tpu.memref_slice %arg2[%select_n3A_378, %add3A_398] : memref<4x2048xi32, #tpu.memory_space<hbm>> -> memref<1x32xi32, #tpu.memory_space<hbm>>
      %dma_wait3A_919 = tpu.memref_squeeze %dma_wait3A_918 : memref<1x32xi32, #tpu.memory_space<hbm>> -> memref<32xi32, #tpu.memory_space<hbm>>
      %dma_wait3A_920 = arith.constant 0 : i32
      %dma_wait3A_921 = tpu.memref_slice %arg11[%dma_wait3A_920] : memref<32xi32, #tpu.memory_space<vmem>> -> memref<32xi32, #tpu.memory_space<vmem>>
      %dma_wait3A_922 = tpu.memref_slice %arg2[%select_n3A_378, %add3A_398] : memref<4x2048xi32, #tpu.memory_space<hbm>> -> memref<1x32xi32, #tpu.memory_space<hbm>>
      %dma_wait3A_923 = tpu.memref_squeeze %dma_wait3A_922 : memref<1x32xi32, #tpu.memory_space<hbm>> -> memref<32xi32, #tpu.memory_space<hbm>>
      tpu.wait_dma2 semaphore(%run_scoped3A : memref<!tpu.dma_semaphore, #tpu.memory_space<semaphore_mem>>) src(%dma_wait3A_923 : memref<32xi32, #tpu.memory_space<hbm>>) dst(%dma_wait3A_921 : memref<32xi32, #tpu.memory_space<vmem>>)
      tpu.yield
    }) : () -> ()
    %dma_start3A_399 = arith.constant 0 : i32
    %dma_start3A_400 = arith.constant 0 : i32
    %dma_start3A_401 = tpu.memref_slice %arg8[%dma_start3A_399, %dma_start3A_400] : memref<32x1024xf32, #tpu.memory_space<vmem>> -> memref<32x1024xf32, #tpu.memory_space<vmem>>
    %dma_start3A_402 = arith.constant 0 : i32
    %dma_start3A_403 = tpu.memref_slice %arg11[%dma_start3A_402] : memref<32xi32, #tpu.memory_space<vmem>> -> memref<32xi32, #tpu.memory_space<vmem>>
    %dma_start3A_404 = arith.constant 0 : i32
    %dma_start3A_405 = arith.constant 0 : i32
    %dma_start3A_406 = tpu.memref_slice %arg3[%dma_start3A_404, %dma_start3A_405] : memref<100000x1024xf32, #tpu.memory_space<hbm>> -> memref<100000x1024xf32, #tpu.memory_space<hbm>>
    tpu.enqueue_indirect_dma source(%dma_start3A_406 : memref<100000x1024xf32, #tpu.memory_space<hbm>>) target(%dma_start3A_401 : memref<32x1024xf32, #tpu.memory_space<vmem>>) offsets(%dma_start3A_403 : memref<32xi32, #tpu.memory_space<vmem>>) semaphore(%arg14 : memref<!tpu.dma_semaphore, #tpu.memory_space<semaphore_mem>>)
    %dma_wait3A_407 = arith.constant 0 : i32
    %dma_wait3A_408 = arith.constant 0 : i32
    %dma_wait3A_409 = tpu.memref_slice %arg9[%dma_wait3A_407, %dma_wait3A_408] : memref<32x1024xf32, #tpu.memory_space<vmem>> -> memref<32x1024xf32, #tpu.memory_space<vmem>>
    %dma_wait3A_410 = arith.constant 0 : i32
    %dma_wait3A_411 = tpu.memref_slice %arg12[%dma_wait3A_410] : memref<32xi32, #tpu.memory_space<vmem>> -> memref<32xi32, #tpu.memory_space<vmem>>
    %dma_wait3A_412 = arith.constant 0 : i32
    %dma_wait3A_413 = arith.constant 0 : i32
    %dma_wait3A_414 = tpu.memref_slice %arg3[%dma_wait3A_412, %dma_wait3A_413] : memref<100000x1024xf32, #tpu.memory_space<hbm>> -> memref<100000x1024xf32, #tpu.memory_space<hbm>>
    tpu.wait_indirect_dma semaphore(%arg15 : memref<!tpu.dma_semaphore, #tpu.memory_space<semaphore_mem>>) src(%dma_wait3A_414 : memref<100000x1024xf32, #tpu.memory_space<hbm>>) dst(%dma_wait3A_409 : memref<32x1024xf32, #tpu.memory_space<vmem>>)
    %add3A_415 = arith.constant 32 : i32
    %add3A_416 = arith.addi %mul3A_2, %add3A_415 : i32
    %dma_start3A_417 = arith.constant 0 : i32
    %dma_start3A_418 = arith.constant 0 : i32
    %dma_start3A_419 = tpu.memref_slice %arg9[%dma_start3A_417, %dma_start3A_418] : memref<32x1024xf32, #tpu.memory_space<vmem>> -> memref<32x1024xf32, #tpu.memory_space<vmem>>
    %dma_start3A_420 = arith.constant 0 : i32
    %dma_start3A_421 = tpu.memref_slice %arg4[%add3A_416, %dma_start3A_420] : memref<8192x1024xf32, #tpu.memory_space<hbm>> -> memref<32x1024xf32, #tpu.memory_space<hbm>>
    %dma_start3A_422 = arith.constant 0 : i32
    %dma_start3A_423 = tpu.memref_slice %arg4[%add3A_416, %dma_start3A_422] : memref<8192x1024xf32, #tpu.memory_space<hbm>> -> memref<32x1024xf32, #tpu.memory_space<hbm>>
    %dma_start3A_424 = arith.constant 0 : i32
    %dma_start3A_425 = arith.constant 0 : i32
    %dma_start3A_426 = tpu.memref_slice %arg9[%dma_start3A_424, %dma_start3A_425] : memref<32x1024xf32, #tpu.memory_space<vmem>> -> memref<32x1024xf32, #tpu.memory_space<vmem>>
    tpu.enqueue_dma source(%dma_start3A_426 : memref<32x1024xf32, #tpu.memory_space<vmem>>) target(%dma_start3A_423 : memref<32x1024xf32, #tpu.memory_space<hbm>>) target_semaphore(%arg18 : memref<!tpu.dma_semaphore, #tpu.memory_space<semaphore_mem>>)
    %dma_wait3A_427 = arith.constant 0 : i32
    %dma_wait3A_428 = arith.constant 0 : i32
    %dma_wait3A_429 = tpu.memref_slice %arg9[%dma_wait3A_427, %dma_wait3A_428] : memref<32x1024xf32, #tpu.memory_space<vmem>> -> memref<32x1024xf32, #tpu.memory_space<vmem>>
    %dma_wait3A_430 = arith.constant 0 : i32
    %dma_wait3A_431 = tpu.memref_slice %arg4[%add3A_416, %dma_wait3A_430] : memref<8192x1024xf32, #tpu.memory_space<hbm>> -> memref<32x1024xf32, #tpu.memory_space<hbm>>
    %dma_wait3A_432 = arith.constant 0 : i32
    %dma_wait3A_433 = tpu.memref_slice %arg4[%add3A_416, %dma_wait3A_432] : memref<8192x1024xf32, #tpu.memory_space<hbm>> -> memref<32x1024xf32, #tpu.memory_space<hbm>>
    %dma_wait3A_434 = arith.constant 0 : i32
    %dma_wait3A_435 = arith.constant 0 : i32
    %dma_wait3A_436 = tpu.memref_slice %arg9[%dma_wait3A_434, %dma_wait3A_435] : memref<32x1024xf32, #tpu.memory_space<vmem>> -> memref<32x1024xf32, #tpu.memory_space<vmem>>
    tpu.wait_dma2 semaphore(%arg18 : memref<!tpu.dma_semaphore, #tpu.memory_space<semaphore_mem>>) src(%dma_wait3A_436 : memref<32x1024xf32, #tpu.memory_space<vmem>>) dst(%dma_wait3A_433 : memref<32x1024xf32, #tpu.memory_space<hbm>>)
    %jit3A_437 = arith.constant 8 : i32
    %div3A_438 = arith.divsi %add3A, %jit3A_437 : i32
    %sign3A_439 = arith.constant 0 : i32
    %sign3A_440 = arith.cmpi sgt, %add3A, %sign3A_439 : i32
    %sign3A_441 = arith.extui %sign3A_440 : i1 to i32
    %sign3A_442 = arith.constant 0 : i32
    %sign3A_443 = arith.cmpi slt, %add3A, %sign3A_442 : i32
    %sign3A_444 = arith.extui %sign3A_443 : i1 to i32
    %sign3A_445 = arith.subi %sign3A_441, %sign3A_444 : i32
    %sign3A_446 = arith.constant 0 : i32
    %sign3A_447 = arith.cmpi sgt, %jit3A_437, %sign3A_446 : i32
    %sign3A_448 = arith.extui %sign3A_447 : i1 to i32
    %sign3A_449 = arith.constant 0 : i32
    %sign3A_450 = arith.cmpi slt, %jit3A_437, %sign3A_449 : i32
    %sign3A_451 = arith.extui %sign3A_450 : i1 to i32
    %sign3A_452 = arith.subi %sign3A_448, %sign3A_451 : i32
    %ne3A_453 = arith.cmpi ne, %sign3A_445, %sign3A_452 : i32
    %rem3A_454 = arith.remsi %add3A, %jit3A_437 : i32
    %ne3A_455 = arith.constant 0 : i32
    %ne3A_456 = arith.cmpi ne, %rem3A_454, %ne3A_455 : i32
    %and3A_457 = arith.andi %ne3A_453, %ne3A_456 : i1
    %sub3A_458 = arith.constant 1 : i32
    %sub3A_459 = arith.subi %div3A_438, %sub3A_458 : i32
    %select_n3A_460 = arith.select %and3A_457, %sub3A_459, %div3A_438 : i32
    %jit3A_461 = arith.constant 8 : i32
    %eq3A_462 = arith.constant 0 : i32
    %eq3A_463 = arith.cmpi eq, %jit3A_461, %eq3A_462 : i32
    %jit3A_464 = arith.constant 1 : i32
    %select_n3A_465 = arith.select %eq3A_463, %jit3A_464, %jit3A_461 : i32
    %rem3A_466 = arith.remsi %add3A, %select_n3A_465 : i32
    %ne3A_467 = arith.constant 0 : i32
    %ne3A_468 = arith.cmpi ne, %rem3A_466, %ne3A_467 : i32
    %lt3A_469 = arith.constant 0 : i32
    %lt3A_470 = arith.cmpi slt, %rem3A_466, %lt3A_469 : i32
    %lt3A_471 = arith.constant 0 : i32
    %lt3A_472 = arith.cmpi slt, %select_n3A_465, %lt3A_471 : i32
    %ne3A_473 = arith.xori %lt3A_470, %lt3A_472 : i1
    %and3A_474 = arith.andi %ne3A_473, %ne3A_468 : i1
    %add3A_475 = arith.addi %rem3A_466, %select_n3A_465 : i32
    %select_n3A_476 = arith.select %and3A_474, %add3A_475, %rem3A_466 : i32
    %mul3A_477 = arith.constant 256 : i32
    %mul3A_478 = arith.muli %select_n3A_476, %mul3A_477 : i32
    %add3A_479 = arith.constant 128 : i32
    %add3A_480 = arith.addi %mul3A_478, %add3A_479 : i32
    "tpu.region"() ({
      %run_scoped3A = tpu.sem_alloc : memref<!tpu.dma_semaphore, #tpu.memory_space<semaphore_mem>>
      %dma_start3A_908 = arith.constant 0 : i32
      %dma_start3A_909 = tpu.memref_slice %arg12[%dma_start3A_908] : memref<32xi32, #tpu.memory_space<vmem>> -> memref<32xi32, #tpu.memory_space<vmem>>
      %dma_start3A_910 = tpu.memref_slice %arg2[%select_n3A_460, %add3A_480] : memref<4x2048xi32, #tpu.memory_space<hbm>> -> memref<1x32xi32, #tpu.memory_space<hbm>>
      %dma_start3A_911 = tpu.memref_squeeze %dma_start3A_910 : memref<1x32xi32, #tpu.memory_space<hbm>> -> memref<32xi32, #tpu.memory_space<hbm>>
      %dma_start3A_912 = arith.constant 0 : i32
      %dma_start3A_913 = tpu.memref_slice %arg12[%dma_start3A_912] : memref<32xi32, #tpu.memory_space<vmem>> -> memref<32xi32, #tpu.memory_space<vmem>>
      %dma_start3A_914 = tpu.memref_slice %arg2[%select_n3A_460, %add3A_480] : memref<4x2048xi32, #tpu.memory_space<hbm>> -> memref<1x32xi32, #tpu.memory_space<hbm>>
      %dma_start3A_915 = tpu.memref_squeeze %dma_start3A_914 : memref<1x32xi32, #tpu.memory_space<hbm>> -> memref<32xi32, #tpu.memory_space<hbm>>
      tpu.enqueue_dma source(%dma_start3A_915 : memref<32xi32, #tpu.memory_space<hbm>>) target(%dma_start3A_913 : memref<32xi32, #tpu.memory_space<vmem>>) target_semaphore(%run_scoped3A : memref<!tpu.dma_semaphore, #tpu.memory_space<semaphore_mem>>)
      %dma_wait3A_916 = arith.constant 0 : i32
      %dma_wait3A_917 = tpu.memref_slice %arg12[%dma_wait3A_916] : memref<32xi32, #tpu.memory_space<vmem>> -> memref<32xi32, #tpu.memory_space<vmem>>
      %dma_wait3A_918 = tpu.memref_slice %arg2[%select_n3A_460, %add3A_480] : memref<4x2048xi32, #tpu.memory_space<hbm>> -> memref<1x32xi32, #tpu.memory_space<hbm>>
      %dma_wait3A_919 = tpu.memref_squeeze %dma_wait3A_918 : memref<1x32xi32, #tpu.memory_space<hbm>> -> memref<32xi32, #tpu.memory_space<hbm>>
      %dma_wait3A_920 = arith.constant 0 : i32
      %dma_wait3A_921 = tpu.memref_slice %arg12[%dma_wait3A_920] : memref<32xi32, #tpu.memory_space<vmem>> -> memref<32xi32, #tpu.memory_space<vmem>>
      %dma_wait3A_922 = tpu.memref_slice %arg2[%select_n3A_460, %add3A_480] : memref<4x2048xi32, #tpu.memory_space<hbm>> -> memref<1x32xi32, #tpu.memory_space<hbm>>
      %dma_wait3A_923 = tpu.memref_squeeze %dma_wait3A_922 : memref<1x32xi32, #tpu.memory_space<hbm>> -> memref<32xi32, #tpu.memory_space<hbm>>
      tpu.wait_dma2 semaphore(%run_scoped3A : memref<!tpu.dma_semaphore, #tpu.memory_space<semaphore_mem>>) src(%dma_wait3A_923 : memref<32xi32, #tpu.memory_space<hbm>>) dst(%dma_wait3A_921 : memref<32xi32, #tpu.memory_space<vmem>>)
      tpu.yield
    }) : () -> ()
    %dma_start3A_481 = arith.constant 0 : i32
    %dma_start3A_482 = arith.constant 0 : i32
    %dma_start3A_483 = tpu.memref_slice %arg9[%dma_start3A_481, %dma_start3A_482] : memref<32x1024xf32, #tpu.memory_space<vmem>> -> memref<32x1024xf32, #tpu.memory_space<vmem>>
    %dma_start3A_484 = arith.constant 0 : i32
    %dma_start3A_485 = tpu.memref_slice %arg12[%dma_start3A_484] : memref<32xi32, #tpu.memory_space<vmem>> -> memref<32xi32, #tpu.memory_space<vmem>>
    %dma_start3A_486 = arith.constant 0 : i32
    %dma_start3A_487 = arith.constant 0 : i32
    %dma_start3A_488 = tpu.memref_slice %arg3[%dma_start3A_486, %dma_start3A_487] : memref<100000x1024xf32, #tpu.memory_space<hbm>> -> memref<100000x1024xf32, #tpu.memory_space<hbm>>
    tpu.enqueue_indirect_dma source(%dma_start3A_488 : memref<100000x1024xf32, #tpu.memory_space<hbm>>) target(%dma_start3A_483 : memref<32x1024xf32, #tpu.memory_space<vmem>>) offsets(%dma_start3A_485 : memref<32xi32, #tpu.memory_space<vmem>>) semaphore(%arg15 : memref<!tpu.dma_semaphore, #tpu.memory_space<semaphore_mem>>)
    %dma_wait3A_489 = arith.constant 0 : i32
    %dma_wait3A_490 = arith.constant 0 : i32
    %dma_wait3A_491 = tpu.memref_slice %arg7[%dma_wait3A_489, %dma_wait3A_490] : memref<32x1024xf32, #tpu.memory_space<vmem>> -> memref<32x1024xf32, #tpu.memory_space<vmem>>
    %dma_wait3A_492 = arith.constant 0 : i32
    %dma_wait3A_493 = tpu.memref_slice %arg10[%dma_wait3A_492] : memref<32xi32, #tpu.memory_space<vmem>> -> memref<32xi32, #tpu.memory_space<vmem>>
    %dma_wait3A_494 = arith.constant 0 : i32
    %dma_wait3A_495 = arith.constant 0 : i32
    %dma_wait3A_496 = tpu.memref_slice %arg3[%dma_wait3A_494, %dma_wait3A_495] : memref<100000x1024xf32, #tpu.memory_space<hbm>> -> memref<100000x1024xf32, #tpu.memory_space<hbm>>
    tpu.wait_indirect_dma semaphore(%arg13 : memref<!tpu.dma_semaphore, #tpu.memory_space<semaphore_mem>>) src(%dma_wait3A_496 : memref<100000x1024xf32, #tpu.memory_space<hbm>>) dst(%dma_wait3A_491 : memref<32x1024xf32, #tpu.memory_space<vmem>>)
    %add3A_497 = arith.constant 64 : i32
    %add3A_498 = arith.addi %mul3A_2, %add3A_497 : i32
    %dma_start3A_499 = arith.constant 0 : i32
    %dma_start3A_500 = arith.constant 0 : i32
    %dma_start3A_501 = tpu.memref_slice %arg7[%dma_start3A_499, %dma_start3A_500] : memref<32x1024xf32, #tpu.memory_space<vmem>> -> memref<32x1024xf32, #tpu.memory_space<vmem>>
    %dma_start3A_502 = arith.constant 0 : i32
    %dma_start3A_503 = tpu.memref_slice %arg4[%add3A_498, %dma_start3A_502] : memref<8192x1024xf32, #tpu.memory_space<hbm>> -> memref<32x1024xf32, #tpu.memory_space<hbm>>
    %dma_start3A_504 = arith.constant 0 : i32
    %dma_start3A_505 = tpu.memref_slice %arg4[%add3A_498, %dma_start3A_504] : memref<8192x1024xf32, #tpu.memory_space<hbm>> -> memref<32x1024xf32, #tpu.memory_space<hbm>>
    %dma_start3A_506 = arith.constant 0 : i32
    %dma_start3A_507 = arith.constant 0 : i32
    %dma_start3A_508 = tpu.memref_slice %arg7[%dma_start3A_506, %dma_start3A_507] : memref<32x1024xf32, #tpu.memory_space<vmem>> -> memref<32x1024xf32, #tpu.memory_space<vmem>>
    tpu.enqueue_dma source(%dma_start3A_508 : memref<32x1024xf32, #tpu.memory_space<vmem>>) target(%dma_start3A_505 : memref<32x1024xf32, #tpu.memory_space<hbm>>) target_semaphore(%arg16 : memref<!tpu.dma_semaphore, #tpu.memory_space<semaphore_mem>>)
    %dma_wait3A_509 = arith.constant 0 : i32
    %dma_wait3A_510 = arith.constant 0 : i32
    %dma_wait3A_511 = tpu.memref_slice %arg7[%dma_wait3A_509, %dma_wait3A_510] : memref<32x1024xf32, #tpu.memory_space<vmem>> -> memref<32x1024xf32, #tpu.memory_space<vmem>>
    %dma_wait3A_512 = arith.constant 0 : i32
    %dma_wait3A_513 = tpu.memref_slice %arg4[%add3A_498, %dma_wait3A_512] : memref<8192x1024xf32, #tpu.memory_space<hbm>> -> memref<32x1024xf32, #tpu.memory_space<hbm>>
    %dma_wait3A_514 = arith.constant 0 : i32
    %dma_wait3A_515 = tpu.memref_slice %arg4[%add3A_498, %dma_wait3A_514] : memref<8192x1024xf32, #tpu.memory_space<hbm>> -> memref<32x1024xf32, #tpu.memory_space<hbm>>
    %dma_wait3A_516 = arith.constant 0 : i32
    %dma_wait3A_517 = arith.constant 0 : i32
    %dma_wait3A_518 = tpu.memref_slice %arg7[%dma_wait3A_516, %dma_wait3A_517] : memref<32x1024xf32, #tpu.memory_space<vmem>> -> memref<32x1024xf32, #tpu.memory_space<vmem>>
    tpu.wait_dma2 semaphore(%arg16 : memref<!tpu.dma_semaphore, #tpu.memory_space<semaphore_mem>>) src(%dma_wait3A_518 : memref<32x1024xf32, #tpu.memory_space<vmem>>) dst(%dma_wait3A_515 : memref<32x1024xf32, #tpu.memory_space<hbm>>)
    %jit3A_519 = arith.constant 8 : i32
    %div3A_520 = arith.divsi %add3A, %jit3A_519 : i32
    %sign3A_521 = arith.constant 0 : i32
    %sign3A_522 = arith.cmpi sgt, %add3A, %sign3A_521 : i32
    %sign3A_523 = arith.extui %sign3A_522 : i1 to i32
    %sign3A_524 = arith.constant 0 : i32
    %sign3A_525 = arith.cmpi slt, %add3A, %sign3A_524 : i32
    %sign3A_526 = arith.extui %sign3A_525 : i1 to i32
    %sign3A_527 = arith.subi %sign3A_523, %sign3A_526 : i32
    %sign3A_528 = arith.constant 0 : i32
    %sign3A_529 = arith.cmpi sgt, %jit3A_519, %sign3A_528 : i32
    %sign3A_530 = arith.extui %sign3A_529 : i1 to i32
    %sign3A_531 = arith.constant 0 : i32
    %sign3A_532 = arith.cmpi slt, %jit3A_519, %sign3A_531 : i32
    %sign3A_533 = arith.extui %sign3A_532 : i1 to i32
    %sign3A_534 = arith.subi %sign3A_530, %sign3A_533 : i32
    %ne3A_535 = arith.cmpi ne, %sign3A_527, %sign3A_534 : i32
    %rem3A_536 = arith.remsi %add3A, %jit3A_519 : i32
    %ne3A_537 = arith.constant 0 : i32
    %ne3A_538 = arith.cmpi ne, %rem3A_536, %ne3A_537 : i32
    %and3A_539 = arith.andi %ne3A_535, %ne3A_538 : i1
    %sub3A_540 = arith.constant 1 : i32
    %sub3A_541 = arith.subi %div3A_520, %sub3A_540 : i32
    %select_n3A_542 = arith.select %and3A_539, %sub3A_541, %div3A_520 : i32
    %jit3A_543 = arith.constant 8 : i32
    %eq3A_544 = arith.constant 0 : i32
    %eq3A_545 = arith.cmpi eq, %jit3A_543, %eq3A_544 : i32
    %jit3A_546 = arith.constant 1 : i32
    %select_n3A_547 = arith.select %eq3A_545, %jit3A_546, %jit3A_543 : i32
    %rem3A_548 = arith.remsi %add3A, %select_n3A_547 : i32
    %ne3A_549 = arith.constant 0 : i32
    %ne3A_550 = arith.cmpi ne, %rem3A_548, %ne3A_549 : i32
    %lt3A_551 = arith.constant 0 : i32
    %lt3A_552 = arith.cmpi slt, %rem3A_548, %lt3A_551 : i32
    %lt3A_553 = arith.constant 0 : i32
    %lt3A_554 = arith.cmpi slt, %select_n3A_547, %lt3A_553 : i32
    %ne3A_555 = arith.xori %lt3A_552, %lt3A_554 : i1
    %and3A_556 = arith.andi %ne3A_555, %ne3A_550 : i1
    %add3A_557 = arith.addi %rem3A_548, %select_n3A_547 : i32
    %select_n3A_558 = arith.select %and3A_556, %add3A_557, %rem3A_548 : i32
    %mul3A_559 = arith.constant 256 : i32
    %mul3A_560 = arith.muli %select_n3A_558, %mul3A_559 : i32
    %add3A_561 = arith.constant 160 : i32
    %add3A_562 = arith.addi %mul3A_560, %add3A_561 : i32
    "tpu.region"() ({
      %run_scoped3A = tpu.sem_alloc : memref<!tpu.dma_semaphore, #tpu.memory_space<semaphore_mem>>
      %dma_start3A_908 = arith.constant 0 : i32
      %dma_start3A_909 = tpu.memref_slice %arg10[%dma_start3A_908] : memref<32xi32, #tpu.memory_space<vmem>> -> memref<32xi32, #tpu.memory_space<vmem>>
      %dma_start3A_910 = tpu.memref_slice %arg2[%select_n3A_542, %add3A_562] : memref<4x2048xi32, #tpu.memory_space<hbm>> -> memref<1x32xi32, #tpu.memory_space<hbm>>
      %dma_start3A_911 = tpu.memref_squeeze %dma_start3A_910 : memref<1x32xi32, #tpu.memory_space<hbm>> -> memref<32xi32, #tpu.memory_space<hbm>>
      %dma_start3A_912 = arith.constant 0 : i32
      %dma_start3A_913 = tpu.memref_slice %arg10[%dma_start3A_912] : memref<32xi32, #tpu.memory_space<vmem>> -> memref<32xi32, #tpu.memory_space<vmem>>
      %dma_start3A_914 = tpu.memref_slice %arg2[%select_n3A_542, %add3A_562] : memref<4x2048xi32, #tpu.memory_space<hbm>> -> memref<1x32xi32, #tpu.memory_space<hbm>>
      %dma_start3A_915 = tpu.memref_squeeze %dma_start3A_914 : memref<1x32xi32, #tpu.memory_space<hbm>> -> memref<32xi32, #tpu.memory_space<hbm>>
      tpu.enqueue_dma source(%dma_start3A_915 : memref<32xi32, #tpu.memory_space<hbm>>) target(%dma_start3A_913 : memref<32xi32, #tpu.memory_space<vmem>>) target_semaphore(%run_scoped3A : memref<!tpu.dma_semaphore, #tpu.memory_space<semaphore_mem>>)
      %dma_wait3A_916 = arith.constant 0 : i32
      %dma_wait3A_917 = tpu.memref_slice %arg10[%dma_wait3A_916] : memref<32xi32, #tpu.memory_space<vmem>> -> memref<32xi32, #tpu.memory_space<vmem>>
      %dma_wait3A_918 = tpu.memref_slice %arg2[%select_n3A_542, %add3A_562] : memref<4x2048xi32, #tpu.memory_space<hbm>> -> memref<1x32xi32, #tpu.memory_space<hbm>>
      %dma_wait3A_919 = tpu.memref_squeeze %dma_wait3A_918 : memref<1x32xi32, #tpu.memory_space<hbm>> -> memref<32xi32, #tpu.memory_space<hbm>>
      %dma_wait3A_920 = arith.constant 0 : i32
      %dma_wait3A_921 = tpu.memref_slice %arg10[%dma_wait3A_920] : memref<32xi32, #tpu.memory_space<vmem>> -> memref<32xi32, #tpu.memory_space<vmem>>
      %dma_wait3A_922 = tpu.memref_slice %arg2[%select_n3A_542, %add3A_562] : memref<4x2048xi32, #tpu.memory_space<hbm>> -> memref<1x32xi32, #tpu.memory_space<hbm>>
      %dma_wait3A_923 = tpu.memref_squeeze %dma_wait3A_922 : memref<1x32xi32, #tpu.memory_space<hbm>> -> memref<32xi32, #tpu.memory_space<hbm>>
      tpu.wait_dma2 semaphore(%run_scoped3A : memref<!tpu.dma_semaphore, #tpu.memory_space<semaphore_mem>>) src(%dma_wait3A_923 : memref<32xi32, #tpu.memory_space<hbm>>) dst(%dma_wait3A_921 : memref<32xi32, #tpu.memory_space<vmem>>)
      tpu.yield
    }) : () -> ()
    %dma_start3A_563 = arith.constant 0 : i32
    %dma_start3A_564 = arith.constant 0 : i32
    %dma_start3A_565 = tpu.memref_slice %arg7[%dma_start3A_563, %dma_start3A_564] : memref<32x1024xf32, #tpu.memory_space<vmem>> -> memref<32x1024xf32, #tpu.memory_space<vmem>>
    %dma_start3A_566 = arith.constant 0 : i32
    %dma_start3A_567 = tpu.memref_slice %arg10[%dma_start3A_566] : memref<32xi32, #tpu.memory_space<vmem>> -> memref<32xi32, #tpu.memory_space<vmem>>
    %dma_start3A_568 = arith.constant 0 : i32
    %dma_start3A_569 = arith.constant 0 : i32
    %dma_start3A_570 = tpu.memref_slice %arg3[%dma_start3A_568, %dma_start3A_569] : memref<100000x1024xf32, #tpu.memory_space<hbm>> -> memref<100000x1024xf32, #tpu.memory_space<hbm>>
    tpu.enqueue_indirect_dma source(%dma_start3A_570 : memref<100000x1024xf32, #tpu.memory_space<hbm>>) target(%dma_start3A_565 : memref<32x1024xf32, #tpu.memory_space<vmem>>) offsets(%dma_start3A_567 : memref<32xi32, #tpu.memory_space<vmem>>) semaphore(%arg13 : memref<!tpu.dma_semaphore, #tpu.memory_space<semaphore_mem>>)
    %dma_wait3A_571 = arith.constant 0 : i32
    %dma_wait3A_572 = arith.constant 0 : i32
    %dma_wait3A_573 = tpu.memref_slice %arg8[%dma_wait3A_571, %dma_wait3A_572] : memref<32x1024xf32, #tpu.memory_space<vmem>> -> memref<32x1024xf32, #tpu.memory_space<vmem>>
    %dma_wait3A_574 = arith.constant 0 : i32
    %dma_wait3A_575 = tpu.memref_slice %arg11[%dma_wait3A_574] : memref<32xi32, #tpu.memory_space<vmem>> -> memref<32xi32, #tpu.memory_space<vmem>>
    %dma_wait3A_576 = arith.constant 0 : i32
    %dma_wait3A_577 = arith.constant 0 : i32
    %dma_wait3A_578 = tpu.memref_slice %arg3[%dma_wait3A_576, %dma_wait3A_577] : memref<100000x1024xf32, #tpu.memory_space<hbm>> -> memref<100000x1024xf32, #tpu.memory_space<hbm>>
    tpu.wait_indirect_dma semaphore(%arg14 : memref<!tpu.dma_semaphore, #tpu.memory_space<semaphore_mem>>) src(%dma_wait3A_578 : memref<100000x1024xf32, #tpu.memory_space<hbm>>) dst(%dma_wait3A_573 : memref<32x1024xf32, #tpu.memory_space<vmem>>)
    %add3A_579 = arith.constant 96 : i32
    %add3A_580 = arith.addi %mul3A_2, %add3A_579 : i32
    %dma_start3A_581 = arith.constant 0 : i32
    %dma_start3A_582 = arith.constant 0 : i32
    %dma_start3A_583 = tpu.memref_slice %arg8[%dma_start3A_581, %dma_start3A_582] : memref<32x1024xf32, #tpu.memory_space<vmem>> -> memref<32x1024xf32, #tpu.memory_space<vmem>>
    %dma_start3A_584 = arith.constant 0 : i32
    %dma_start3A_585 = tpu.memref_slice %arg4[%add3A_580, %dma_start3A_584] : memref<8192x1024xf32, #tpu.memory_space<hbm>> -> memref<32x1024xf32, #tpu.memory_space<hbm>>
    %dma_start3A_586 = arith.constant 0 : i32
    %dma_start3A_587 = tpu.memref_slice %arg4[%add3A_580, %dma_start3A_586] : memref<8192x1024xf32, #tpu.memory_space<hbm>> -> memref<32x1024xf32, #tpu.memory_space<hbm>>
    %dma_start3A_588 = arith.constant 0 : i32
    %dma_start3A_589 = arith.constant 0 : i32
    %dma_start3A_590 = tpu.memref_slice %arg8[%dma_start3A_588, %dma_start3A_589] : memref<32x1024xf32, #tpu.memory_space<vmem>> -> memref<32x1024xf32, #tpu.memory_space<vmem>>
    tpu.enqueue_dma source(%dma_start3A_590 : memref<32x1024xf32, #tpu.memory_space<vmem>>) target(%dma_start3A_587 : memref<32x1024xf32, #tpu.memory_space<hbm>>) target_semaphore(%arg17 : memref<!tpu.dma_semaphore, #tpu.memory_space<semaphore_mem>>)
    %dma_wait3A_591 = arith.constant 0 : i32
    %dma_wait3A_592 = arith.constant 0 : i32
    %dma_wait3A_593 = tpu.memref_slice %arg8[%dma_wait3A_591, %dma_wait3A_592] : memref<32x1024xf32, #tpu.memory_space<vmem>> -> memref<32x1024xf32, #tpu.memory_space<vmem>>
    %dma_wait3A_594 = arith.constant 0 : i32
    %dma_wait3A_595 = tpu.memref_slice %arg4[%add3A_580, %dma_wait3A_594] : memref<8192x1024xf32, #tpu.memory_space<hbm>> -> memref<32x1024xf32, #tpu.memory_space<hbm>>
    %dma_wait3A_596 = arith.constant 0 : i32
    %dma_wait3A_597 = tpu.memref_slice %arg4[%add3A_580, %dma_wait3A_596] : memref<8192x1024xf32, #tpu.memory_space<hbm>> -> memref<32x1024xf32, #tpu.memory_space<hbm>>
    %dma_wait3A_598 = arith.constant 0 : i32
    %dma_wait3A_599 = arith.constant 0 : i32
    %dma_wait3A_600 = tpu.memref_slice %arg8[%dma_wait3A_598, %dma_wait3A_599] : memref<32x1024xf32, #tpu.memory_space<vmem>> -> memref<32x1024xf32, #tpu.memory_space<vmem>>
    tpu.wait_dma2 semaphore(%arg17 : memref<!tpu.dma_semaphore, #tpu.memory_space<semaphore_mem>>) src(%dma_wait3A_600 : memref<32x1024xf32, #tpu.memory_space<vmem>>) dst(%dma_wait3A_597 : memref<32x1024xf32, #tpu.memory_space<hbm>>)
    %jit3A_601 = arith.constant 8 : i32
    %div3A_602 = arith.divsi %add3A, %jit3A_601 : i32
    %sign3A_603 = arith.constant 0 : i32
    %sign3A_604 = arith.cmpi sgt, %add3A, %sign3A_603 : i32
    %sign3A_605 = arith.extui %sign3A_604 : i1 to i32
    %sign3A_606 = arith.constant 0 : i32
    %sign3A_607 = arith.cmpi slt, %add3A, %sign3A_606 : i32
    %sign3A_608 = arith.extui %sign3A_607 : i1 to i32
    %sign3A_609 = arith.subi %sign3A_605, %sign3A_608 : i32
    %sign3A_610 = arith.constant 0 : i32
    %sign3A_611 = arith.cmpi sgt, %jit3A_601, %sign3A_610 : i32
    %sign3A_612 = arith.extui %sign3A_611 : i1 to i32
    %sign3A_613 = arith.constant 0 : i32
    %sign3A_614 = arith.cmpi slt, %jit3A_601, %sign3A_613 : i32
    %sign3A_615 = arith.extui %sign3A_614 : i1 to i32
    %sign3A_616 = arith.subi %sign3A_612, %sign3A_615 : i32
    %ne3A_617 = arith.cmpi ne, %sign3A_609, %sign3A_616 : i32
    %rem3A_618 = arith.remsi %add3A, %jit3A_601 : i32
    %ne3A_619 = arith.constant 0 : i32
    %ne3A_620 = arith.cmpi ne, %rem3A_618, %ne3A_619 : i32
    %and3A_621 = arith.andi %ne3A_617, %ne3A_620 : i1
    %sub3A_622 = arith.constant 1 : i32
    %sub3A_623 = arith.subi %div3A_602, %sub3A_622 : i32
    %select_n3A_624 = arith.select %and3A_621, %sub3A_623, %div3A_602 : i32
    %jit3A_625 = arith.constant 8 : i32
    %eq3A_626 = arith.constant 0 : i32
    %eq3A_627 = arith.cmpi eq, %jit3A_625, %eq3A_626 : i32
    %jit3A_628 = arith.constant 1 : i32
    %select_n3A_629 = arith.select %eq3A_627, %jit3A_628, %jit3A_625 : i32
    %rem3A_630 = arith.remsi %add3A, %select_n3A_629 : i32
    %ne3A_631 = arith.constant 0 : i32
    %ne3A_632 = arith.cmpi ne, %rem3A_630, %ne3A_631 : i32
    %lt3A_633 = arith.constant 0 : i32
    %lt3A_634 = arith.cmpi slt, %rem3A_630, %lt3A_633 : i32
    %lt3A_635 = arith.constant 0 : i32
    %lt3A_636 = arith.cmpi slt, %select_n3A_629, %lt3A_635 : i32
    %ne3A_637 = arith.xori %lt3A_634, %lt3A_636 : i1
    %and3A_638 = arith.andi %ne3A_637, %ne3A_632 : i1
    %add3A_639 = arith.addi %rem3A_630, %select_n3A_629 : i32
    %select_n3A_640 = arith.select %and3A_638, %add3A_639, %rem3A_630 : i32
    %mul3A_641 = arith.constant 256 : i32
    %mul3A_642 = arith.muli %select_n3A_640, %mul3A_641 : i32
    %add3A_643 = arith.constant 192 : i32
    %add3A_644 = arith.addi %mul3A_642, %add3A_643 : i32
    "tpu.region"() ({
      %run_scoped3A = tpu.sem_alloc : memref<!tpu.dma_semaphore, #tpu.memory_space<semaphore_mem>>
      %dma_start3A_908 = arith.constant 0 : i32
      %dma_start3A_909 = tpu.memref_slice %arg11[%dma_start3A_908] : memref<32xi32, #tpu.memory_space<vmem>> -> memref<32xi32, #tpu.memory_space<vmem>>
      %dma_start3A_910 = tpu.memref_slice %arg2[%select_n3A_624, %add3A_644] : memref<4x2048xi32, #tpu.memory_space<hbm>> -> memref<1x32xi32, #tpu.memory_space<hbm>>
      %dma_start3A_911 = tpu.memref_squeeze %dma_start3A_910 : memref<1x32xi32, #tpu.memory_space<hbm>> -> memref<32xi32, #tpu.memory_space<hbm>>
      %dma_start3A_912 = arith.constant 0 : i32
      %dma_start3A_913 = tpu.memref_slice %arg11[%dma_start3A_912] : memref<32xi32, #tpu.memory_space<vmem>> -> memref<32xi32, #tpu.memory_space<vmem>>
      %dma_start3A_914 = tpu.memref_slice %arg2[%select_n3A_624, %add3A_644] : memref<4x2048xi32, #tpu.memory_space<hbm>> -> memref<1x32xi32, #tpu.memory_space<hbm>>
      %dma_start3A_915 = tpu.memref_squeeze %dma_start3A_914 : memref<1x32xi32, #tpu.memory_space<hbm>> -> memref<32xi32, #tpu.memory_space<hbm>>
      tpu.enqueue_dma source(%dma_start3A_915 : memref<32xi32, #tpu.memory_space<hbm>>) target(%dma_start3A_913 : memref<32xi32, #tpu.memory_space<vmem>>) target_semaphore(%run_scoped3A : memref<!tpu.dma_semaphore, #tpu.memory_space<semaphore_mem>>)
      %dma_wait3A_916 = arith.constant 0 : i32
      %dma_wait3A_917 = tpu.memref_slice %arg11[%dma_wait3A_916] : memref<32xi32, #tpu.memory_space<vmem>> -> memref<32xi32, #tpu.memory_space<vmem>>
      %dma_wait3A_918 = tpu.memref_slice %arg2[%select_n3A_624, %add3A_644] : memref<4x2048xi32, #tpu.memory_space<hbm>> -> memref<1x32xi32, #tpu.memory_space<hbm>>
      %dma_wait3A_919 = tpu.memref_squeeze %dma_wait3A_918 : memref<1x32xi32, #tpu.memory_space<hbm>> -> memref<32xi32, #tpu.memory_space<hbm>>
      %dma_wait3A_920 = arith.constant 0 : i32
      %dma_wait3A_921 = tpu.memref_slice %arg11[%dma_wait3A_920] : memref<32xi32, #tpu.memory_space<vmem>> -> memref<32xi32, #tpu.memory_space<vmem>>
      %dma_wait3A_922 = tpu.memref_slice %arg2[%select_n3A_624, %add3A_644] : memref<4x2048xi32, #tpu.memory_space<hbm>> -> memref<1x32xi32, #tpu.memory_space<hbm>>
      %dma_wait3A_923 = tpu.memref_squeeze %dma_wait3A_922 : memref<1x32xi32, #tpu.memory_space<hbm>> -> memref<32xi32, #tpu.memory_space<hbm>>
      tpu.wait_dma2 semaphore(%run_scoped3A : memref<!tpu.dma_semaphore, #tpu.memory_space<semaphore_mem>>) src(%dma_wait3A_923 : memref<32xi32, #tpu.memory_space<hbm>>) dst(%dma_wait3A_921 : memref<32xi32, #tpu.memory_space<vmem>>)
      tpu.yield
    }) : () -> ()
    %dma_start3A_645 = arith.constant 0 : i32
    %dma_start3A_646 = arith.constant 0 : i32
    %dma_start3A_647 = tpu.memref_slice %arg8[%dma_start3A_645, %dma_start3A_646] : memref<32x1024xf32, #tpu.memory_space<vmem>> -> memref<32x1024xf32, #tpu.memory_space<vmem>>
    %dma_start3A_648 = arith.constant 0 : i32
    %dma_start3A_649 = tpu.memref_slice %arg11[%dma_start3A_648] : memref<32xi32, #tpu.memory_space<vmem>> -> memref<32xi32, #tpu.memory_space<vmem>>
    %dma_start3A_650 = arith.constant 0 : i32
    %dma_start3A_651 = arith.constant 0 : i32
    %dma_start3A_652 = tpu.memref_slice %arg3[%dma_start3A_650, %dma_start3A_651] : memref<100000x1024xf32, #tpu.memory_space<hbm>> -> memref<100000x1024xf32, #tpu.memory_space<hbm>>
    tpu.enqueue_indirect_dma source(%dma_start3A_652 : memref<100000x1024xf32, #tpu.memory_space<hbm>>) target(%dma_start3A_647 : memref<32x1024xf32, #tpu.memory_space<vmem>>) offsets(%dma_start3A_649 : memref<32xi32, #tpu.memory_space<vmem>>) semaphore(%arg14 : memref<!tpu.dma_semaphore, #tpu.memory_space<semaphore_mem>>)
    %dma_wait3A_653 = arith.constant 0 : i32
    %dma_wait3A_654 = arith.constant 0 : i32
    %dma_wait3A_655 = tpu.memref_slice %arg9[%dma_wait3A_653, %dma_wait3A_654] : memref<32x1024xf32, #tpu.memory_space<vmem>> -> memref<32x1024xf32, #tpu.memory_space<vmem>>
    %dma_wait3A_656 = arith.constant 0 : i32
    %dma_wait3A_657 = tpu.memref_slice %arg12[%dma_wait3A_656] : memref<32xi32, #tpu.memory_space<vmem>> -> memref<32xi32, #tpu.memory_space<vmem>>
    %dma_wait3A_658 = arith.constant 0 : i32
    %dma_wait3A_659 = arith.constant 0 : i32
    %dma_wait3A_660 = tpu.memref_slice %arg3[%dma_wait3A_658, %dma_wait3A_659] : memref<100000x1024xf32, #tpu.memory_space<hbm>> -> memref<100000x1024xf32, #tpu.memory_space<hbm>>
    tpu.wait_indirect_dma semaphore(%arg15 : memref<!tpu.dma_semaphore, #tpu.memory_space<semaphore_mem>>) src(%dma_wait3A_660 : memref<100000x1024xf32, #tpu.memory_space<hbm>>) dst(%dma_wait3A_655 : memref<32x1024xf32, #tpu.memory_space<vmem>>)
    %add3A_661 = arith.constant 128 : i32
    %add3A_662 = arith.addi %mul3A_2, %add3A_661 : i32
    %dma_start3A_663 = arith.constant 0 : i32
    %dma_start3A_664 = arith.constant 0 : i32
    %dma_start3A_665 = tpu.memref_slice %arg9[%dma_start3A_663, %dma_start3A_664] : memref<32x1024xf32, #tpu.memory_space<vmem>> -> memref<32x1024xf32, #tpu.memory_space<vmem>>
    %dma_start3A_666 = arith.constant 0 : i32
    %dma_start3A_667 = tpu.memref_slice %arg4[%add3A_662, %dma_start3A_666] : memref<8192x1024xf32, #tpu.memory_space<hbm>> -> memref<32x1024xf32, #tpu.memory_space<hbm>>
    %dma_start3A_668 = arith.constant 0 : i32
    %dma_start3A_669 = tpu.memref_slice %arg4[%add3A_662, %dma_start3A_668] : memref<8192x1024xf32, #tpu.memory_space<hbm>> -> memref<32x1024xf32, #tpu.memory_space<hbm>>
    %dma_start3A_670 = arith.constant 0 : i32
    %dma_start3A_671 = arith.constant 0 : i32
    %dma_start3A_672 = tpu.memref_slice %arg9[%dma_start3A_670, %dma_start3A_671] : memref<32x1024xf32, #tpu.memory_space<vmem>> -> memref<32x1024xf32, #tpu.memory_space<vmem>>
    tpu.enqueue_dma source(%dma_start3A_672 : memref<32x1024xf32, #tpu.memory_space<vmem>>) target(%dma_start3A_669 : memref<32x1024xf32, #tpu.memory_space<hbm>>) target_semaphore(%arg18 : memref<!tpu.dma_semaphore, #tpu.memory_space<semaphore_mem>>)
    %dma_wait3A_673 = arith.constant 0 : i32
    %dma_wait3A_674 = arith.constant 0 : i32
    %dma_wait3A_675 = tpu.memref_slice %arg9[%dma_wait3A_673, %dma_wait3A_674] : memref<32x1024xf32, #tpu.memory_space<vmem>> -> memref<32x1024xf32, #tpu.memory_space<vmem>>
    %dma_wait3A_676 = arith.constant 0 : i32
    %dma_wait3A_677 = tpu.memref_slice %arg4[%add3A_662, %dma_wait3A_676] : memref<8192x1024xf32, #tpu.memory_space<hbm>> -> memref<32x1024xf32, #tpu.memory_space<hbm>>
    %dma_wait3A_678 = arith.constant 0 : i32
    %dma_wait3A_679 = tpu.memref_slice %arg4[%add3A_662, %dma_wait3A_678] : memref<8192x1024xf32, #tpu.memory_space<hbm>> -> memref<32x1024xf32, #tpu.memory_space<hbm>>
    %dma_wait3A_680 = arith.constant 0 : i32
    %dma_wait3A_681 = arith.constant 0 : i32
    %dma_wait3A_682 = tpu.memref_slice %arg9[%dma_wait3A_680, %dma_wait3A_681] : memref<32x1024xf32, #tpu.memory_space<vmem>> -> memref<32x1024xf32, #tpu.memory_space<vmem>>
    tpu.wait_dma2 semaphore(%arg18 : memref<!tpu.dma_semaphore, #tpu.memory_space<semaphore_mem>>) src(%dma_wait3A_682 : memref<32x1024xf32, #tpu.memory_space<vmem>>) dst(%dma_wait3A_679 : memref<32x1024xf32, #tpu.memory_space<hbm>>)
    %jit3A_683 = arith.constant 8 : i32
    %div3A_684 = arith.divsi %add3A, %jit3A_683 : i32
    %sign3A_685 = arith.constant 0 : i32
    %sign3A_686 = arith.cmpi sgt, %add3A, %sign3A_685 : i32
    %sign3A_687 = arith.extui %sign3A_686 : i1 to i32
    %sign3A_688 = arith.constant 0 : i32
    %sign3A_689 = arith.cmpi slt, %add3A, %sign3A_688 : i32
    %sign3A_690 = arith.extui %sign3A_689 : i1 to i32
    %sign3A_691 = arith.subi %sign3A_687, %sign3A_690 : i32
    %sign3A_692 = arith.constant 0 : i32
    %sign3A_693 = arith.cmpi sgt, %jit3A_683, %sign3A_692 : i32
    %sign3A_694 = arith.extui %sign3A_693 : i1 to i32
    %sign3A_695 = arith.constant 0 : i32
    %sign3A_696 = arith.cmpi slt, %jit3A_683, %sign3A_695 : i32
    %sign3A_697 = arith.extui %sign3A_696 : i1 to i32
    %sign3A_698 = arith.subi %sign3A_694, %sign3A_697 : i32
    %ne3A_699 = arith.cmpi ne, %sign3A_691, %sign3A_698 : i32
    %rem3A_700 = arith.remsi %add3A, %jit3A_683 : i32
    %ne3A_701 = arith.constant 0 : i32
    %ne3A_702 = arith.cmpi ne, %rem3A_700, %ne3A_701 : i32
    %and3A_703 = arith.andi %ne3A_699, %ne3A_702 : i1
    %sub3A_704 = arith.constant 1 : i32
    %sub3A_705 = arith.subi %div3A_684, %sub3A_704 : i32
    %select_n3A_706 = arith.select %and3A_703, %sub3A_705, %div3A_684 : i32
    %jit3A_707 = arith.constant 8 : i32
    %eq3A_708 = arith.constant 0 : i32
    %eq3A_709 = arith.cmpi eq, %jit3A_707, %eq3A_708 : i32
    %jit3A_710 = arith.constant 1 : i32
    %select_n3A_711 = arith.select %eq3A_709, %jit3A_710, %jit3A_707 : i32
    %rem3A_712 = arith.remsi %add3A, %select_n3A_711 : i32
    %ne3A_713 = arith.constant 0 : i32
    %ne3A_714 = arith.cmpi ne, %rem3A_712, %ne3A_713 : i32
    %lt3A_715 = arith.constant 0 : i32
    %lt3A_716 = arith.cmpi slt, %rem3A_712, %lt3A_715 : i32
    %lt3A_717 = arith.constant 0 : i32
    %lt3A_718 = arith.cmpi slt, %select_n3A_711, %lt3A_717 : i32
    %ne3A_719 = arith.xori %lt3A_716, %lt3A_718 : i1
    %and3A_720 = arith.andi %ne3A_719, %ne3A_714 : i1
    %add3A_721 = arith.addi %rem3A_712, %select_n3A_711 : i32
    %select_n3A_722 = arith.select %and3A_720, %add3A_721, %rem3A_712 : i32
    %mul3A_723 = arith.constant 256 : i32
    %mul3A_724 = arith.muli %select_n3A_722, %mul3A_723 : i32
    %add3A_725 = arith.constant 224 : i32
    %add3A_726 = arith.addi %mul3A_724, %add3A_725 : i32
    "tpu.region"() ({
      %run_scoped3A = tpu.sem_alloc : memref<!tpu.dma_semaphore, #tpu.memory_space<semaphore_mem>>
      %dma_start3A_908 = arith.constant 0 : i32
      %dma_start3A_909 = tpu.memref_slice %arg12[%dma_start3A_908] : memref<32xi32, #tpu.memory_space<vmem>> -> memref<16xi32, #tpu.memory_space<vmem>>
      %dma_start3A_910 = tpu.memref_slice %arg2[%select_n3A_706, %add3A_726] : memref<4x2048xi32, #tpu.memory_space<hbm>> -> memref<1x16xi32, #tpu.memory_space<hbm>>
      %dma_start3A_911 = tpu.memref_squeeze %dma_start3A_910 : memref<1x16xi32, #tpu.memory_space<hbm>> -> memref<16xi32, #tpu.memory_space<hbm>>
      %dma_start3A_912 = arith.constant 0 : i32
      %dma_start3A_913 = tpu.memref_slice %arg12[%dma_start3A_912] : memref<32xi32, #tpu.memory_space<vmem>> -> memref<16xi32, #tpu.memory_space<vmem>>
      %dma_start3A_914 = tpu.memref_slice %arg2[%select_n3A_706, %add3A_726] : memref<4x2048xi32, #tpu.memory_space<hbm>> -> memref<1x16xi32, #tpu.memory_space<hbm>>
      %dma_start3A_915 = tpu.memref_squeeze %dma_start3A_914 : memref<1x16xi32, #tpu.memory_space<hbm>> -> memref<16xi32, #tpu.memory_space<hbm>>
      tpu.enqueue_dma source(%dma_start3A_915 : memref<16xi32, #tpu.memory_space<hbm>>) target(%dma_start3A_913 : memref<16xi32, #tpu.memory_space<vmem>>) target_semaphore(%run_scoped3A : memref<!tpu.dma_semaphore, #tpu.memory_space<semaphore_mem>>)
      %dma_wait3A_916 = arith.constant 0 : i32
      %dma_wait3A_917 = tpu.memref_slice %arg12[%dma_wait3A_916] : memref<32xi32, #tpu.memory_space<vmem>> -> memref<16xi32, #tpu.memory_space<vmem>>
      %dma_wait3A_918 = tpu.memref_slice %arg2[%select_n3A_706, %add3A_726] : memref<4x2048xi32, #tpu.memory_space<hbm>> -> memref<1x16xi32, #tpu.memory_space<hbm>>
      %dma_wait3A_919 = tpu.memref_squeeze %dma_wait3A_918 : memref<1x16xi32, #tpu.memory_space<hbm>> -> memref<16xi32, #tpu.memory_space<hbm>>
      %dma_wait3A_920 = arith.constant 0 : i32
      %dma_wait3A_921 = tpu.memref_slice %arg12[%dma_wait3A_920] : memref<32xi32, #tpu.memory_space<vmem>> -> memref<16xi32, #tpu.memory_space<vmem>>
      %dma_wait3A_922 = tpu.memref_slice %arg2[%select_n3A_706, %add3A_726] : memref<4x2048xi32, #tpu.memory_space<hbm>> -> memref<1x16xi32, #tpu.memory_space<hbm>>
      %dma_wait3A_923 = tpu.memref_squeeze %dma_wait3A_922 : memref<1x16xi32, #tpu.memory_space<hbm>> -> memref<16xi32, #tpu.memory_space<hbm>>
      tpu.wait_dma2 semaphore(%run_scoped3A : memref<!tpu.dma_semaphore, #tpu.memory_space<semaphore_mem>>) src(%dma_wait3A_923 : memref<16xi32, #tpu.memory_space<hbm>>) dst(%dma_wait3A_921 : memref<16xi32, #tpu.memory_space<vmem>>)
      tpu.yield
    }) : () -> ()
    %dma_start3A_727 = arith.constant 0 : i32
    %dma_start3A_728 = arith.constant 0 : i32
    %dma_start3A_729 = tpu.memref_slice %arg9[%dma_start3A_727, %dma_start3A_728] : memref<32x1024xf32, #tpu.memory_space<vmem>> -> memref<16x1024xf32, #tpu.memory_space<vmem>>
    %dma_start3A_730 = arith.constant 0 : i32
    %dma_start3A_731 = tpu.memref_slice %arg12[%dma_start3A_730] : memref<32xi32, #tpu.memory_space<vmem>> -> memref<16xi32, #tpu.memory_space<vmem>>
    %dma_start3A_732 = arith.constant 0 : i32
    %dma_start3A_733 = arith.constant 0 : i32
    %dma_start3A_734 = tpu.memref_slice %arg3[%dma_start3A_732, %dma_start3A_733] : memref<100000x1024xf32, #tpu.memory_space<hbm>> -> memref<100000x1024xf32, #tpu.memory_space<hbm>>
    tpu.enqueue_indirect_dma source(%dma_start3A_734 : memref<100000x1024xf32, #tpu.memory_space<hbm>>) target(%dma_start3A_729 : memref<16x1024xf32, #tpu.memory_space<vmem>>) offsets(%dma_start3A_731 : memref<16xi32, #tpu.memory_space<vmem>>) semaphore(%arg15 : memref<!tpu.dma_semaphore, #tpu.memory_space<semaphore_mem>>)
    %dma_wait3A_735 = arith.constant 0 : i32
    %dma_wait3A_736 = arith.constant 0 : i32
    %dma_wait3A_737 = tpu.memref_slice %arg7[%dma_wait3A_735, %dma_wait3A_736] : memref<32x1024xf32, #tpu.memory_space<vmem>> -> memref<32x1024xf32, #tpu.memory_space<vmem>>
    %dma_wait3A_738 = arith.constant 0 : i32
    %dma_wait3A_739 = tpu.memref_slice %arg10[%dma_wait3A_738] : memref<32xi32, #tpu.memory_space<vmem>> -> memref<32xi32, #tpu.memory_space<vmem>>
    %dma_wait3A_740 = arith.constant 0 : i32
    %dma_wait3A_741 = arith.constant 0 : i32
    %dma_wait3A_742 = tpu.memref_slice %arg3[%dma_wait3A_740, %dma_wait3A_741] : memref<100000x1024xf32, #tpu.memory_space<hbm>> -> memref<100000x1024xf32, #tpu.memory_space<hbm>>
    tpu.wait_indirect_dma semaphore(%arg13 : memref<!tpu.dma_semaphore, #tpu.memory_space<semaphore_mem>>) src(%dma_wait3A_742 : memref<100000x1024xf32, #tpu.memory_space<hbm>>) dst(%dma_wait3A_737 : memref<32x1024xf32, #tpu.memory_space<vmem>>)
    %add3A_743 = arith.constant 160 : i32
    %add3A_744 = arith.addi %mul3A_2, %add3A_743 : i32
    %dma_start3A_745 = arith.constant 0 : i32
    %dma_start3A_746 = arith.constant 0 : i32
    %dma_start3A_747 = tpu.memref_slice %arg7[%dma_start3A_745, %dma_start3A_746] : memref<32x1024xf32, #tpu.memory_space<vmem>> -> memref<32x1024xf32, #tpu.memory_space<vmem>>
    %dma_start3A_748 = arith.constant 0 : i32
    %dma_start3A_749 = tpu.memref_slice %arg4[%add3A_744, %dma_start3A_748] : memref<8192x1024xf32, #tpu.memory_space<hbm>> -> memref<32x1024xf32, #tpu.memory_space<hbm>>
    %dma_start3A_750 = arith.constant 0 : i32
    %dma_start3A_751 = tpu.memref_slice %arg4[%add3A_744, %dma_start3A_750] : memref<8192x1024xf32, #tpu.memory_space<hbm>> -> memref<32x1024xf32, #tpu.memory_space<hbm>>
    %dma_start3A_752 = arith.constant 0 : i32
    %dma_start3A_753 = arith.constant 0 : i32
    %dma_start3A_754 = tpu.memref_slice %arg7[%dma_start3A_752, %dma_start3A_753] : memref<32x1024xf32, #tpu.memory_space<vmem>> -> memref<32x1024xf32, #tpu.memory_space<vmem>>
    tpu.enqueue_dma source(%dma_start3A_754 : memref<32x1024xf32, #tpu.memory_space<vmem>>) target(%dma_start3A_751 : memref<32x1024xf32, #tpu.memory_space<hbm>>) target_semaphore(%arg16 : memref<!tpu.dma_semaphore, #tpu.memory_space<semaphore_mem>>)
    %dma_wait3A_755 = arith.constant 0 : i32
    %dma_wait3A_756 = arith.constant 0 : i32
    %dma_wait3A_757 = tpu.memref_slice %arg7[%dma_wait3A_755, %dma_wait3A_756] : memref<32x1024xf32, #tpu.memory_space<vmem>> -> memref<32x1024xf32, #tpu.memory_space<vmem>>
    %dma_wait3A_758 = arith.constant 0 : i32
    %dma_wait3A_759 = tpu.memref_slice %arg4[%add3A_744, %dma_wait3A_758] : memref<8192x1024xf32, #tpu.memory_space<hbm>> -> memref<32x1024xf32, #tpu.memory_space<hbm>>
    %dma_wait3A_760 = arith.constant 0 : i32
    %dma_wait3A_761 = tpu.memref_slice %arg4[%add3A_744, %dma_wait3A_760] : memref<8192x1024xf32, #tpu.memory_space<hbm>> -> memref<32x1024xf32, #tpu.memory_space<hbm>>
    %dma_wait3A_762 = arith.constant 0 : i32
    %dma_wait3A_763 = arith.constant 0 : i32
    %dma_wait3A_764 = tpu.memref_slice %arg7[%dma_wait3A_762, %dma_wait3A_763] : memref<32x1024xf32, #tpu.memory_space<vmem>> -> memref<32x1024xf32, #tpu.memory_space<vmem>>
    tpu.wait_dma2 semaphore(%arg16 : memref<!tpu.dma_semaphore, #tpu.memory_space<semaphore_mem>>) src(%dma_wait3A_764 : memref<32x1024xf32, #tpu.memory_space<vmem>>) dst(%dma_wait3A_761 : memref<32x1024xf32, #tpu.memory_space<hbm>>)
    %jit3A_765 = arith.constant 8 : i32
    %div3A_766 = arith.divsi %add3A, %jit3A_765 : i32
    %sign3A_767 = arith.constant 0 : i32
    %sign3A_768 = arith.cmpi sgt, %add3A, %sign3A_767 : i32
    %sign3A_769 = arith.extui %sign3A_768 : i1 to i32
    %sign3A_770 = arith.constant 0 : i32
    %sign3A_771 = arith.cmpi slt, %add3A, %sign3A_770 : i32
    %sign3A_772 = arith.extui %sign3A_771 : i1 to i32
    %sign3A_773 = arith.subi %sign3A_769, %sign3A_772 : i32
    %sign3A_774 = arith.constant 0 : i32
    %sign3A_775 = arith.cmpi sgt, %jit3A_765, %sign3A_774 : i32
    %sign3A_776 = arith.extui %sign3A_775 : i1 to i32
    %sign3A_777 = arith.constant 0 : i32
    %sign3A_778 = arith.cmpi slt, %jit3A_765, %sign3A_777 : i32
    %sign3A_779 = arith.extui %sign3A_778 : i1 to i32
    %sign3A_780 = arith.subi %sign3A_776, %sign3A_779 : i32
    %ne3A_781 = arith.cmpi ne, %sign3A_773, %sign3A_780 : i32
    %rem3A_782 = arith.remsi %add3A, %jit3A_765 : i32
    %ne3A_783 = arith.constant 0 : i32
    %ne3A_784 = arith.cmpi ne, %rem3A_782, %ne3A_783 : i32
    %and3A_785 = arith.andi %ne3A_781, %ne3A_784 : i1
    %sub3A_786 = arith.constant 1 : i32
    %sub3A_787 = arith.subi %div3A_766, %sub3A_786 : i32
    %select_n3A_788 = arith.select %and3A_785, %sub3A_787, %div3A_766 : i32
    %jit3A_789 = arith.constant 8 : i32
    %eq3A_790 = arith.constant 0 : i32
    %eq3A_791 = arith.cmpi eq, %jit3A_789, %eq3A_790 : i32
    %jit3A_792 = arith.constant 1 : i32
    %select_n3A_793 = arith.select %eq3A_791, %jit3A_792, %jit3A_789 : i32
    %rem3A_794 = arith.remsi %add3A, %select_n3A_793 : i32
    %ne3A_795 = arith.constant 0 : i32
    %ne3A_796 = arith.cmpi ne, %rem3A_794, %ne3A_795 : i32
    %lt3A_797 = arith.constant 0 : i32
    %lt3A_798 = arith.cmpi slt, %rem3A_794, %lt3A_797 : i32
    %lt3A_799 = arith.constant 0 : i32
    %lt3A_800 = arith.cmpi slt, %select_n3A_793, %lt3A_799 : i32
    %ne3A_801 = arith.xori %lt3A_798, %lt3A_800 : i1
    %and3A_802 = arith.andi %ne3A_801, %ne3A_796 : i1
    %add3A_803 = arith.addi %rem3A_794, %select_n3A_793 : i32
    %select_n3A_804 = arith.select %and3A_802, %add3A_803, %rem3A_794 : i32
    %mul3A_805 = arith.constant 256 : i32
    %mul3A_806 = arith.muli %select_n3A_804, %mul3A_805 : i32
    %add3A_807 = arith.constant 240 : i32
    %add3A_808 = arith.addi %mul3A_806, %add3A_807 : i32
    "tpu.region"() ({
      %run_scoped3A = tpu.sem_alloc : memref<!tpu.dma_semaphore, #tpu.memory_space<semaphore_mem>>
      %dma_start3A_908 = arith.constant 0 : i32
      %dma_start3A_909 = tpu.memref_slice %arg10[%dma_start3A_908] : memref<32xi32, #tpu.memory_space<vmem>> -> memref<16xi32, #tpu.memory_space<vmem>>
      %dma_start3A_910 = tpu.memref_slice %arg2[%select_n3A_788, %add3A_808] : memref<4x2048xi32, #tpu.memory_space<hbm>> -> memref<1x16xi32, #tpu.memory_space<hbm>>
      %dma_start3A_911 = tpu.memref_squeeze %dma_start3A_910 : memref<1x16xi32, #tpu.memory_space<hbm>> -> memref<16xi32, #tpu.memory_space<hbm>>
      %dma_start3A_912 = arith.constant 0 : i32
      %dma_start3A_913 = tpu.memref_slice %arg10[%dma_start3A_912] : memref<32xi32, #tpu.memory_space<vmem>> -> memref<16xi32, #tpu.memory_space<vmem>>
      %dma_start3A_914 = tpu.memref_slice %arg2[%select_n3A_788, %add3A_808] : memref<4x2048xi32, #tpu.memory_space<hbm>> -> memref<1x16xi32, #tpu.memory_space<hbm>>
      %dma_start3A_915 = tpu.memref_squeeze %dma_start3A_914 : memref<1x16xi32, #tpu.memory_space<hbm>> -> memref<16xi32, #tpu.memory_space<hbm>>
      tpu.enqueue_dma source(%dma_start3A_915 : memref<16xi32, #tpu.memory_space<hbm>>) target(%dma_start3A_913 : memref<16xi32, #tpu.memory_space<vmem>>) target_semaphore(%run_scoped3A : memref<!tpu.dma_semaphore, #tpu.memory_space<semaphore_mem>>)
      %dma_wait3A_916 = arith.constant 0 : i32
      %dma_wait3A_917 = tpu.memref_slice %arg10[%dma_wait3A_916] : memref<32xi32, #tpu.memory_space<vmem>> -> memref<16xi32, #tpu.memory_space<vmem>>
      %dma_wait3A_918 = tpu.memref_slice %arg2[%select_n3A_788, %add3A_808] : memref<4x2048xi32, #tpu.memory_space<hbm>> -> memref<1x16xi32, #tpu.memory_space<hbm>>
      %dma_wait3A_919 = tpu.memref_squeeze %dma_wait3A_918 : memref<1x16xi32, #tpu.memory_space<hbm>> -> memref<16xi32, #tpu.memory_space<hbm>>
      %dma_wait3A_920 = arith.constant 0 : i32
      %dma_wait3A_921 = tpu.memref_slice %arg10[%dma_wait3A_920] : memref<32xi32, #tpu.memory_space<vmem>> -> memref<16xi32, #tpu.memory_space<vmem>>
      %dma_wait3A_922 = tpu.memref_slice %arg2[%select_n3A_788, %add3A_808] : memref<4x2048xi32, #tpu.memory_space<hbm>> -> memref<1x16xi32, #tpu.memory_space<hbm>>
      %dma_wait3A_923 = tpu.memref_squeeze %dma_wait3A_922 : memref<1x16xi32, #tpu.memory_space<hbm>> -> memref<16xi32, #tpu.memory_space<hbm>>
      tpu.wait_dma2 semaphore(%run_scoped3A : memref<!tpu.dma_semaphore, #tpu.memory_space<semaphore_mem>>) src(%dma_wait3A_923 : memref<16xi32, #tpu.memory_space<hbm>>) dst(%dma_wait3A_921 : memref<16xi32, #tpu.memory_space<vmem>>)
      tpu.yield
    }) : () -> ()
    %dma_start3A_809 = arith.constant 0 : i32
    %dma_start3A_810 = arith.constant 0 : i32
    %dma_start3A_811 = tpu.memref_slice %arg7[%dma_start3A_809, %dma_start3A_810] : memref<32x1024xf32, #tpu.memory_space<vmem>> -> memref<16x1024xf32, #tpu.memory_space<vmem>>
    %dma_start3A_812 = arith.constant 0 : i32
    %dma_start3A_813 = tpu.memref_slice %arg10[%dma_start3A_812] : memref<32xi32, #tpu.memory_space<vmem>> -> memref<16xi32, #tpu.memory_space<vmem>>
    %dma_start3A_814 = arith.constant 0 : i32
    %dma_start3A_815 = arith.constant 0 : i32
    %dma_start3A_816 = tpu.memref_slice %arg3[%dma_start3A_814, %dma_start3A_815] : memref<100000x1024xf32, #tpu.memory_space<hbm>> -> memref<100000x1024xf32, #tpu.memory_space<hbm>>
    tpu.enqueue_indirect_dma source(%dma_start3A_816 : memref<100000x1024xf32, #tpu.memory_space<hbm>>) target(%dma_start3A_811 : memref<16x1024xf32, #tpu.memory_space<vmem>>) offsets(%dma_start3A_813 : memref<16xi32, #tpu.memory_space<vmem>>) semaphore(%arg13 : memref<!tpu.dma_semaphore, #tpu.memory_space<semaphore_mem>>)
    %dma_wait3A_817 = arith.constant 0 : i32
    %dma_wait3A_818 = arith.constant 0 : i32
    %dma_wait3A_819 = tpu.memref_slice %arg8[%dma_wait3A_817, %dma_wait3A_818] : memref<32x1024xf32, #tpu.memory_space<vmem>> -> memref<32x1024xf32, #tpu.memory_space<vmem>>
    %dma_wait3A_820 = arith.constant 0 : i32
    %dma_wait3A_821 = tpu.memref_slice %arg11[%dma_wait3A_820] : memref<32xi32, #tpu.memory_space<vmem>> -> memref<32xi32, #tpu.memory_space<vmem>>
    %dma_wait3A_822 = arith.constant 0 : i32
    %dma_wait3A_823 = arith.constant 0 : i32
    %dma_wait3A_824 = tpu.memref_slice %arg3[%dma_wait3A_822, %dma_wait3A_823] : memref<100000x1024xf32, #tpu.memory_space<hbm>> -> memref<100000x1024xf32, #tpu.memory_space<hbm>>
    tpu.wait_indirect_dma semaphore(%arg14 : memref<!tpu.dma_semaphore, #tpu.memory_space<semaphore_mem>>) src(%dma_wait3A_824 : memref<100000x1024xf32, #tpu.memory_space<hbm>>) dst(%dma_wait3A_819 : memref<32x1024xf32, #tpu.memory_space<vmem>>)
    %add3A_825 = arith.constant 192 : i32
    %add3A_826 = arith.addi %mul3A_2, %add3A_825 : i32
    %dma_start3A_827 = arith.constant 0 : i32
    %dma_start3A_828 = arith.constant 0 : i32
    %dma_start3A_829 = tpu.memref_slice %arg8[%dma_start3A_827, %dma_start3A_828] : memref<32x1024xf32, #tpu.memory_space<vmem>> -> memref<32x1024xf32, #tpu.memory_space<vmem>>
    %dma_start3A_830 = arith.constant 0 : i32
    %dma_start3A_831 = tpu.memref_slice %arg4[%add3A_826, %dma_start3A_830] : memref<8192x1024xf32, #tpu.memory_space<hbm>> -> memref<32x1024xf32, #tpu.memory_space<hbm>>
    %dma_start3A_832 = arith.constant 0 : i32
    %dma_start3A_833 = tpu.memref_slice %arg4[%add3A_826, %dma_start3A_832] : memref<8192x1024xf32, #tpu.memory_space<hbm>> -> memref<32x1024xf32, #tpu.memory_space<hbm>>
    %dma_start3A_834 = arith.constant 0 : i32
    %dma_start3A_835 = arith.constant 0 : i32
    %dma_start3A_836 = tpu.memref_slice %arg8[%dma_start3A_834, %dma_start3A_835] : memref<32x1024xf32, #tpu.memory_space<vmem>> -> memref<32x1024xf32, #tpu.memory_space<vmem>>
    tpu.enqueue_dma source(%dma_start3A_836 : memref<32x1024xf32, #tpu.memory_space<vmem>>) target(%dma_start3A_833 : memref<32x1024xf32, #tpu.memory_space<hbm>>) target_semaphore(%arg17 : memref<!tpu.dma_semaphore, #tpu.memory_space<semaphore_mem>>)
    %dma_wait3A_837 = arith.constant 0 : i32
    %dma_wait3A_838 = arith.constant 0 : i32
    %dma_wait3A_839 = tpu.memref_slice %arg9[%dma_wait3A_837, %dma_wait3A_838] : memref<32x1024xf32, #tpu.memory_space<vmem>> -> memref<16x1024xf32, #tpu.memory_space<vmem>>
    %dma_wait3A_840 = arith.constant 0 : i32
    %dma_wait3A_841 = tpu.memref_slice %arg12[%dma_wait3A_840] : memref<32xi32, #tpu.memory_space<vmem>> -> memref<16xi32, #tpu.memory_space<vmem>>
    %dma_wait3A_842 = arith.constant 0 : i32
    %dma_wait3A_843 = arith.constant 0 : i32
    %dma_wait3A_844 = tpu.memref_slice %arg3[%dma_wait3A_842, %dma_wait3A_843] : memref<100000x1024xf32, #tpu.memory_space<hbm>> -> memref<100000x1024xf32, #tpu.memory_space<hbm>>
    tpu.wait_indirect_dma semaphore(%arg15 : memref<!tpu.dma_semaphore, #tpu.memory_space<semaphore_mem>>) src(%dma_wait3A_844 : memref<100000x1024xf32, #tpu.memory_space<hbm>>) dst(%dma_wait3A_839 : memref<16x1024xf32, #tpu.memory_space<vmem>>)
    %add3A_845 = arith.constant 224 : i32
    %add3A_846 = arith.addi %mul3A_2, %add3A_845 : i32
    %dma_start3A_847 = arith.constant 0 : i32
    %dma_start3A_848 = arith.constant 0 : i32
    %dma_start3A_849 = tpu.memref_slice %arg9[%dma_start3A_847, %dma_start3A_848] : memref<32x1024xf32, #tpu.memory_space<vmem>> -> memref<16x1024xf32, #tpu.memory_space<vmem>>
    %dma_start3A_850 = arith.constant 0 : i32
    %dma_start3A_851 = tpu.memref_slice %arg4[%add3A_846, %dma_start3A_850] : memref<8192x1024xf32, #tpu.memory_space<hbm>> -> memref<16x1024xf32, #tpu.memory_space<hbm>>
    %dma_start3A_852 = arith.constant 0 : i32
    %dma_start3A_853 = tpu.memref_slice %arg4[%add3A_846, %dma_start3A_852] : memref<8192x1024xf32, #tpu.memory_space<hbm>> -> memref<16x1024xf32, #tpu.memory_space<hbm>>
    %dma_start3A_854 = arith.constant 0 : i32
    %dma_start3A_855 = arith.constant 0 : i32
    %dma_start3A_856 = tpu.memref_slice %arg9[%dma_start3A_854, %dma_start3A_855] : memref<32x1024xf32, #tpu.memory_space<vmem>> -> memref<16x1024xf32, #tpu.memory_space<vmem>>
    tpu.enqueue_dma source(%dma_start3A_856 : memref<16x1024xf32, #tpu.memory_space<vmem>>) target(%dma_start3A_853 : memref<16x1024xf32, #tpu.memory_space<hbm>>) target_semaphore(%arg18 : memref<!tpu.dma_semaphore, #tpu.memory_space<semaphore_mem>>)
    %dma_wait3A_857 = arith.constant 0 : i32
    %dma_wait3A_858 = arith.constant 0 : i32
    %dma_wait3A_859 = tpu.memref_slice %arg7[%dma_wait3A_857, %dma_wait3A_858] : memref<32x1024xf32, #tpu.memory_space<vmem>> -> memref<16x1024xf32, #tpu.memory_space<vmem>>
    %dma_wait3A_860 = arith.constant 0 : i32
    %dma_wait3A_861 = tpu.memref_slice %arg10[%dma_wait3A_860] : memref<32xi32, #tpu.memory_space<vmem>> -> memref<16xi32, #tpu.memory_space<vmem>>
    %dma_wait3A_862 = arith.constant 0 : i32
    %dma_wait3A_863 = arith.constant 0 : i32
    %dma_wait3A_864 = tpu.memref_slice %arg3[%dma_wait3A_862, %dma_wait3A_863] : memref<100000x1024xf32, #tpu.memory_space<hbm>> -> memref<100000x1024xf32, #tpu.memory_space<hbm>>
    tpu.wait_indirect_dma semaphore(%arg13 : memref<!tpu.dma_semaphore, #tpu.memory_space<semaphore_mem>>) src(%dma_wait3A_864 : memref<100000x1024xf32, #tpu.memory_space<hbm>>) dst(%dma_wait3A_859 : memref<16x1024xf32, #tpu.memory_space<vmem>>)
    %add3A_865 = arith.constant 240 : i32
    %add3A_866 = arith.addi %mul3A_2, %add3A_865 : i32
    %dma_start3A_867 = arith.constant 0 : i32
    %dma_start3A_868 = arith.constant 0 : i32
    %dma_start3A_869 = tpu.memref_slice %arg7[%dma_start3A_867, %dma_start3A_868] : memref<32x1024xf32, #tpu.memory_space<vmem>> -> memref<16x1024xf32, #tpu.memory_space<vmem>>
    %dma_start3A_870 = arith.constant 0 : i32
    %dma_start3A_871 = tpu.memref_slice %arg4[%add3A_866, %dma_start3A_870] : memref<8192x1024xf32, #tpu.memory_space<hbm>> -> memref<16x1024xf32, #tpu.memory_space<hbm>>
    %dma_start3A_872 = arith.constant 0 : i32
    %dma_start3A_873 = tpu.memref_slice %arg4[%add3A_866, %dma_start3A_872] : memref<8192x1024xf32, #tpu.memory_space<hbm>> -> memref<16x1024xf32, #tpu.memory_space<hbm>>
    %dma_start3A_874 = arith.constant 0 : i32
    %dma_start3A_875 = arith.constant 0 : i32
    %dma_start3A_876 = tpu.memref_slice %arg7[%dma_start3A_874, %dma_start3A_875] : memref<32x1024xf32, #tpu.memory_space<vmem>> -> memref<16x1024xf32, #tpu.memory_space<vmem>>
    tpu.enqueue_dma source(%dma_start3A_876 : memref<16x1024xf32, #tpu.memory_space<vmem>>) target(%dma_start3A_873 : memref<16x1024xf32, #tpu.memory_space<hbm>>) target_semaphore(%arg16 : memref<!tpu.dma_semaphore, #tpu.memory_space<semaphore_mem>>)
    %dma_wait3A_877 = arith.constant 0 : i32
    %dma_wait3A_878 = arith.constant 0 : i32
    %dma_wait3A_879 = tpu.memref_slice %arg8[%dma_wait3A_877, %dma_wait3A_878] : memref<32x1024xf32, #tpu.memory_space<vmem>> -> memref<32x1024xf32, #tpu.memory_space<vmem>>
    %dma_wait3A_880 = arith.constant 0 : i32
    %dma_wait3A_881 = tpu.memref_slice %arg4[%add3A_826, %dma_wait3A_880] : memref<8192x1024xf32, #tpu.memory_space<hbm>> -> memref<32x1024xf32, #tpu.memory_space<hbm>>
    %dma_wait3A_882 = arith.constant 0 : i32
    %dma_wait3A_883 = tpu.memref_slice %arg4[%add3A_826, %dma_wait3A_882] : memref<8192x1024xf32, #tpu.memory_space<hbm>> -> memref<32x1024xf32, #tpu.memory_space<hbm>>
    %dma_wait3A_884 = arith.constant 0 : i32
    %dma_wait3A_885 = arith.constant 0 : i32
    %dma_wait3A_886 = tpu.memref_slice %arg8[%dma_wait3A_884, %dma_wait3A_885] : memref<32x1024xf32, #tpu.memory_space<vmem>> -> memref<32x1024xf32, #tpu.memory_space<vmem>>
    tpu.wait_dma2 semaphore(%arg17 : memref<!tpu.dma_semaphore, #tpu.memory_space<semaphore_mem>>) src(%dma_wait3A_886 : memref<32x1024xf32, #tpu.memory_space<vmem>>) dst(%dma_wait3A_883 : memref<32x1024xf32, #tpu.memory_space<hbm>>)
    %dma_wait3A_887 = arith.constant 0 : i32
    %dma_wait3A_888 = arith.constant 0 : i32
    %dma_wait3A_889 = tpu.memref_slice %arg9[%dma_wait3A_887, %dma_wait3A_888] : memref<32x1024xf32, #tpu.memory_space<vmem>> -> memref<16x1024xf32, #tpu.memory_space<vmem>>
    %dma_wait3A_890 = arith.constant 0 : i32
    %dma_wait3A_891 = tpu.memref_slice %arg4[%add3A_846, %dma_wait3A_890] : memref<8192x1024xf32, #tpu.memory_space<hbm>> -> memref<16x1024xf32, #tpu.memory_space<hbm>>
    %dma_wait3A_892 = arith.constant 0 : i32
    %dma_wait3A_893 = tpu.memref_slice %arg4[%add3A_846, %dma_wait3A_892] : memref<8192x1024xf32, #tpu.memory_space<hbm>> -> memref<16x1024xf32, #tpu.memory_space<hbm>>
    %dma_wait3A_894 = arith.constant 0 : i32
    %dma_wait3A_895 = arith.constant 0 : i32
    %dma_wait3A_896 = tpu.memref_slice %arg9[%dma_wait3A_894, %dma_wait3A_895] : memref<32x1024xf32, #tpu.memory_space<vmem>> -> memref<16x1024xf32, #tpu.memory_space<vmem>>
    tpu.wait_dma2 semaphore(%arg18 : memref<!tpu.dma_semaphore, #tpu.memory_space<semaphore_mem>>) src(%dma_wait3A_896 : memref<16x1024xf32, #tpu.memory_space<vmem>>) dst(%dma_wait3A_893 : memref<16x1024xf32, #tpu.memory_space<hbm>>)
    %dma_wait3A_897 = arith.constant 0 : i32
    %dma_wait3A_898 = arith.constant 0 : i32
    %dma_wait3A_899 = tpu.memref_slice %arg7[%dma_wait3A_897, %dma_wait3A_898] : memref<32x1024xf32, #tpu.memory_space<vmem>> -> memref<16x1024xf32, #tpu.memory_space<vmem>>
    %dma_wait3A_900 = arith.constant 0 : i32
    %dma_wait3A_901 = tpu.memref_slice %arg4[%add3A_866, %dma_wait3A_900] : memref<8192x1024xf32, #tpu.memory_space<hbm>> -> memref<16x1024xf32, #tpu.memory_space<hbm>>
    %dma_wait3A_902 = arith.constant 0 : i32
    %dma_wait3A_903 = tpu.memref_slice %arg4[%add3A_866, %dma_wait3A_902] : memref<8192x1024xf32, #tpu.memory_space<hbm>> -> memref<16x1024xf32, #tpu.memory_space<hbm>>
    %dma_wait3A_904 = arith.constant 0 : i32
    %dma_wait3A_905 = arith.constant 0 : i32
    %dma_wait3A_906 = tpu.memref_slice %arg7[%dma_wait3A_904, %dma_wait3A_905] : memref<32x1024xf32, #tpu.memory_space<vmem>> -> memref<16x1024xf32, #tpu.memory_space<vmem>>
    tpu.wait_dma2 semaphore(%arg16 : memref<!tpu.dma_semaphore, #tpu.memory_space<semaphore_mem>>) src(%dma_wait3A_906 : memref<16x1024xf32, #tpu.memory_space<vmem>>) dst(%dma_wait3A_903 : memref<16x1024xf32, #tpu.memory_space<hbm>>)
    %convert_element_type3A = arith.extui %eq3A_243 : i1 to i32
    %cond3A = arith.constant 0 : i32
    %cond3A_907 = arith.cmpi ne, %convert_element_type3A, %cond3A : i32
    scf.if %cond3A_907 {
      %broadcast_in_dim3A = arith.constant 0.000000e+00 : f32
      %broadcast_in_dim3A_908 = vector.broadcast %broadcast_in_dim3A : f32 to vector<16xf32>
      %swap3A = arith.constant 0 : i32
      %swap3A_909 = arith.index_cast %swap3A : i32 to index
      %swap3A_910 = arith.constant 0 : index
      %swap3A_911 = tpu.vector_load %arg6[%swap3A_909, %swap3A_910] {strides = array<i32>} : memref<1x1024xf32, #tpu.memory_space<vmem>>, vector<16xf32>,
      tpu.vector_store %arg6[%swap3A_909, %swap3A_910], %broadcast_in_dim3A_908 {strides = array<i32>} : memref<1x1024xf32, #tpu.memory_space<vmem>>, vector<16xf32>,
      %swap3A_912 = arith.constant 0 : i32
      %swap3A_913 = arith.index_cast %swap3A_912 : i32 to index
      %swap3A_914 = arith.constant 16 : index
      %swap3A_915 = tpu.vector_load %arg6[%swap3A_913, %swap3A_914] {strides = array<i32>} : memref<1x1024xf32, #tpu.memory_space<vmem>>, vector<16xf32>,
      tpu.vector_store %arg6[%swap3A_913, %swap3A_914], %broadcast_in_dim3A_908 {strides = array<i32>} : memref<1x1024xf32, #tpu.memory_space<vmem>>, vector<16xf32>,
      %swap3A_916 = arith.constant 0 : i32
      %swap3A_917 = arith.index_cast %swap3A_916 : i32 to index
      %swap3A_918 = arith.constant 32 : index
      %swap3A_919 = tpu.vector_load %arg6[%swap3A_917, %swap3A_918] {strides = array<i32>} : memref<1x1024xf32, #tpu.memory_space<vmem>>, vector<16xf32>,
      tpu.vector_store %arg6[%swap3A_917, %swap3A_918], %broadcast_in_dim3A_908 {strides = array<i32>} : memref<1x1024xf32, #tpu.memory_space<vmem>>, vector<16xf32>,
      %swap3A_920 = arith.constant 0 : i32
      %swap3A_921 = arith.index_cast %swap3A_920 : i32 to index
      %swap3A_922 = arith.constant 48 : index
      %swap3A_923 = tpu.vector_load %arg6[%swap3A_921, %swap3A_922] {strides = array<i32>} : memref<1x1024xf32, #tpu.memory_space<vmem>>, vector<16xf32>,
      tpu.vector_store %arg6[%swap3A_921, %swap3A_922], %broadcast_in_dim3A_908 {strides = array<i32>} : memref<1x1024xf32, #tpu.memory_space<vmem>>, vector<16xf32>,
      %swap3A_924 = arith.constant 0 : i32
      %swap3A_925 = arith.index_cast %swap3A_924 : i32 to index
      %swap3A_926 = arith.constant 64 : index
      %swap3A_927 = tpu.vector_load %arg6[%swap3A_925, %swap3A_926] {strides = array<i32>} : memref<1x1024xf32, #tpu.memory_space<vmem>>, vector<16xf32>,
      tpu.vector_store %arg6[%swap3A_925, %swap3A_926], %broadcast_in_dim3A_908 {strides = array<i32>} : memref<1x1024xf32, #tpu.memory_space<vmem>>, vector<16xf32>,
      %swap3A_928 = arith.constant 0 : i32
      %swap3A_929 = arith.index_cast %swap3A_928 : i32 to index
      %swap3A_930 = arith.constant 80 : index
      %swap3A_931 = tpu.vector_load %arg6[%swap3A_929, %swap3A_930] {strides = array<i32>} : memref<1x1024xf32, #tpu.memory_space<vmem>>, vector<16xf32>,
      tpu.vector_store %arg6[%swap3A_929, %swap3A_930], %broadcast_in_dim3A_908 {strides = array<i32>} : memref<1x1024xf32, #tpu.memory_space<vmem>>, vector<16xf32>,
      %swap3A_932 = arith.constant 0 : i32
      %swap3A_933 = arith.index_cast %swap3A_932 : i32 to index
      %swap3A_934 = arith.constant 96 : index
      %swap3A_935 = tpu.vector_load %arg6[%swap3A_933, %swap3A_934] {strides = array<i32>} : memref<1x1024xf32, #tpu.memory_space<vmem>>, vector<16xf32>,
      tpu.vector_store %arg6[%swap3A_933, %swap3A_934], %broadcast_in_dim3A_908 {strides = array<i32>} : memref<1x1024xf32, #tpu.memory_space<vmem>>, vector<16xf32>,
      %swap3A_936 = arith.constant 0 : i32
      %swap3A_937 = arith.index_cast %swap3A_936 : i32 to index
      %swap3A_938 = arith.constant 112 : index
      %swap3A_939 = tpu.vector_load %arg6[%swap3A_937, %swap3A_938] {strides = array<i32>} : memref<1x1024xf32, #tpu.memory_space<vmem>>, vector<16xf32>,
      tpu.vector_store %arg6[%swap3A_937, %swap3A_938], %broadcast_in_dim3A_908 {strides = array<i32>} : memref<1x1024xf32, #tpu.memory_space<vmem>>, vector<16xf32>,
      %swap3A_940 = arith.constant 0 : i32
      %swap3A_941 = arith.index_cast %swap3A_940 : i32 to index
      %swap3A_942 = arith.constant 128 : index
      %swap3A_943 = tpu.vector_load %arg6[%swap3A_941, %swap3A_942] {strides = array<i32>} : memref<1x1024xf32, #tpu.memory_space<vmem>>, vector<16xf32>,
      tpu.vector_store %arg6[%swap3A_941, %swap3A_942], %broadcast_in_dim3A_908 {strides = array<i32>} : memref<1x1024xf32, #tpu.memory_space<vmem>>, vector<16xf32>,
      %swap3A_944 = arith.constant 0 : i32
      %swap3A_945 = arith.index_cast %swap3A_944 : i32 to index
      %swap3A_946 = arith.constant 144 : index
      %swap3A_947 = tpu.vector_load %arg6[%swap3A_945, %swap3A_946] {strides = array<i32>} : memref<1x1024xf32, #tpu.memory_space<vmem>>, vector<16xf32>,
      tpu.vector_store %arg6[%swap3A_945, %swap3A_946], %broadcast_in_dim3A_908 {strides = array<i32>} : memref<1x1024xf32, #tpu.memory_space<vmem>>, vector<16xf32>,
      %swap3A_948 = arith.constant 0 : i32
      %swap3A_949 = arith.index_cast %swap3A_948 : i32 to index
      %swap3A_950 = arith.constant 160 : index
      %swap3A_951 = tpu.vector_load %arg6[%swap3A_949, %swap3A_950] {strides = array<i32>} : memref<1x1024xf32, #tpu.memory_space<vmem>>, vector<16xf32>,
      tpu.vector_store %arg6[%swap3A_949, %swap3A_950], %broadcast_in_dim3A_908 {strides = array<i32>} : memref<1x1024xf32, #tpu.memory_space<vmem>>, vector<16xf32>,
      %swap3A_952 = arith.constant 0 : i32
      %swap3A_953 = arith.index_cast %swap3A_952 : i32 to index
      %swap3A_954 = arith.constant 176 : index
      %swap3A_955 = tpu.vector_load %arg6[%swap3A_953, %swap3A_954] {strides = array<i32>} : memref<1x1024xf32, #tpu.memory_space<vmem>>, vector<16xf32>,
      tpu.vector_store %arg6[%swap3A_953, %swap3A_954], %broadcast_in_dim3A_908 {strides = array<i32>} : memref<1x1024xf32, #tpu.memory_space<vmem>>, vector<16xf32>,
      %swap3A_956 = arith.constant 0 : i32
      %swap3A_957 = arith.index_cast %swap3A_956 : i32 to index
      %swap3A_958 = arith.constant 192 : index
      %swap3A_959 = tpu.vector_load %arg6[%swap3A_957, %swap3A_958] {strides = array<i32>} : memref<1x1024xf32, #tpu.memory_space<vmem>>, vector<16xf32>,
      tpu.vector_store %arg6[%swap3A_957, %swap3A_958], %broadcast_in_dim3A_908 {strides = array<i32>} : memref<1x1024xf32, #tpu.memory_space<vmem>>, vector<16xf32>,
      %swap3A_960 = arith.constant 0 : i32
      %swap3A_961 = arith.index_cast %swap3A_960 : i32 to index
      %swap3A_962 = arith.constant 208 : index
      %swap3A_963 = tpu.vector_load %arg6[%swap3A_961, %swap3A_962] {strides = array<i32>} : memref<1x1024xf32, #tpu.memory_space<vmem>>, vector<16xf32>,
      tpu.vector_store %arg6[%swap3A_961, %swap3A_962], %broadcast_in_dim3A_908 {strides = array<i32>} : memref<1x1024xf32, #tpu.memory_space<vmem>>, vector<16xf32>,
      %swap3A_964 = arith.constant 0 : i32
      %swap3A_965 = arith.index_cast %swap3A_964 : i32 to index
      %swap3A_966 = arith.constant 224 : index
      %swap3A_967 = tpu.vector_load %arg6[%swap3A_965, %swap3A_966] {strides = array<i32>} : memref<1x1024xf32, #tpu.memory_space<vmem>>, vector<16xf32>,
      tpu.vector_store %arg6[%swap3A_965, %swap3A_966], %broadcast_in_dim3A_908 {strides = array<i32>} : memref<1x1024xf32, #tpu.memory_space<vmem>>, vector<16xf32>,
      %swap3A_968 = arith.constant 0 : i32
      %swap3A_969 = arith.index_cast %swap3A_968 : i32 to index
      %swap3A_970 = arith.constant 240 : index
      %swap3A_971 = tpu.vector_load %arg6[%swap3A_969, %swap3A_970] {strides = array<i32>} : memref<1x1024xf32, #tpu.memory_space<vmem>>, vector<16xf32>,
      tpu.vector_store %arg6[%swap3A_969, %swap3A_970], %broadcast_in_dim3A_908 {strides = array<i32>} : memref<1x1024xf32, #tpu.memory_space<vmem>>, vector<16xf32>,
      %swap3A_972 = arith.constant 0 : i32
      %swap3A_973 = arith.index_cast %swap3A_972 : i32 to index
      %swap3A_974 = arith.constant 256 : index
      %swap3A_975 = tpu.vector_load %arg6[%swap3A_973, %swap3A_974] {strides = array<i32>} : memref<1x1024xf32, #tpu.memory_space<vmem>>, vector<16xf32>,
      tpu.vector_store %arg6[%swap3A_973, %swap3A_974], %broadcast_in_dim3A_908 {strides = array<i32>} : memref<1x1024xf32, #tpu.memory_space<vmem>>, vector<16xf32>,
      %swap3A_976 = arith.constant 0 : i32
      %swap3A_977 = arith.index_cast %swap3A_976 : i32 to index
      %swap3A_978 = arith.constant 272 : index
      %swap3A_979 = tpu.vector_load %arg6[%swap3A_977, %swap3A_978] {strides = array<i32>} : memref<1x1024xf32, #tpu.memory_space<vmem>>, vector<16xf32>,
      tpu.vector_store %arg6[%swap3A_977, %swap3A_978], %broadcast_in_dim3A_908 {strides = array<i32>} : memref<1x1024xf32, #tpu.memory_space<vmem>>, vector<16xf32>,
      %swap3A_980 = arith.constant 0 : i32
      %swap3A_981 = arith.index_cast %swap3A_980 : i32 to index
      %swap3A_982 = arith.constant 288 : index
      %swap3A_983 = tpu.vector_load %arg6[%swap3A_981, %swap3A_982] {strides = array<i32>} : memref<1x1024xf32, #tpu.memory_space<vmem>>, vector<16xf32>,
      tpu.vector_store %arg6[%swap3A_981, %swap3A_982], %broadcast_in_dim3A_908 {strides = array<i32>} : memref<1x1024xf32, #tpu.memory_space<vmem>>, vector<16xf32>,
      %swap3A_984 = arith.constant 0 : i32
      %swap3A_985 = arith.index_cast %swap3A_984 : i32 to index
      %swap3A_986 = arith.constant 304 : index
      %swap3A_987 = tpu.vector_load %arg6[%swap3A_985, %swap3A_986] {strides = array<i32>} : memref<1x1024xf32, #tpu.memory_space<vmem>>, vector<16xf32>,
      tpu.vector_store %arg6[%swap3A_985, %swap3A_986], %broadcast_in_dim3A_908 {strides = array<i32>} : memref<1x1024xf32, #tpu.memory_space<vmem>>, vector<16xf32>,
      %swap3A_988 = arith.constant 0 : i32
      %swap3A_989 = arith.index_cast %swap3A_988 : i32 to index
      %swap3A_990 = arith.constant 320 : index
      %swap3A_991 = tpu.vector_load %arg6[%swap3A_989, %swap3A_990] {strides = array<i32>} : memref<1x1024xf32, #tpu.memory_space<vmem>>, vector<16xf32>,
      tpu.vector_store %arg6[%swap3A_989, %swap3A_990], %broadcast_in_dim3A_908 {strides = array<i32>} : memref<1x1024xf32, #tpu.memory_space<vmem>>, vector<16xf32>,
      %swap3A_992 = arith.constant 0 : i32
      %swap3A_993 = arith.index_cast %swap3A_992 : i32 to index
      %swap3A_994 = arith.constant 336 : index
      %swap3A_995 = tpu.vector_load %arg6[%swap3A_993, %swap3A_994] {strides = array<i32>} : memref<1x1024xf32, #tpu.memory_space<vmem>>, vector<16xf32>,
      tpu.vector_store %arg6[%swap3A_993, %swap3A_994], %broadcast_in_dim3A_908 {strides = array<i32>} : memref<1x1024xf32, #tpu.memory_space<vmem>>, vector<16xf32>,
      %swap3A_996 = arith.constant 0 : i32
      %swap3A_997 = arith.index_cast %swap3A_996 : i32 to index
      %swap3A_998 = arith.constant 352 : index
      %swap3A_999 = tpu.vector_load %arg6[%swap3A_997, %swap3A_998] {strides = array<i32>} : memref<1x1024xf32, #tpu.memory_space<vmem>>, vector<16xf32>,
      tpu.vector_store %arg6[%swap3A_997, %swap3A_998], %broadcast_in_dim3A_908 {strides = array<i32>} : memref<1x1024xf32, #tpu.memory_space<vmem>>, vector<16xf32>,
      %swap3A_1000 = arith.constant 0 : i32
      %swap3A_1001 = arith.index_cast %swap3A_1000 : i32 to index
      %swap3A_1002 = arith.constant 368 : index
      %swap3A_1003 = tpu.vector_load %arg6[%swap3A_1001, %swap3A_1002] {strides = array<i32>} : memref<1x1024xf32, #tpu.memory_space<vmem>>, vector<16xf32>,
      tpu.vector_store %arg6[%swap3A_1001, %swap3A_1002], %broadcast_in_dim3A_908 {strides = array<i32>} : memref<1x1024xf32, #tpu.memory_space<vmem>>, vector<16xf32>,
      %swap3A_1004 = arith.constant 0 : i32
      %swap3A_1005 = arith.index_cast %swap3A_1004 : i32 to index
      %swap3A_1006 = arith.constant 384 : index
      %swap3A_1007 = tpu.vector_load %arg6[%swap3A_1005, %swap3A_1006] {strides = array<i32>} : memref<1x1024xf32, #tpu.memory_space<vmem>>, vector<16xf32>,
      tpu.vector_store %arg6[%swap3A_1005, %swap3A_1006], %broadcast_in_dim3A_908 {strides = array<i32>} : memref<1x1024xf32, #tpu.memory_space<vmem>>, vector<16xf32>,
      %swap3A_1008 = arith.constant 0 : i32
      %swap3A_1009 = arith.index_cast %swap3A_1008 : i32 to index
      %swap3A_1010 = arith.constant 400 : index
      %swap3A_1011 = tpu.vector_load %arg6[%swap3A_1009, %swap3A_1010] {strides = array<i32>} : memref<1x1024xf32, #tpu.memory_space<vmem>>, vector<16xf32>,
      tpu.vector_store %arg6[%swap3A_1009, %swap3A_1010], %broadcast_in_dim3A_908 {strides = array<i32>} : memref<1x1024xf32, #tpu.memory_space<vmem>>, vector<16xf32>,
      %swap3A_1012 = arith.constant 0 : i32
      %swap3A_1013 = arith.index_cast %swap3A_1012 : i32 to index
      %swap3A_1014 = arith.constant 416 : index
      %swap3A_1015 = tpu.vector_load %arg6[%swap3A_1013, %swap3A_1014] {strides = array<i32>} : memref<1x1024xf32, #tpu.memory_space<vmem>>, vector<16xf32>,
      tpu.vector_store %arg6[%swap3A_1013, %swap3A_1014], %broadcast_in_dim3A_908 {strides = array<i32>} : memref<1x1024xf32, #tpu.memory_space<vmem>>, vector<16xf32>,
      %swap3A_1016 = arith.constant 0 : i32
      %swap3A_1017 = arith.index_cast %swap3A_1016 : i32 to index
      %swap3A_1018 = arith.constant 432 : index
      %swap3A_1019 = tpu.vector_load %arg6[%swap3A_1017, %swap3A_1018] {strides = array<i32>} : memref<1x1024xf32, #tpu.memory_space<vmem>>, vector<16xf32>,
      tpu.vector_store %arg6[%swap3A_1017, %swap3A_1018], %broadcast_in_dim3A_908 {strides = array<i32>} : memref<1x1024xf32, #tpu.memory_space<vmem>>, vector<16xf32>,
      %swap3A_1020 = arith.constant 0 : i32
      %swap3A_1021 = arith.index_cast %swap3A_1020 : i32 to index
      %swap3A_1022 = arith.constant 448 : index
      %swap3A_1023 = tpu.vector_load %arg6[%swap3A_1021, %swap3A_1022] {strides = array<i32>} : memref<1x1024xf32, #tpu.memory_space<vmem>>, vector<16xf32>,
      tpu.vector_store %arg6[%swap3A_1021, %swap3A_1022], %broadcast_in_dim3A_908 {strides = array<i32>} : memref<1x1024xf32, #tpu.memory_space<vmem>>, vector<16xf32>,
      %swap3A_1024 = arith.constant 0 : i32
      %swap3A_1025 = arith.index_cast %swap3A_1024 : i32 to index
      %swap3A_1026 = arith.constant 464 : index
      %swap3A_1027 = tpu.vector_load %arg6[%swap3A_1025, %swap3A_1026] {strides = array<i32>} : memref<1x1024xf32, #tpu.memory_space<vmem>>, vector<16xf32>,
      tpu.vector_store %arg6[%swap3A_1025, %swap3A_1026], %broadcast_in_dim3A_908 {strides = array<i32>} : memref<1x1024xf32, #tpu.memory_space<vmem>>, vector<16xf32>,
      %swap3A_1028 = arith.constant 0 : i32
      %swap3A_1029 = arith.index_cast %swap3A_1028 : i32 to index
      %swap3A_1030 = arith.constant 480 : index
      %swap3A_1031 = tpu.vector_load %arg6[%swap3A_1029, %swap3A_1030] {strides = array<i32>} : memref<1x1024xf32, #tpu.memory_space<vmem>>, vector<16xf32>,
      tpu.vector_store %arg6[%swap3A_1029, %swap3A_1030], %broadcast_in_dim3A_908 {strides = array<i32>} : memref<1x1024xf32, #tpu.memory_space<vmem>>, vector<16xf32>,
      %swap3A_1032 = arith.constant 0 : i32
      %swap3A_1033 = arith.index_cast %swap3A_1032 : i32 to index
      %swap3A_1034 = arith.constant 496 : index
      %swap3A_1035 = tpu.vector_load %arg6[%swap3A_1033, %swap3A_1034] {strides = array<i32>} : memref<1x1024xf32, #tpu.memory_space<vmem>>, vector<16xf32>,
      tpu.vector_store %arg6[%swap3A_1033, %swap3A_1034], %broadcast_in_dim3A_908 {strides = array<i32>} : memref<1x1024xf32, #tpu.memory_space<vmem>>, vector<16xf32>,
      %swap3A_1036 = arith.constant 0 : i32
      %swap3A_1037 = arith.index_cast %swap3A_1036 : i32 to index
      %swap3A_1038 = arith.constant 512 : index
      %swap3A_1039 = tpu.vector_load %arg6[%swap3A_1037, %swap3A_1038] {strides = array<i32>} : memref<1x1024xf32, #tpu.memory_space<vmem>>, vector<16xf32>,
      tpu.vector_store %arg6[%swap3A_1037, %swap3A_1038], %broadcast_in_dim3A_908 {strides = array<i32>} : memref<1x1024xf32, #tpu.memory_space<vmem>>, vector<16xf32>,
      %swap3A_1040 = arith.constant 0 : i32
      %swap3A_1041 = arith.index_cast %swap3A_1040 : i32 to index
      %swap3A_1042 = arith.constant 528 : index
      %swap3A_1043 = tpu.vector_load %arg6[%swap3A_1041, %swap3A_1042] {strides = array<i32>} : memref<1x1024xf32, #tpu.memory_space<vmem>>, vector<16xf32>,
      tpu.vector_store %arg6[%swap3A_1041, %swap3A_1042], %broadcast_in_dim3A_908 {strides = array<i32>} : memref<1x1024xf32, #tpu.memory_space<vmem>>, vector<16xf32>,
      %swap3A_1044 = arith.constant 0 : i32
      %swap3A_1045 = arith.index_cast %swap3A_1044 : i32 to index
      %swap3A_1046 = arith.constant 544 : index
      %swap3A_1047 = tpu.vector_load %arg6[%swap3A_1045, %swap3A_1046] {strides = array<i32>} : memref<1x1024xf32, #tpu.memory_space<vmem>>, vector<16xf32>,
      tpu.vector_store %arg6[%swap3A_1045, %swap3A_1046], %broadcast_in_dim3A_908 {strides = array<i32>} : memref<1x1024xf32, #tpu.memory_space<vmem>>, vector<16xf32>,
      %swap3A_1048 = arith.constant 0 : i32
      %swap3A_1049 = arith.index_cast %swap3A_1048 : i32 to index
      %swap3A_1050 = arith.constant 560 : index
      %swap3A_1051 = tpu.vector_load %arg6[%swap3A_1049, %swap3A_1050] {strides = array<i32>} : memref<1x1024xf32, #tpu.memory_space<vmem>>, vector<16xf32>,
      tpu.vector_store %arg6[%swap3A_1049, %swap3A_1050], %broadcast_in_dim3A_908 {strides = array<i32>} : memref<1x1024xf32, #tpu.memory_space<vmem>>, vector<16xf32>,
      %swap3A_1052 = arith.constant 0 : i32
      %swap3A_1053 = arith.index_cast %swap3A_1052 : i32 to index
      %swap3A_1054 = arith.constant 576 : index
      %swap3A_1055 = tpu.vector_load %arg6[%swap3A_1053, %swap3A_1054] {strides = array<i32>} : memref<1x1024xf32, #tpu.memory_space<vmem>>, vector<16xf32>,
      tpu.vector_store %arg6[%swap3A_1053, %swap3A_1054], %broadcast_in_dim3A_908 {strides = array<i32>} : memref<1x1024xf32, #tpu.memory_space<vmem>>, vector<16xf32>,
      %swap3A_1056 = arith.constant 0 : i32
      %swap3A_1057 = arith.index_cast %swap3A_1056 : i32 to index
      %swap3A_1058 = arith.constant 592 : index
      %swap3A_1059 = tpu.vector_load %arg6[%swap3A_1057, %swap3A_1058] {strides = array<i32>} : memref<1x1024xf32, #tpu.memory_space<vmem>>, vector<16xf32>,
      tpu.vector_store %arg6[%swap3A_1057, %swap3A_1058], %broadcast_in_dim3A_908 {strides = array<i32>} : memref<1x1024xf32, #tpu.memory_space<vmem>>, vector<16xf32>,
      %swap3A_1060 = arith.constant 0 : i32
      %swap3A_1061 = arith.index_cast %swap3A_1060 : i32 to index
      %swap3A_1062 = arith.constant 608 : index
      %swap3A_1063 = tpu.vector_load %arg6[%swap3A_1061, %swap3A_1062] {strides = array<i32>} : memref<1x1024xf32, #tpu.memory_space<vmem>>, vector<16xf32>,
      tpu.vector_store %arg6[%swap3A_1061, %swap3A_1062], %broadcast_in_dim3A_908 {strides = array<i32>} : memref<1x1024xf32, #tpu.memory_space<vmem>>, vector<16xf32>,
      %swap3A_1064 = arith.constant 0 : i32
      %swap3A_1065 = arith.index_cast %swap3A_1064 : i32 to index
      %swap3A_1066 = arith.constant 624 : index
      %swap3A_1067 = tpu.vector_load %arg6[%swap3A_1065, %swap3A_1066] {strides = array<i32>} : memref<1x1024xf32, #tpu.memory_space<vmem>>, vector<16xf32>,
      tpu.vector_store %arg6[%swap3A_1065, %swap3A_1066], %broadcast_in_dim3A_908 {strides = array<i32>} : memref<1x1024xf32, #tpu.memory_space<vmem>>, vector<16xf32>,
      %swap3A_1068 = arith.constant 0 : i32
      %swap3A_1069 = arith.index_cast %swap3A_1068 : i32 to index
      %swap3A_1070 = arith.constant 640 : index
      %swap3A_1071 = tpu.vector_load %arg6[%swap3A_1069, %swap3A_1070] {strides = array<i32>} : memref<1x1024xf32, #tpu.memory_space<vmem>>, vector<16xf32>,
      tpu.vector_store %arg6[%swap3A_1069, %swap3A_1070], %broadcast_in_dim3A_908 {strides = array<i32>} : memref<1x1024xf32, #tpu.memory_space<vmem>>, vector<16xf32>,
      %swap3A_1072 = arith.constant 0 : i32
      %swap3A_1073 = arith.index_cast %swap3A_1072 : i32 to index
      %swap3A_1074 = arith.constant 656 : index
      %swap3A_1075 = tpu.vector_load %arg6[%swap3A_1073, %swap3A_1074] {strides = array<i32>} : memref<1x1024xf32, #tpu.memory_space<vmem>>, vector<16xf32>,
      tpu.vector_store %arg6[%swap3A_1073, %swap3A_1074], %broadcast_in_dim3A_908 {strides = array<i32>} : memref<1x1024xf32, #tpu.memory_space<vmem>>, vector<16xf32>,
      %swap3A_1076 = arith.constant 0 : i32
      %swap3A_1077 = arith.index_cast %swap3A_1076 : i32 to index
      %swap3A_1078 = arith.constant 672 : index
      %swap3A_1079 = tpu.vector_load %arg6[%swap3A_1077, %swap3A_1078] {strides = array<i32>} : memref<1x1024xf32, #tpu.memory_space<vmem>>, vector<16xf32>,
      tpu.vector_store %arg6[%swap3A_1077, %swap3A_1078], %broadcast_in_dim3A_908 {strides = array<i32>} : memref<1x1024xf32, #tpu.memory_space<vmem>>, vector<16xf32>,
      %swap3A_1080 = arith.constant 0 : i32
      %swap3A_1081 = arith.index_cast %swap3A_1080 : i32 to index
      %swap3A_1082 = arith.constant 688 : index
      %swap3A_1083 = tpu.vector_load %arg6[%swap3A_1081, %swap3A_1082] {strides = array<i32>} : memref<1x1024xf32, #tpu.memory_space<vmem>>, vector<16xf32>,
      tpu.vector_store %arg6[%swap3A_1081, %swap3A_1082], %broadcast_in_dim3A_908 {strides = array<i32>} : memref<1x1024xf32, #tpu.memory_space<vmem>>, vector<16xf32>,
      %swap3A_1084 = arith.constant 0 : i32
      %swap3A_1085 = arith.index_cast %swap3A_1084 : i32 to index
      %swap3A_1086 = arith.constant 704 : index
      %swap3A_1087 = tpu.vector_load %arg6[%swap3A_1085, %swap3A_1086] {strides = array<i32>} : memref<1x1024xf32, #tpu.memory_space<vmem>>, vector<16xf32>,
      tpu.vector_store %arg6[%swap3A_1085, %swap3A_1086], %broadcast_in_dim3A_908 {strides = array<i32>} : memref<1x1024xf32, #tpu.memory_space<vmem>>, vector<16xf32>,
      %swap3A_1088 = arith.constant 0 : i32
      %swap3A_1089 = arith.index_cast %swap3A_1088 : i32 to index
      %swap3A_1090 = arith.constant 720 : index
      %swap3A_1091 = tpu.vector_load %arg6[%swap3A_1089, %swap3A_1090] {strides = array<i32>} : memref<1x1024xf32, #tpu.memory_space<vmem>>, vector<16xf32>,
      tpu.vector_store %arg6[%swap3A_1089, %swap3A_1090], %broadcast_in_dim3A_908 {strides = array<i32>} : memref<1x1024xf32, #tpu.memory_space<vmem>>, vector<16xf32>,
      %swap3A_1092 = arith.constant 0 : i32
      %swap3A_1093 = arith.index_cast %swap3A_1092 : i32 to index
      %swap3A_1094 = arith.constant 736 : index
      %swap3A_1095 = tpu.vector_load %arg6[%swap3A_1093, %swap3A_1094] {strides = array<i32>} : memref<1x1024xf32, #tpu.memory_space<vmem>>, vector<16xf32>,
      tpu.vector_store %arg6[%swap3A_1093, %swap3A_1094], %broadcast_in_dim3A_908 {strides = array<i32>} : memref<1x1024xf32, #tpu.memory_space<vmem>>, vector<16xf32>,
      %swap3A_1096 = arith.constant 0 : i32
      %swap3A_1097 = arith.index_cast %swap3A_1096 : i32 to index
      %swap3A_1098 = arith.constant 752 : index
      %swap3A_1099 = tpu.vector_load %arg6[%swap3A_1097, %swap3A_1098] {strides = array<i32>} : memref<1x1024xf32, #tpu.memory_space<vmem>>, vector<16xf32>,
      tpu.vector_store %arg6[%swap3A_1097, %swap3A_1098], %broadcast_in_dim3A_908 {strides = array<i32>} : memref<1x1024xf32, #tpu.memory_space<vmem>>, vector<16xf32>,
      %swap3A_1100 = arith.constant 0 : i32
      %swap3A_1101 = arith.index_cast %swap3A_1100 : i32 to index
      %swap3A_1102 = arith.constant 768 : index
      %swap3A_1103 = tpu.vector_load %arg6[%swap3A_1101, %swap3A_1102] {strides = array<i32>} : memref<1x1024xf32, #tpu.memory_space<vmem>>, vector<16xf32>,
      tpu.vector_store %arg6[%swap3A_1101, %swap3A_1102], %broadcast_in_dim3A_908 {strides = array<i32>} : memref<1x1024xf32, #tpu.memory_space<vmem>>, vector<16xf32>,
      %swap3A_1104 = arith.constant 0 : i32
      %swap3A_1105 = arith.index_cast %swap3A_1104 : i32 to index
      %swap3A_1106 = arith.constant 784 : index
      %swap3A_1107 = tpu.vector_load %arg6[%swap3A_1105, %swap3A_1106] {strides = array<i32>} : memref<1x1024xf32, #tpu.memory_space<vmem>>, vector<16xf32>,
      tpu.vector_store %arg6[%swap3A_1105, %swap3A_1106], %broadcast_in_dim3A_908 {strides = array<i32>} : memref<1x1024xf32, #tpu.memory_space<vmem>>, vector<16xf32>,
      %swap3A_1108 = arith.constant 0 : i32
      %swap3A_1109 = arith.index_cast %swap3A_1108 : i32 to index
      %swap3A_1110 = arith.constant 800 : index
      %swap3A_1111 = tpu.vector_load %arg6[%swap3A_1109, %swap3A_1110] {strides = array<i32>} : memref<1x1024xf32, #tpu.memory_space<vmem>>, vector<16xf32>,
      tpu.vector_store %arg6[%swap3A_1109, %swap3A_1110], %broadcast_in_dim3A_908 {strides = array<i32>} : memref<1x1024xf32, #tpu.memory_space<vmem>>, vector<16xf32>,
      %swap3A_1112 = arith.constant 0 : i32
      %swap3A_1113 = arith.index_cast %swap3A_1112 : i32 to index
      %swap3A_1114 = arith.constant 816 : index
      %swap3A_1115 = tpu.vector_load %arg6[%swap3A_1113, %swap3A_1114] {strides = array<i32>} : memref<1x1024xf32, #tpu.memory_space<vmem>>, vector<16xf32>,
      tpu.vector_store %arg6[%swap3A_1113, %swap3A_1114], %broadcast_in_dim3A_908 {strides = array<i32>} : memref<1x1024xf32, #tpu.memory_space<vmem>>, vector<16xf32>,
      %swap3A_1116 = arith.constant 0 : i32
      %swap3A_1117 = arith.index_cast %swap3A_1116 : i32 to index
      %swap3A_1118 = arith.constant 832 : index
      %swap3A_1119 = tpu.vector_load %arg6[%swap3A_1117, %swap3A_1118] {strides = array<i32>} : memref<1x1024xf32, #tpu.memory_space<vmem>>, vector<16xf32>,
      tpu.vector_store %arg6[%swap3A_1117, %swap3A_1118], %broadcast_in_dim3A_908 {strides = array<i32>} : memref<1x1024xf32, #tpu.memory_space<vmem>>, vector<16xf32>,
      %swap3A_1120 = arith.constant 0 : i32
      %swap3A_1121 = arith.index_cast %swap3A_1120 : i32 to index
      %swap3A_1122 = arith.constant 848 : index
      %swap3A_1123 = tpu.vector_load %arg6[%swap3A_1121, %swap3A_1122] {strides = array<i32>} : memref<1x1024xf32, #tpu.memory_space<vmem>>, vector<16xf32>,
      tpu.vector_store %arg6[%swap3A_1121, %swap3A_1122], %broadcast_in_dim3A_908 {strides = array<i32>} : memref<1x1024xf32, #tpu.memory_space<vmem>>, vector<16xf32>,
      %swap3A_1124 = arith.constant 0 : i32
      %swap3A_1125 = arith.index_cast %swap3A_1124 : i32 to index
      %swap3A_1126 = arith.constant 864 : index
      %swap3A_1127 = tpu.vector_load %arg6[%swap3A_1125, %swap3A_1126] {strides = array<i32>} : memref<1x1024xf32, #tpu.memory_space<vmem>>, vector<16xf32>,
      tpu.vector_store %arg6[%swap3A_1125, %swap3A_1126], %broadcast_in_dim3A_908 {strides = array<i32>} : memref<1x1024xf32, #tpu.memory_space<vmem>>, vector<16xf32>,
      %swap3A_1128 = arith.constant 0 : i32
      %swap3A_1129 = arith.index_cast %swap3A_1128 : i32 to index
      %swap3A_1130 = arith.constant 880 : index
      %swap3A_1131 = tpu.vector_load %arg6[%swap3A_1129, %swap3A_1130] {strides = array<i32>} : memref<1x1024xf32, #tpu.memory_space<vmem>>, vector<16xf32>,
      tpu.vector_store %arg6[%swap3A_1129, %swap3A_1130], %broadcast_in_dim3A_908 {strides = array<i32>} : memref<1x1024xf32, #tpu.memory_space<vmem>>, vector<16xf32>,
      %swap3A_1132 = arith.constant 0 : i32
      %swap3A_1133 = arith.index_cast %swap3A_1132 : i32 to index
      %swap3A_1134 = arith.constant 896 : index
      %swap3A_1135 = tpu.vector_load %arg6[%swap3A_1133, %swap3A_1134] {strides = array<i32>} : memref<1x1024xf32, #tpu.memory_space<vmem>>, vector<16xf32>,
      tpu.vector_store %arg6[%swap3A_1133, %swap3A_1134], %broadcast_in_dim3A_908 {strides = array<i32>} : memref<1x1024xf32, #tpu.memory_space<vmem>>, vector<16xf32>,
      %swap3A_1136 = arith.constant 0 : i32
      %swap3A_1137 = arith.index_cast %swap3A_1136 : i32 to index
      %swap3A_1138 = arith.constant 912 : index
      %swap3A_1139 = tpu.vector_load %arg6[%swap3A_1137, %swap3A_1138] {strides = array<i32>} : memref<1x1024xf32, #tpu.memory_space<vmem>>, vector<16xf32>,
      tpu.vector_store %arg6[%swap3A_1137, %swap3A_1138], %broadcast_in_dim3A_908 {strides = array<i32>} : memref<1x1024xf32, #tpu.memory_space<vmem>>, vector<16xf32>,
      %swap3A_1140 = arith.constant 0 : i32
      %swap3A_1141 = arith.index_cast %swap3A_1140 : i32 to index
      %swap3A_1142 = arith.constant 928 : index
      %swap3A_1143 = tpu.vector_load %arg6[%swap3A_1141, %swap3A_1142] {strides = array<i32>} : memref<1x1024xf32, #tpu.memory_space<vmem>>, vector<16xf32>,
      tpu.vector_store %arg6[%swap3A_1141, %swap3A_1142], %broadcast_in_dim3A_908 {strides = array<i32>} : memref<1x1024xf32, #tpu.memory_space<vmem>>, vector<16xf32>,
      %swap3A_1144 = arith.constant 0 : i32
      %swap3A_1145 = arith.index_cast %swap3A_1144 : i32 to index
      %swap3A_1146 = arith.constant 944 : index
      %swap3A_1147 = tpu.vector_load %arg6[%swap3A_1145, %swap3A_1146] {strides = array<i32>} : memref<1x1024xf32, #tpu.memory_space<vmem>>, vector<16xf32>,
      tpu.vector_store %arg6[%swap3A_1145, %swap3A_1146], %broadcast_in_dim3A_908 {strides = array<i32>} : memref<1x1024xf32, #tpu.memory_space<vmem>>, vector<16xf32>,
      %swap3A_1148 = arith.constant 0 : i32
      %swap3A_1149 = arith.index_cast %swap3A_1148 : i32 to index
      %swap3A_1150 = arith.constant 960 : index
      %swap3A_1151 = tpu.vector_load %arg6[%swap3A_1149, %swap3A_1150] {strides = array<i32>} : memref<1x1024xf32, #tpu.memory_space<vmem>>, vector<16xf32>,
      tpu.vector_store %arg6[%swap3A_1149, %swap3A_1150], %broadcast_in_dim3A_908 {strides = array<i32>} : memref<1x1024xf32, #tpu.memory_space<vmem>>, vector<16xf32>,
      %swap3A_1152 = arith.constant 0 : i32
      %swap3A_1153 = arith.index_cast %swap3A_1152 : i32 to index
      %swap3A_1154 = arith.constant 976 : index
      %swap3A_1155 = tpu.vector_load %arg6[%swap3A_1153, %swap3A_1154] {strides = array<i32>} : memref<1x1024xf32, #tpu.memory_space<vmem>>, vector<16xf32>,
      tpu.vector_store %arg6[%swap3A_1153, %swap3A_1154], %broadcast_in_dim3A_908 {strides = array<i32>} : memref<1x1024xf32, #tpu.memory_space<vmem>>, vector<16xf32>,
      %swap3A_1156 = arith.constant 0 : i32
      %swap3A_1157 = arith.index_cast %swap3A_1156 : i32 to index
      %swap3A_1158 = arith.constant 992 : index
      %swap3A_1159 = tpu.vector_load %arg6[%swap3A_1157, %swap3A_1158] {strides = array<i32>} : memref<1x1024xf32, #tpu.memory_space<vmem>>, vector<16xf32>,
      tpu.vector_store %arg6[%swap3A_1157, %swap3A_1158], %broadcast_in_dim3A_908 {strides = array<i32>} : memref<1x1024xf32, #tpu.memory_space<vmem>>, vector<16xf32>,
      %swap3A_1160 = arith.constant 0 : i32
      %swap3A_1161 = arith.index_cast %swap3A_1160 : i32 to index
      %swap3A_1162 = arith.constant 1008 : index
      %swap3A_1163 = tpu.vector_load %arg6[%swap3A_1161, %swap3A_1162] {strides = array<i32>} : memref<1x1024xf32, #tpu.memory_space<vmem>>, vector<16xf32>,
      tpu.vector_store %arg6[%swap3A_1161, %swap3A_1162], %broadcast_in_dim3A_908 {strides = array<i32>} : memref<1x1024xf32, #tpu.memory_space<vmem>>, vector<16xf32>,
      %scan3A = arith.constant 0 : i32
      %scan3A_1164 = arith.constant 0 : i32
      %scan3A_1165 = arith.constant 256 : i32
      %scan3A_1166 = arith.addi %scan3A_1164, %scan3A_1165 : i32
      %scan3A_1167 = arith.constant 1 : i32
      scf.for %scan3A_1169 = %scan3A_1164 to %scan3A_1166 step %scan3A_1167  : i32 {
        %broadcast_in_dim3A_1170 = vector.broadcast %scan3A_1169 : i32 to vector<16xi32>
        %gather3A = tpu.vector_load_idx %arg5[%broadcast_in_dim3A_1170] : memref<256xi32, #tpu.memory_space<vmem>>[vector<16xi32>], vector<16xi32>,
        %slice3A = vector.extract_strided_slice %gather3A {offsets = [0], sizes = [1], strides = [1]} : vector<16xi32> to vector<1xi32>
        %squeeze3A = vector.extract %slice3A[0] : i32 from vector<1xi32>
        %eq3A_1171 = arith.constant 0 : i32
        %eq3A_1172 = arith.cmpi eq, %squeeze3A, %eq3A_1171 : i32
        %convert_element_type3A_1173 = arith.extui %eq3A_1172 : i1 to i32
        %cond3A_1174 = arith.constant 0 : i32
        %cond3A_1175 = arith.cmpi ne, %convert_element_type3A_1173, %cond3A_1174 : i32
        scf.if %cond3A_1175 {
          %add3A_1176 = arith.addi %mul3A_2, %scan3A_1169 : i32
          "tpu.region"() ({
            %run_scoped3A = tpu.sem_alloc : memref<!tpu.dma_semaphore, #tpu.memory_space<semaphore_mem>>
            %dma_start3A_1177 = arith.constant 0 : i32
            %dma_start3A_1178 = tpu.memref_slice %arg4[%add3A_1176, %dma_start3A_1177] : memref<8192x1024xf32, #tpu.memory_space<hbm>> -> memref<1x1024xf32, #tpu.memory_space<hbm>>
            %dma_start3A_1179 = arith.constant 0 : i32
            %dma_start3A_1180 = tpu.memref_slice %arg4[%add3A_1176, %dma_start3A_1179] : memref<8192x1024xf32, #tpu.memory_space<hbm>> -> memref<1x1024xf32, #tpu.memory_space<hbm>>
            tpu.enqueue_dma source(%arg6 : memref<1x1024xf32, #tpu.memory_space<vmem>>) target(%dma_start3A_1180 : memref<1x1024xf32, #tpu.memory_space<hbm>>) target_semaphore(%run_scoped3A : memref<!tpu.dma_semaphore, #tpu.memory_space<semaphore_mem>>)
            %dma_wait3A_1181 = arith.constant 0 : i32
            %dma_wait3A_1182 = tpu.memref_slice %arg4[%add3A_1176, %dma_wait3A_1181] : memref<8192x1024xf32, #tpu.memory_space<hbm>> -> memref<1x1024xf32, #tpu.memory_space<hbm>>
            %dma_wait3A_1183 = arith.constant 0 : i32
            %dma_wait3A_1184 = tpu.memref_slice %arg4[%add3A_1176, %dma_wait3A_1183] : memref<8192x1024xf32, #tpu.memory_space<hbm>> -> memref<1x1024xf32, #tpu.memory_space<hbm>>
            tpu.wait_dma2 semaphore(%run_scoped3A : memref<!tpu.dma_semaphore, #tpu.memory_space<semaphore_mem>>) src(%arg6 : memref<1x1024xf32, #tpu.memory_space<vmem>>) dst(%dma_wait3A_1184 : memref<1x1024xf32, #tpu.memory_space<hbm>>)
            tpu.yield
          }) : () -> ()
        } else {
        }
      }
      %scan3A_1168 = arith.constant 256 : i32
    } else {
    }
    return
  }
}

</mosaic_0001>

<sc_bundles>
// kernel: kernel.3.cloned.1.call-start
scs
__scs_entry_jumppad:
0x0: {  	(pc) =	sbr.rel $0x88, $3  }
0x1: {  	(tag) =	ssettag $0x0;
	lr =	simm.s32 $0x1  }
0x2: {  	[smem:$0x3F9F] =	sst lr;
	_ =	strace $0xD0000000  }
0x3: {  	_ = 	snop  }
0x4: {  	_ = 	snop  }
0x5: {  	_ = 	snop  }
0x6: {  	_ = 	snop  }
0x7: {  	_ = 	snop  }
__scs_overlays_trampoline_lowered:
0x8: {  	[smem:$0x3FAE] =	sst s0  }
0x9: {  	[smem:$0x3FAF] =	sst s1  }
0xa: {  	[smem:$0x3FB0] =	sst s2  }
0xb: {  	[smem:$0x3FB1] =	sst s3  }
0xc: {  	[smem:$0x3FB2] =	sst s4  }
0xd: {  	[smem:$0x3FB3] =	sst s5  }
0xe: {  	[smem:$0x3FB4] =	sst s6  }
0xf: {  	[smem:$0x3FB5] =	sst s7  }
0x10: {  	[smem:$0x3FB6] =	sst s8  }
0x11: {  	[smem:$0x3FB7] =	sst s9;
	s0 =	simm.s32 @!p0 $0x0  }
0x12: {  	s1 =	sld [smem:$0x3F9D];
	s0 =	simm.s32 @p0 $0x1  }
0x13: {  	[smem:$0x3FB8] =	sst s0;
	s0 =	simm.s32 @!p1 $0x0  }
0x14: {  	s2 =	sld [smem:$0x3F9C];
	s0 =	simm.s32 @p1 $0x1  }
0x15: {  	[smem:$0x3FB9] =	sst s0;
	s0 =	simm.s32 @!p2 $0x0  }
0x16: {  	s3 =	sld [smem:$0x3FDB];
	s0 =	simm.s32 @p2 $0x1  }
0x17: {  	s4 =	simm.s32 $0x1BF5;
	[smem:$0x3FBB] =	sst s0  }
0x18: {  	s0 =	sld [smem:$0x3F9E];
	_ =	swait.ge [sflag:s4], $0x0  }
0x19: {  	s7 =	sld [smem:$0x3F9F]  }
0x1a: {  	s8 =	sadd.s32 $0xFFFFE003, lr  }
0x1b: {  	s9 =	sadd.s32 $0xFFFFFEF7, lr;
	s5 =	simm.s32 $0xFFFFFFFF;
	p2 =	slt.u32 s8, $0xFFFFF086  }
0x1c: {  	p1 =	slt.u32 s9, $0xF7A;
	s5 =	simm.s32 @!p2 $0x0  }
0x1d: {  	s5 =	simm.s32 @p1 $0x1;
	p0 =	seq.s32 s7, s2  }
0x1e: {  	s7 =	smul.u32 @!p0 $0xF7A, s2;
	p2 =	seq.s32 @!p0 s5, $0x0  }
0x1f: {  	s9 =	smul.u32 $0xF7A, s1;
	s8 =	simm.s32 @!p0 $0x1BF5;
	p2 =	por !p2, p0  }
0x20: {  	[sflag:s8] =	ssyncset.s32 @!p0 $0xFFFFF086;
	s6 =	sadd.s32 @!p0 s3, s7;
	s7 =	simm.s32 @!p0 $0x108  }
0x21: {  	s3 =	sadd.s32 s3, s9;
	s6 =	sadd.s32 @!p0 $0x88, s6;
	s7 =	simm.s32 @p2 $0x1082  }
0x22: {  	[simem:s7], [sflag:s8] =	dma.local @!p0 [hbm:s6], $0xF7A  }
0x23: {  	s9 =	sor.u32 $0xD0000000, s2;
	s6 =	simm.s32 $0x108;
	_ =	swait.ge @!p0 [sflag:s8], $0x0  }
0x24: {  	s3 =	sadd.s32 $0x88, s3;
	s6 =	simm.s32 @!p1 $0x1082;
	[sflag:s4] =	ssyncset.s32 $0xFFFFF086  }
0x25: {  	[simem:s6], [sflag:s4] =	dma.local [hbm:s3], $0xF7A  }
0x26: {  	[smem:$0x3F9F] =	sst s1;
	(tag) =	ssettag s2;
	_ =	strace s9  }
0x27: {  	s1 =	sld [smem:$0x3FAF]  }
0x28: {  	s2 =	sld [smem:$0x3FB0]  }
0x29: {  	s4 =	sld [smem:$0x3FB2]  }
0x2a: {  	p0 =	seq.s32 s5, $0x0;
	s5 =	sld [smem:$0x3FB3]  }
0x2b: {  	s6 =	sld [smem:$0x3FB4]  }
0x2c: {  	s7 =	sld [smem:$0x3FB5]  }
0x2d: {  	s3 =	simm.s32 $0x108;
	s8 =	sld [smem:$0x3FB6]  }
0x2e: {  	s3 =	simm.s32 @!p0 $0x1082;
	s9 =	sld [smem:$0x3FB7]  }
0x2f: {  	lr =	sadd.s32 s0, s3;
	s0 =	sld [smem:$0x3FAE]  }
0x30: {  	s3 =	sld [smem:$0x3FB1]  }
0x31: {  	[smem:$0x3FBA] =	sst s10  }
0x32: {  	s10 =	sld [smem:$0x3FB8];
	_ =	sdelay $0x3  }
0x33: {  	p0 =	seq.s32 s10, $0x1;
	s10 =	sld [smem:$0x3FBA];
	_ =	sdelay $0x3  }
0x34: {  	[smem:$0x3FBA] =	sst s10  }
0x35: {  	s10 =	sld [smem:$0x3FB9];
	_ =	sdelay $0x3  }
0x36: {  	p1 =	seq.s32 s10, $0x1;
	s10 =	sld [smem:$0x3FBA];
	_ =	sdelay $0x3  }
0x37: {  	[smem:$0x3FBA] =	sst s10  }
0x38: {  	s10 =	sld [smem:$0x3FBB]  }
0x39: {  	_ = 	snop;
	(pc) =	sbr.ind lr, $3  }
0x3a: {  	_ = 	snop  }
0x3b: {  	_ = 	snop  }
0x3c: {  	p2 =	seq.s32 s10, $0x1;
	s10 =	sld [smem:$0x3FBA]  }
0x3d: {  	_ =	shalt  }
0x3e: {  	_ =	shalt  }
0x3f: {  	_ =	shalt  }
0x40: {  	_ =	shalt  }
0x41: {  	_ =	shalt  }
0x42: {  	_ =	shalt  }
0x43: {  	_ =	shalt  }
0x44: {  	_ =	shalt  }
0x45: {  	_ =	shalt  }
0x46: {  	_ =	shalt  }
0x47: {  	_ =	shalt  }
0x48: {  	_ =	shalt  }
0x49: {  	_ =	shalt  }
0x4a: {  	_ =	shalt  }
0x4b: {  	_ =	shalt  }
0x4c: {  	_ =	shalt  }
0x4d: {  	_ =	shalt  }
0x4e: {  	_ =	shalt  }
0x4f: {  	_ =	shalt  }
0x50: {  	_ =	shalt  }
0x51: {  	_ =	shalt  }
0x52: {  	_ =	shalt  }
0x53: {  	_ =	shalt  }
0x54: {  	_ =	shalt  }
0x55: {  	_ =	shalt  }
0x56: {  	_ =	shalt  }
0x57: {  	_ =	shalt  }
0x58: {  	_ =	shalt  }
0x59: {  	_ =	shalt  }
0x5a: {  	_ =	shalt  }
0x5b: {  	_ =	shalt  }
0x5c: {  	_ =	shalt  }
0x5d: {  	_ =	shalt  }
0x5e: {  	_ =	shalt  }
0x5f: {  	_ =	shalt  }
0x60: {  	_ =	shalt  }
0x61: {  	_ =	shalt  }
0x62: {  	_ =	shalt  }
0x63: {  	_ =	shalt  }
0x64: {  	_ =	shalt  }
0x65: {  	_ =	shalt  }
0x66: {  	_ =	shalt  }
0x67: {  	_ =	shalt  }
0x68: {  	_ =	shalt  }
0x69: {  	_ =	shalt  }
0x6a: {  	_ =	shalt  }
0x6b: {  	_ =	shalt  }
0x6c: {  	_ =	shalt  }
0x6d: {  	_ =	shalt  }
0x6e: {  	_ =	shalt  }
0x6f: {  	_ =	shalt  }
0x70: {  	_ =	shalt  }
0x71: {  	_ =	shalt  }
0x72: {  	_ =	shalt  }
0x73: {  	_ =	shalt  }
0x74: {  	_ =	shalt  }
0x75: {  	_ =	shalt  }
0x76: {  	_ =	shalt  }
0x77: {  	_ =	shalt  }
0x78: {  	_ =	shalt  }
0x79: {  	_ =	shalt  }
0x7a: {  	_ =	shalt  }
0x7b: {  	_ =	shalt  }
0x7c: {  	_ =	shalt  }
0x7d: {  	_ =	shalt  }
0x7e: {  	_ =	shalt  }
0x7f: {  	_ =	shalt  }
0x80: {  	_ =	shalt  }
0x81: {  	_ =	shalt  }
0x82: {  	_ =	shalt  }
0x83: {  	_ =	shalt  }
0x84: {  	_ =	shalt  }
0x85: {  	_ =	shalt  }
0x86: {  	_ =	shalt  }
0x87: {  	_ =	shalt  }
.Lfunc_end0:
.L_simem_size_0:
called_computation_lowered:
.L_overlay_start_0:
0x88: {  	s2 =	sld [smem:$0x3FD9]  }
0x89: {  	s3 =	sld [smem:$0x3FFE];
	_ =	sdelay $0x1  }
0x8a: {  	s1 =	srdreg.scid  }
0x8b: {  	s0 =	sand.u32 $0x1, s1  }
0x8c: {  	s18 =	sshll.u32 s0, $0xA;
	s2 =	sadd.s32 s3, s2  }
0x8d: {  	s2 =	sadd.s32 s2, s18  }
0x8e: {  	[smem:$0x3FC6] =	sst s2  }
0x8f: {  	_ = 	snop  }
0x90: {  	s2 =	sld [smem:$0x3FC9]  }
0x91: {  	s19 =	sld [smem:$0x3FC8]  }
0x92: {  	s4 =	sld [smem:$0x3FD0];
	(tm) =	ssettm $0x1  }
0x93: {  	s5 =	sld [smem:$0x3FFB];
	_ =	sdelay $0x3  }
0x94: {  	_ =	strace s5  }
0x95: {  	s5 =	sld [smem:$0x3FFC];
	_ =	sdelay $0x3  }
0x96: {  	_ =	strace s5  }
0x97: {  	s5 =	sld [smem:$0x3FFD];
	_ =	sdelay $0x3  }
0x98: {  	_ =	strace s5  }
0x99: {  	_ =	strace $0x8FFFFFFF  }
0x9a: {  	s20 =	sld [smem:$0x3FDB];
	_ =	sdelay $0x1  }
0x9b: {  	s6 =	simm.s32 $_scs_section_size  }
0x9c: {  	s7 =	simm.s32 $_size__tile_overlayer_lowered;
	s8 =	simm.s32 $_tile_overlayer_lowered  }
0x9d: {  	s23 =	simm.s32 $0x1BFF;
	s22 =	sshll.u32 s8, $0x1;
	s5 =	sadd.s32 s6, s20  }
0x9e: {  	s9 =	simm.s32 $0x0;
	s21 =	sshll.u32 s7, $0x1;
	s7 =	sadd.s32 s22, s5  }
0x9f: {  	[timem:s9], [sflag:s23] =	dma.local [hbm:s7], s21  }
0xa0: {  	_ =	swait.ge [sflag:s23], s21  }
0xa1: {  	s6 =	ssub.s32 $0x0, s21;
	[sflag:s23] =	ssyncset.done $0x0  }
0xa2: {  	[sflag:s23] =	ssyncadd.s32 s6;
	_ =	sdelay $0x1  }
0xa3: {  	s24 =	simm.s32 $0x1B8B  }
0xa4: {  	_ =	swait.ge [sflag:s24], $0x1  }
0xa5: {  	[sflag:s24] =	ssyncset.done $0x0  }
0xa6: {  	s25 =	simm.s32 $0x1B8E;
	[sflag:s24] =	ssyncadd.s32 $0xFFFFFFFF  }
0xa7: {  	s26 =	simm.s32 $execute0_lowered;
	[smem:$0x3FD2] =	sst s25  }
0xa8: {  	s6 =	sshll.u32 s26, $0x1;
	_ =	strace $0x80000046;
	[dreg:$0x1] =	wrdreg $0xFFFFFFFF  }
0xa9: {  	s28 =	simm.s32 $_size_execute0_lowered;
	s5 =	sadd.s32 s5, s6;
	[dreg:$0x0] =	wrdreg $0x0  }
0xaa: {  	s6 =	sshll.u32 s28, $0x1;
	[dreg:$0x2] =	wrdreg s5  }
0xab: {  	[dreg:$0x3] =	wrdreg s6  }
0xac: {  	[dreg:$0x4] =	wrdreg $0xC0  }
0xad: {  	_ =	task [dreg:s9], $0x5FFFF  }
0xae: {  	[dreg:$0x1] =	wrdreg $0xFFFFFFFF  }
0xaf: {  	[dreg:$0x0] =	wrdreg $0x60  }
0xb0: {  	[dreg:$0x2] =	wrdreg s2  }
0xb1: {  	[dreg:$0x3] =	wrdreg s19  }
0xb2: {  	[dreg:$0x4] =	wrdreg s4  }
0xb3: {  	[dreg:$0x5] =	wrdreg $0x9  }
0xb4: {  	_ =	task.clear_ibuf [dreg:s9], $0x6FFFF;
	_ =	strace $0x90000046  }
0xb5: {  	s29 =	simm.s32 $0x9;
	_ =	strace $0x80000048  }
0xb6: {  	_ =	swait.ge [sflag:s29], $0x1  }
0xb7: {  	[sflag:s29] =	ssyncadd.s32 $0xFFFFFFFF  }
0xb8: {  	_ =	strace $0x90000048  }
0xb9: {  	_ =	sfence  }
0xba: {  	s30 =	sld [smem:$0x0];
	_ =	sdelay $0x2  }
0xbb: {  	s31 =	sshll.u32 s1, $0xD;
	s1 =	sshrl.u32 s1, $0x2  }
0xbc: {  	s3 =	sand.u32 $0x4000, s31;
	s1 =	sadd.s32 s1, s30  }
0xbd: {  	s0 =	sor.u32 s3, s0;
	s1 =	sshll.u32 s1, $0x11  }
0xbe: {  	s0 =	sor.u32 s1, s0  }
0xbf: {  	s0 =	sadd.s32 $0x8F2B, s0  }
0xc0: {  	[sflag:s0] =	ssyncadd.remote.s32 $0x1  }
0xc1: {  	_ =	sfence.sel $0xFFFF  }
0xc2: {  	[dreg:$0x0] =	wrdreg $0xFFFFFFFF;
	(pc) =	sbr.abs _section_cstart, $3  }
0xc3: {  	[dreg:$0x1] =	wrdreg $0xFFFFFFFF  }
0xc4: {  	_ =	task.clear_ibuf [dreg:s9], $0x2FFFF;
	_ =	strace $0x9FFFFFFF  }
0xc5: {  	(tm) =	ssettm $0x7FFFFFFF  }
tec
execute0_lowered:
.L_overlay_start_1:
0x0: {  	(tag) =	ssettag $0x1  }
0x1: {  	s0 =	rddreg [dreg:$0x0]  }
0x2: {  	s2 =	rddreg [dreg:$0x1]  }
0x3: {  	s1 =	srdreg.scid;
	s5 =	stileid.u32  }
0x4: {  	s8 =	rddreg [dreg:$0x2];
	s3 =	simm.s32 $0x0;
	s1 =	sand.u32 $0x1, s1  }
0x5: {  	s4 =	sshll.u32 s5, $0x1;
	s5 =	sshll.u32 s5, $0x2;
	[smem:$0x7FF] =	sst s3  }
0x6: {  	s12 =	sadd.s32 $0x4, s0;
	s13 =	sadd.s32 $0x8, s0;
	s9 =	sor.u32 s1, s4  }
0x7: {  	s1 =	ssub.s32 $0x2, s1;
	s4 =	sshll.u32 s9, $0x7;
	s9 =	sshll.u32 s9, $0xF  }
0x8: {  	_ =	strace $0x80000047;
	s6 =	sshrl.u32 s1, $0x1;
	s10 =	sadd.s32 s8, s9  }
0x9: {  	s4 =	sor.u32 s5, s4;
	s1 =	ssub.s32 s1, s6;
	s21 =	sadd.s32 $0x2000, s10  }
0xa: {  	s9 =	sadd.s32 $0xC, s0;
	s15 =	sadd.s32 $0x4000, s10;
	[dreg:$0x4] =	wrdreg s21  }
0xb: {  	s11 =	sand.u32 $0x3B0, s4;
	s26 =	sadd.s32 $0x6000, s10;
	[dreg:$0x8] =	wrdreg s15  }
0xc: {  	s25 =	sadd.s32 $0x1000, s10;
	s1 =	smax.u32 s1, $0x1;
	[dreg:$0xc] =	wrdreg s26  }
0xd: {  	s28 =	sadd.s32 $0x7000, s10;
	s29 =	sadd.s32 $0x7800, s10;
	[dreg:$0xd] =	wrdreg s1  }
0xe: {  	s14 =	sadd.s32 s0, s11;
	s17 =	sadd.s32 s11, s12;
	[dreg:$0xe] =	wrdreg s28  }
0xf: {  	s18 =	sadd.s32 s11, s13;
	s20 =	sadd.s32 s11, s9;
	[dreg:$0xf] =	wrdreg s29  }
0x10: {  	s16 =	sor.u32 $0x40, s11;
	s11 =	sadd.s32 $0x3000, s10;
	[dreg:$0x12] =	wrdreg s25  }
0x11: {  	[dreg:$0x6] =	wrdreg s11  }
0x12: {  	s30 =	simm.s32 $0x7;
	[dreg:$0x10] =	wrdreg s17  }
0x13: {  	s31 =	simm.s32 $0x0;
	s23 =	sadd.s32 s16, s12;
	[dreg:$0x11] =	wrdreg s20  }
0x14: {  	s7 =	sadd.s32 $0x300, s2;
	s0 =	sadd.s32 s0, s16;
	[dreg:$0x5] =	wrdreg s23  }
.Ltmp0:
0x15: {  	s8 =	sadd.s32 s16, s9;
	[dreg:$0x13] =	wrdreg s0;
	(pc) =	sbr.rel .LBB2_1-.Ltmp0, $4  }
0x16: {  	s5 =	sadd.s32 $0x100, s2;
	s24 =	sadd.s32 $0xE, s0;
	[dreg:$0x9] =	wrdreg s8  }
0x17: {  	v2 =	vlaneseq.u32;
	s6 =	sadd.s32 $0x200, s2;
	s23 =	sadd.s32 s16, s13;
	[dreg:$0xb] =	wrdreg s24  }
0x18: {  	vm0 =	vmmov $0xffff;
	v3 =	vimm.f32 $0.0e+00;
	v1 =	vshrl.u32 v2, $0x3;
	s19 =	sadd.s32 $0x800, s10;
	s13 =	sadd.s32 $0x5000, s10;
	[dreg:$0x7] =	wrdreg s23  }
0x19: {  	v0 =	vand.u32 $0x7, v2;
	v2 =	vor.u32 $0x8, v2;
	v1 =	vmul.u32 $0x8, v1;
	s21 =	simm.s32 $0x1;
	s22 =	sadd.s32 $0x2, s14;
	[dreg:$0xa] =	wrdreg s13  }
.LBB2_4:
0x1a: {  	_ =	sdelay $0x2  }
0x1b: {  	[sflag:s18] =	ssyncadd.s32 @!p1 $0xFFFFFC00  }
0x1c: {  	v4 =	vld.idx.msk [tilespmem:v4+s3+$0x0], $0xffff;
	_ =	sdelay $0x4  }
0x1d: {  	(v2sf) =	vpush v4, $0x0;
	_ =	sdelay $0xe  }
0x1e: {  	s1 =	spop (v2sf)  }
0x1f: {  	s4 =	sadd.s32 $0x10, s15;
	p0 =	sne.s32 s1, $0x0  }
0x20: {  	s1 =	sand.u32 @!p0 $0x7C00, s14;
	s4 =	sand.u32 @!p0 $0x70, s4  }
0x21: {  	s14 =	simm.s32 @!p0 $0x7;
	s15 =	simm.s32 @!p0 $0x80;
	s1 =	sor.u32 @!p0 s4, s1  }
0x22: {  	s17 =	simm.s32 @!p0 $0x400;
	s4 =	simm.s32 @!p0 $0x100;
	s1 =	sadd.s32 @!p0 s1, s10  }
0x23: {  	[hbm4b:s1+s15] =	stream.strided.scatter @!p0 [tilespmem:s4], [sflag:$0x7], $0x400, s17, s15, $0x38;
	[tilespmem:$0x18680] =	vst v63  }
0x24: {  	_ =	swait.ge @!p0 [sflag:s14], $0x400  }
0x25: {  	s18 =	smov.u32 s9;
	s19 =	smov.u32 s11;
	s11 =	rddreg [dreg:$0x6]  }
0x26: {  	s20 =	smov.u32 s12;
	s25 =	smov.u32 s16;
	s23 =	rddreg [dreg:$0x7]  }
0x27: {  	s17 =	smov.u32 s8;
	[sflag:s14] =	ssyncset.done @!p0 $0x0;
	s8 =	rddreg [dreg:$0x9]  }
0x28: {  	s13 =	rddreg [dreg:$0xa];
	[sflag:s14] =	ssyncadd.s32 @!p0 $0xFFFFFC00;
	s14 =	smov.u32 s0  }
.LBB2_5:
0x29: {  	s31 =	sadd.s32 $0x1, s31;
	s1 =	rddreg [dreg:$0xd]  }
0x2a: {  	p0 =	sne.s32 s31, s1  }
.Ltmp1:
0x2b: {  	_ = 	snop;
	(pc) =	sbr.rel @!p0 .LBB2_6-.Ltmp1, $1  }
0x2c: {  	_ =	sdelay $0x3  }
.LBB2_1:
0x2d: {  	s0 =	simm.s32 $0x18500  }
0x2e: {  	[tilespmem:s0], [sflag:$0x7] =	stream.linear.gather [hbm4b:s14+s3], $0x10, $0x38;
	[tilespmem:$0x18680] =	vst v63  }
0x2f: {  	_ =	swait.ge [sflag:s30], $0x10  }
0x30: {  	[sflag:s30] =	ssyncset.done $0x0  }
0x31: {  	[sflag:s30] =	ssyncadd.s32 $0xFFFFFFF0  }
0x32: {  	v4 =	vld [tilespmem:$0x18500];
	_ =	sdelay $0x4  }
0x33: {  	v5 =	vshll.u32 v4, $0x3  }
0x34: {  	v4 =	vand.u32 $0x7, v4;
	v5 =	vand.u32 $0xFFFFFFC0, v5  }
0x35: {  	v4 =	vor.u32 v4, v5  }
0x36: {  	v5 =	vperm.xlane v4, v0;
	_ =	sdelay $0x1  }
0x37: {  	v5 =	vadd.s32 v1, v5;
	_ =	sdelay $0x3  }
0x38: {  	s28 =	simm.s32 $0x500  }
0x39: {  	[tilespmem:s28], [sflag:$0x1] =	stream.indirect_vreg.gather [hbm4b:s2+s3], $0x80, v5, vm0, $0xb8;
	[tilespmem:$0x18680] =	vst v63  }
0x3a: {  	s1 =	simm.s32 $0xD00;
	v4 =	vperm.xlane v4, v2  }
0x3b: {  	[tilespmem:s1], [sflag:$0x1] =	stream.indirect_vreg.gather [hbm4b:s5+s3], $0x80, v5, vm0, $0xb8;
	[tilespmem:$0x18680] =	vst v63  }
0x3c: {  	s4 =	simm.s32 $0x1500;
	v4 =	vadd.s32 v1, v4  }
0x3d: {  	[tilespmem:s4], [sflag:$0x1] =	stream.indirect_vreg.gather [hbm4b:s6+s3], $0x80, v5, vm0, $0xb8;
	[tilespmem:$0x18680] =	vst v63  }
0x3e: {  	s9 =	simm.s32 $0x1D00  }
0x3f: {  	[tilespmem:s9], [sflag:$0x1] =	stream.indirect_vreg.gather [hbm4b:s7+s3], $0x80, v5, vm0, $0xb8;
	[tilespmem:$0x18680] =	vst v63  }
0x40: {  	s12 =	simm.s32 $0x2500  }
0x41: {  	[tilespmem:s12], [sflag:$0x1] =	stream.indirect_vreg.gather [hbm4b:s2+s3], $0x80, v4, vm0, $0xb8;
	[tilespmem:$0x18680] =	vst v63  }
0x42: {  	s15 =	simm.s32 $0x2D00  }
0x43: {  	[tilespmem:s15], [sflag:$0x1] =	stream.indirect_vreg.gather [hbm4b:s5+s3], $0x80, v4, vm0, $0xb8;
	[tilespmem:$0x18680] =	vst v63  }
0x44: {  	s16 =	simm.s32 $0x3500  }
0x45: {  	[tilespmem:s16], [sflag:$0x1] =	stream.indirect_vreg.gather [hbm4b:s6+s3], $0x80, v4, vm0, $0xb8;
	[tilespmem:$0x18680] =	vst v63  }
0x46: {  	s24 =	simm.s32 $0x3D00  }
0x47: {  	[tilespmem:s24], [sflag:$0x1] =	stream.indirect_vreg.gather [hbm4b:s7+s3], $0x80, v4, vm0, $0xb8;
	[tilespmem:$0x18680] =	vst v63  }
0x48: {  	s28 =	simm.s32 $0x18580  }
0x49: {  	[tilespmem:s28], [sflag:$0x7] =	stream.linear.gather [hbm4b:s22+s3], $0x10, $0x38;
	[tilespmem:$0x18680] =	vst v63  }
0x4a: {  	_ =	swait.ge [sflag:s30], $0x10  }
0x4b: {  	[sflag:s30] =	ssyncset.done $0x0  }
0x4c: {  	[sflag:s30] =	ssyncadd.s32 $0xFFFFFFF0  }
0x4d: {  	v4 =	vld [tilespmem:$0x18580];
	_ =	sdelay $0x4  }
0x4e: {  	v5 =	vshll.u32 v4, $0x3  }
0x4f: {  	v4 =	vand.u32 $0x7, v4;
	v5 =	vand.u32 $0xFFFFFFC0, v5  }
0x50: {  	v4 =	vor.u32 v4, v5  }
0x51: {  	v5 =	vperm.xlane v4, v0;
	_ =	sdelay $0x1  }
0x52: {  	v5 =	vadd.s32 v1, v5;
	_ =	sdelay $0x3  }
0x53: {  	s16 =	simm.s32 $0x8500  }
0x54: {  	[tilespmem:s16], [sflag:$0x2] =	stream.indirect_vreg.gather [hbm4b:s2+s3], $0x80, v5, vm0, $0xb8;
	[tilespmem:$0x18680] =	vst v63  }
0x55: {  	s28 =	simm.s32 $0x8D00;
	v4 =	vperm.xlane v4, v2  }
0x56: {  	[tilespmem:s28], [sflag:$0x2] =	stream.indirect_vreg.gather [hbm4b:s5+s3], $0x80, v5, vm0, $0xb8;
	[tilespmem:$0x18680] =	vst v63  }
0x57: {  	v4 =	vadd.s32 v1, v4;
	s16 =	simm.s32 $0x9500  }
0x58: {  	[tilespmem:s16], [sflag:$0x2] =	stream.indirect_vreg.gather [hbm4b:s6+s3], $0x80, v5, vm0, $0xb8;
	[tilespmem:$0x18680] =	vst v63  }
0x59: {  	s28 =	simm.s32 $0x9D00  }
0x5a: {  	[tilespmem:s28], [sflag:$0x2] =	stream.indirect_vreg.gather [hbm4b:s7+s3], $0x80, v5, vm0, $0xb8;
	[tilespmem:$0x18680] =	vst v63  }
0x5b: {  	s16 =	simm.s32 $0xA500  }
0x5c: {  	[tilespmem:s16], [sflag:$0x2] =	stream.indirect_vreg.gather [hbm4b:s2+s3], $0x80, v4, vm0, $0xb8;
	[tilespmem:$0x18680] =	vst v63  }
0x5d: {  	s28 =	simm.s32 $0xAD00  }
0x5e: {  	[tilespmem:s28], [sflag:$0x2] =	stream.indirect_vreg.gather [hbm4b:s5+s3], $0x80, v4, vm0, $0xb8;
	[tilespmem:$0x18680] =	vst v63  }
0x5f: {  	s16 =	simm.s32 $0xB500  }
0x60: {  	[tilespmem:s16], [sflag:$0x2] =	stream.indirect_vreg.gather [hbm4b:s6+s3], $0x80, v4, vm0, $0xb8;
	[tilespmem:$0x18680] =	vst v63  }
0x61: {  	s28 =	simm.s32 $0xBD00  }
0x62: {  	[tilespmem:s28], [sflag:$0x2] =	stream.indirect_vreg.gather [hbm4b:s7+s3], $0x80, v4, vm0, $0xb8;
	[tilespmem:$0x18680] =	vst v63  }
0x63: {  	s16 =	simm.s32 $0x18600  }
0x64: {  	[tilespmem:s16], [sflag:$0x7] =	stream.linear.gather [hbm4b:s17+s3], $0x20, $0x38;
	[tilespmem:$0x18680] =	vst v63  }
0x65: {  	_ =	swait.ge [sflag:s30], $0x20  }
0x66: {  	[sflag:s30] =	ssyncset.done $0x0  }
0x67: {  	[sflag:s30] =	ssyncadd.s32 $0xFFFFFFE0  }
0x68: {  	v4 =	vld [tilespmem:$0x18600];
	_ =	sdelay $0x4  }
0x69: {  	v5 =	vshll.u32 v4, $0x3  }
0x6a: {  	v4 =	vand.u32 $0x7, v4;
	v5 =	vand.u32 $0xFFFFFFC0, v5  }
0x6b: {  	v4 =	vor.u32 v4, v5  }
0x6c: {  	v5 =	vperm.xlane v4, v0;
	_ =	sdelay $0x1  }
0x6d: {  	v5 =	vadd.s32 v1, v5;
	_ =	sdelay $0x3  }
0x6e: {  	s28 =	simm.s32 $0x10500  }
0x6f: {  	[tilespmem:s28], [sflag:$0x3] =	stream.indirect_vreg.gather [hbm4b:s2+s3], $0x80, v5, vm0, $0xb8;
	[tilespmem:$0x18680] =	vst v63  }
0x70: {  	s16 =	simm.s32 $0x10D00;
	v4 =	vperm.xlane v4, v2  }
0x71: {  	[tilespmem:s16], [sflag:$0x3] =	stream.indirect_vreg.gather [hbm4b:s5+s3], $0x80, v5, vm0, $0xb8;
	[tilespmem:$0x18680] =	vst v63  }
0x72: {  	s17 =	simm.s32 $0x11500;
	v4 =	vadd.s32 v1, v4  }
0x73: {  	[tilespmem:s17], [sflag:$0x3] =	stream.indirect_vreg.gather [hbm4b:s6+s3], $0x80, v5, vm0, $0xb8;
	[tilespmem:$0x18680] =	vst v63  }
0x74: {  	s28 =	simm.s32 $0x11D00  }
0x75: {  	[tilespmem:s28], [sflag:$0x3] =	stream.indirect_vreg.gather [hbm4b:s7+s3], $0x80, v5, vm0, $0xb8;
	[tilespmem:$0x18680] =	vst v63  }
0x76: {  	s16 =	simm.s32 $0x12500  }
0x77: {  	[tilespmem:s16], [sflag:$0x3] =	stream.indirect_vreg.gather [hbm4b:s2+s3], $0x80, v4, vm0, $0xb8;
	[tilespmem:$0x18680] =	vst v63  }
0x78: {  	s17 =	simm.s32 $0x12D00  }
0x79: {  	[tilespmem:s17], [sflag:$0x3] =	stream.indirect_vreg.gather [hbm4b:s5+s3], $0x80, v4, vm0, $0xb8;
	[tilespmem:$0x18680] =	vst v63  }
0x7a: {  	s28 =	simm.s32 $0x13500  }
0x7b: {  	[tilespmem:s28], [sflag:$0x3] =	stream.indirect_vreg.gather [hbm4b:s6+s3], $0x80, v4, vm0, $0xb8;
	[tilespmem:$0x18680] =	vst v63  }
0x7c: {  	s16 =	simm.s32 $0x13D00  }
0x7d: {  	[tilespmem:s16], [sflag:$0x3] =	stream.indirect_vreg.gather [hbm4b:s7+s3], $0x80, v4, vm0, $0xb8;
	[tilespmem:$0x18680] =	vst v63  }
0x7e: {  	v4 =	vld [tilespmem:$0x18610];
	_ =	sdelay $0x4  }
0x7f: {  	v5 =	vshll.u32 v4, $0x3  }
0x80: {  	v4 =	vand.u32 $0x7, v4;
	v5 =	vand.u32 $0xFFFFFFC0, v5  }
0x81: {  	v4 =	vor.u32 v4, v5  }
0x82: {  	v5 =	vperm.xlane v4, v0;
	_ =	sdelay $0x1  }
0x83: {  	v5 =	vadd.s32 v1, v5;
	_ =	sdelay $0x3  }
0x84: {  	s17 =	simm.s32 $0x14500  }
0x85: {  	[tilespmem:s17], [sflag:$0x3] =	stream.indirect_vreg.gather [hbm4b:s2+s3], $0x80, v5, vm0, $0xb8;
	[tilespmem:$0x18680] =	vst v63  }
0x86: {  	s28 =	simm.s32 $0x14D00;
	v4 =	vperm.xlane v4, v2  }
0x87: {  	[tilespmem:s28], [sflag:$0x3] =	stream.indirect_vreg.gather [hbm4b:s5+s3], $0x80, v5, vm0, $0xb8;
	[tilespmem:$0x18680] =	vst v63  }
0x88: {  	s16 =	simm.s32 $0x15500;
	v4 =	vadd.s32 v1, v4  }
0x89: {  	[tilespmem:s16], [sflag:$0x3] =	stream.indirect_vreg.gather [hbm4b:s6+s3], $0x80, v5, vm0, $0xb8;
	[tilespmem:$0x18680] =	vst v63  }
0x8a: {  	s17 =	simm.s32 $0x15D00  }
0x8b: {  	[tilespmem:s17], [sflag:$0x3] =	stream.indirect_vreg.gather [hbm4b:s7+s3], $0x80, v5, vm0, $0xb8;
	[tilespmem:$0x18680] =	vst v63  }
0x8c: {  	s28 =	simm.s32 $0x16500  }
0x8d: {  	[tilespmem:s28], [sflag:$0x3] =	stream.indirect_vreg.gather [hbm4b:s2+s3], $0x80, v4, vm0, $0xb8;
	[tilespmem:$0x18680] =	vst v63  }
0x8e: {  	s16 =	simm.s32 $0x16D00  }
0x8f: {  	[tilespmem:s16], [sflag:$0x3] =	stream.indirect_vreg.gather [hbm4b:s5+s3], $0x80, v4, vm0, $0xb8;
	[tilespmem:$0x18680] =	vst v63  }
0x90: {  	s17 =	simm.s32 $0x17500  }
0x91: {  	[tilespmem:s17], [sflag:$0x3] =	stream.indirect_vreg.gather [hbm4b:s6+s3], $0x80, v4, vm0, $0xb8;
	[tilespmem:$0x18680] =	vst v63  }
0x92: {  	s28 =	simm.s32 $0x17D00  }
0x93: {  	[tilespmem:s28], [sflag:$0x3] =	stream.indirect_vreg.gather [hbm4b:s7+s3], $0x80, v4, vm0, $0xb8;
	[tilespmem:$0x18680] =	vst v63  }
0x94: {  	s0 =	simm.s32 $0x200;
	s16 =	simm.s32 $0x80  }
0x95: {  	[tilespmem:s3], [sflag:$0x7] =	stream.strided.gather [hbm4b:s14+s16], $0x100, s0, s16, $0x38;
	[tilespmem:$0x18680] =	vst v63  }
0x96: {  	_ =	swait.ge [sflag:s30], $0x100  }
0x97: {  	[sflag:s30] =	ssyncset.done $0x0  }
0x98: {  	[sflag:s30] =	ssyncadd.s32 $0xFFFFFF00  }
0x99: {  	v4 =	vld [tilespmem:$0x0]  }
0x9a: {  	v5 =	vld [tilespmem:$0x10];
	_ =	sdelay $0x1  }
0x9b: {  	v6 =	vld [tilespmem:$0x20];
	_ =	sdelay $0x1  }
0x9c: {  	v7 =	vld [tilespmem:$0x30]  }
0x9d: {  	vm1 =	vlt.s32 v4, v5  }
0x9e: {  	v4 =	vsel vm1, v4, v5;
	v5 =	vld [tilespmem:$0x40]  }
0x9f: {  	vm1 =	vlt.s32 v4, v6  }
0xa0: {  	v56 =	vld [tilespmem:$0x50];
	v4 =	vsel vm1, v4, v6  }
0xa1: {  	vm1 =	vlt.s32 v4, v7  }
0xa2: {  	v57 =	vld [tilespmem:$0x60];
	v4 =	vsel vm1, v4, v7  }
0xa3: {  	vm1 =	vlt.s32 v4, v5  }
0xa4: {  	v4 =	vsel vm1, v4, v5;
	v5 =	vld [tilespmem:$0x70]  }
0xa5: {  	vm1 =	vlt.s32 v4, v56  }
0xa6: {  	v58 =	vld [tilespmem:$0x80];
	v4 =	vsel vm1, v4, v56  }
0xa7: {  	vm1 =	vlt.s32 v4, v57  }
0xa8: {  	v59 =	vld [tilespmem:$0x90];
	v4 =	vsel vm1, v4, v57  }
0xa9: {  	vm1 =	vlt.s32 v4, v5  }
0xaa: {  	v4 =	vsel vm1, v4, v5;
	v5 =	vld [tilespmem:$0xA0]  }
0xab: {  	vm1 =	vlt.s32 v4, v58  }
0xac: {  	v60 =	vld [tilespmem:$0xB0];
	v4 =	vsel vm1, v4, v58  }
0xad: {  	vm1 =	vlt.s32 v4, v59  }
0xae: {  	v61 =	vld [tilespmem:$0xC0];
	v4 =	vsel vm1, v4, v59  }
0xaf: {  	vm1 =	vlt.s32 v4, v5  }
0xb0: {  	v4 =	vsel vm1, v4, v5;
	v5 =	vld [tilespmem:$0xD0]  }
0xb1: {  	vm1 =	vlt.s32 v4, v60  }
0xb2: {  	v62 =	vld [tilespmem:$0xE0];
	v4 =	vsel vm1, v4, v60  }
0xb3: {  	vm1 =	vlt.s32 v4, v61  }
0xb4: {  	v63 =	vld [tilespmem:$0xF0];
	v4 =	vsel vm1, v4, v61  }
0xb5: {  	vm1 =	vlt.s32 v4, v5  }
0xb6: {  	v4 =	vsel vm1, v4, v5  }
0xb7: {  	vm1 =	vlt.s32 v4, v62  }
0xb8: {  	v4 =	vsel vm1, v4, v62  }
0xb9: {  	vm1 =	vlt.s32 v4, v63  }
0xba: {  	v4 =	vsel vm1, v4, v63  }
0xbb: {  	v4 =	vxor.u32 $0x80000000, v4  }
0xbc: {  	(xrf0) =	vmin.scan.msk.u32 $0xffff, v4;
	_ =	sdelay $0x5  }
0xbd: {  	v4, _, _ =	vpop (xrf0)  }
0xbe: {  	(v2sf) =	vpush v4, $0xF;
	_ =	sdelay $0xe  }
0xbf: {  	s16 =	spop (v2sf)  }
0xc0: {  	[dreg:$0x14] =	wrdreg s16  }
0xc1: {  	_ =	swait.ge [sflag:s21], $0x4000  }
0xc2: {  	[sflag:s21] =	ssyncset.done $0x0  }
0xc3: {  	s17 =	simm.s32 $0x500;
	s0 =	simm.s32 $0x4;
	[sflag:s21] =	ssyncadd.s32 $0xFFFFC000  }
0xc4: {  	[hbm4b:s10+s3] =	stream.linear.scatter [tilespmem:s17], [sflag:$0x4], $0x4000, $0x38;
	[tilespmem:$0x18680] =	vst v63  }
0xc5: {  	_ =	swait.ge [sflag:s0], $0x4000  }
0xc6: {  	[sflag:s0] =	ssyncset.done $0x0  }
0xc7: {  	s29 =	simm.s32 $0x18500;
	[sflag:s0] =	ssyncadd.s32 $0xFFFFC000  }
0xc8: {  	[tilespmem:s29], [sflag:$0x7] =	stream.linear.gather [hbm4b:s18+s3], $0x20, $0x38;
	[tilespmem:$0x18680] =	vst v63  }
0xc9: {  	_ =	swait.ge [sflag:s30], $0x20  }
0xca: {  	[sflag:s30] =	ssyncset.done $0x0  }
0xcb: {  	[sflag:s30] =	ssyncadd.s32 $0xFFFFFFE0  }
0xcc: {  	v4 =	vld [tilespmem:$0x18500];
	_ =	sdelay $0x4  }
0xcd: {  	v5 =	vshll.u32 v4, $0x3  }
0xce: {  	v4 =	vand.u32 $0x7, v4;
	v5 =	vand.u32 $0xFFFFFFC0, v5  }
0xcf: {  	v4 =	vor.u32 v4, v5  }
0xd0: {  	v5 =	vperm.xlane v4, v0;
	_ =	sdelay $0x1  }
0xd1: {  	v5 =	vadd.s32 v1, v5;
	_ =	sdelay $0x4  }
0xd2: {  	[tilespmem:s17], [sflag:$0x1] =	stream.indirect_vreg.gather [hbm4b:s2+s3], $0x80, v5, vm0, $0xb8;
	[tilespmem:$0x18680] =	vst v63  }
0xd3: {  	s26 =	simm.s32 $0xD00;
	v4 =	vperm.xlane v4, v2  }
0xd4: {  	[tilespmem:s26], [sflag:$0x1] =	stream.indirect_vreg.gather [hbm4b:s5+s3], $0x80, v5, vm0, $0xb8;
	[tilespmem:$0x18680] =	vst v63  }
0xd5: {  	s1 =	simm.s32 $0x1500;
	v4 =	vadd.s32 v1, v4  }
0xd6: {  	[tilespmem:s1], [sflag:$0x1] =	stream.indirect_vreg.gather [hbm4b:s6+s3], $0x80, v5, vm0, $0xb8;
	[tilespmem:$0x18680] =	vst v63  }
0xd7: {  	s9 =	simm.s32 $0x1D00  }
0xd8: {  	[tilespmem:s9], [sflag:$0x1] =	stream.indirect_vreg.gather [hbm4b:s7+s3], $0x80, v5, vm0, $0xb8;
	[tilespmem:$0x18680] =	vst v63  }
0xd9: {  	s12 =	simm.s32 $0x2500  }
0xda: {  	[tilespmem:s12], [sflag:$0x1] =	stream.indirect_vreg.gather [hbm4b:s2+s3], $0x80, v4, vm0, $0xb8;
	[tilespmem:$0x18680] =	vst v63  }
0xdb: {  	s15 =	simm.s32 $0x2D00  }
0xdc: {  	[tilespmem:s15], [sflag:$0x1] =	stream.indirect_vreg.gather [hbm4b:s5+s3], $0x80, v4, vm0, $0xb8;
	[tilespmem:$0x18680] =	vst v63  }
0xdd: {  	s4 =	simm.s32 $0x3500  }
0xde: {  	[tilespmem:s4], [sflag:$0x1] =	stream.indirect_vreg.gather [hbm4b:s6+s3], $0x80, v4, vm0, $0xb8;
	[tilespmem:$0x18680] =	vst v63  }
0xdf: {  	s24 =	simm.s32 $0x3D00  }
0xe0: {  	[tilespmem:s24], [sflag:$0x1] =	stream.indirect_vreg.gather [hbm4b:s7+s3], $0x80, v4, vm0, $0xb8;
	[tilespmem:$0x18680] =	vst v63  }
0xe1: {  	v4 =	vld [tilespmem:$0x18510];
	_ =	sdelay $0x4  }
0xe2: {  	v5 =	vshll.u32 v4, $0x3  }
0xe3: {  	v4 =	vand.u32 $0x7, v4;
	v5 =	vand.u32 $0xFFFFFFC0, v5  }
0xe4: {  	v4 =	vor.u32 v4, v5  }
0xe5: {  	v5 =	vperm.xlane v4, v0;
	_ =	sdelay $0x1  }
0xe6: {  	v5 =	vadd.s32 v1, v5;
	_ =	sdelay $0x3  }
0xe7: {  	s17 =	simm.s32 $0x4500  }
0xe8: {  	[tilespmem:s17], [sflag:$0x1] =	stream.indirect_vreg.gather [hbm4b:s2+s3], $0x80, v5, vm0, $0xb8;
	[tilespmem:$0x18680] =	vst v63  }
0xe9: {  	s28 =	simm.s32 $0x4D00;
	v4 =	vperm.xlane v4, v2  }
0xea: {  	[tilespmem:s28], [sflag:$0x1] =	stream.indirect_vreg.gather [hbm4b:s5+s3], $0x80, v5, vm0, $0xb8;
	[tilespmem:$0x18680] =	vst v63  }
0xeb: {  	s26 =	simm.s32 $0x5500;
	v4 =	vadd.s32 v1, v4  }
0xec: {  	[tilespmem:s26], [sflag:$0x1] =	stream.indirect_vreg.gather [hbm4b:s6+s3], $0x80, v5, vm0, $0xb8;
	[tilespmem:$0x18680] =	vst v63  }
0xed: {  	s4 =	simm.s32 $0x5D00  }
0xee: {  	[tilespmem:s4], [sflag:$0x1] =	stream.indirect_vreg.gather [hbm4b:s7+s3], $0x80, v5, vm0, $0xb8;
	[tilespmem:$0x18680] =	vst v63  }
0xef: {  	s9 =	simm.s32 $0x6500  }
0xf0: {  	[tilespmem:s9], [sflag:$0x1] =	stream.indirect_vreg.gather [hbm4b:s2+s3], $0x80, v4, vm0, $0xb8;
	[tilespmem:$0x18680] =	vst v63  }
0xf1: {  	s12 =	simm.s32 $0x6D00  }
0xf2: {  	[tilespmem:s12], [sflag:$0x1] =	stream.indirect_vreg.gather [hbm4b:s5+s3], $0x80, v4, vm0, $0xb8;
	[tilespmem:$0x18680] =	vst v63  }
0xf3: {  	s15 =	simm.s32 $0x7500  }
0xf4: {  	[tilespmem:s15], [sflag:$0x1] =	stream.indirect_vreg.gather [hbm4b:s6+s3], $0x80, v4, vm0, $0xb8;
	[tilespmem:$0x18680] =	vst v63  }
0xf5: {  	s24 =	simm.s32 $0x7D00;
	s9 =	simm.s32 $0x2  }
0xf6: {  	[tilespmem:s24], [sflag:$0x1] =	stream.indirect_vreg.gather [hbm4b:s7+s3], $0x80, v4, vm0, $0xb8;
	[tilespmem:$0x18680] =	vst v63  }
0xf7: {  	_ =	swait.ge [sflag:s9], $0x4000  }
0xf8: {  	[sflag:s9] =	ssyncset.done $0x0  }
0xf9: {  	s26 =	simm.s32 $0x8500;
	s12 =	simm.s32 $0x5;
	[sflag:s9] =	ssyncadd.s32 $0xFFFFC000  }
0xfa: {  	[hbm4b:s19+s3] =	stream.linear.scatter [tilespmem:s26], [sflag:$0x5], $0x4000, $0x38;
	[tilespmem:$0x18680] =	vst v63  }
0xfb: {  	_ =	swait.ge [sflag:s12], $0x4000  }
0xfc: {  	[sflag:s12] =	ssyncset.done $0x0  }
0xfd: {  	s4 =	simm.s32 $0x18580;
	[sflag:s12] =	ssyncadd.s32 $0xFFFFC000  }
0xfe: {  	[tilespmem:s4], [sflag:$0x7] =	stream.linear.gather [hbm4b:s20+s3], $0x20, $0x38;
	[tilespmem:$0x18680] =	vst v63  }
0xff: {  	_ =	swait.ge [sflag:s30], $0x20  }
0x100: {  	[sflag:s30] =	ssyncset.done $0x0  }
0x101: {  	[sflag:s30] =	ssyncadd.s32 $0xFFFFFFE0  }
0x102: {  	v4 =	vld [tilespmem:$0x18580];
	_ =	sdelay $0x4  }
0x103: {  	v5 =	vshll.u32 v4, $0x3  }
0x104: {  	v4 =	vand.u32 $0x7, v4;
	v5 =	vand.u32 $0xFFFFFFC0, v5  }
0x105: {  	v4 =	vor.u32 v4, v5  }
0x106: {  	v5 =	vperm.xlane v4, v0;
	_ =	sdelay $0x1  }
0x107: {  	v5 =	vadd.s32 v1, v5;
	_ =	sdelay $0x4  }
0x108: {  	[tilespmem:s26], [sflag:$0x2] =	stream.indirect_vreg.gather [hbm4b:s2+s3], $0x80, v5, vm0, $0xb8;
	[tilespmem:$0x18680] =	vst v63  }
0x109: {  	s24 =	simm.s32 $0x8D00;
	v4 =	vperm.xlane v4, v2  }
0x10a: {  	[tilespmem:s24], [sflag:$0x2] =	stream.indirect_vreg.gather [hbm4b:s5+s3], $0x80, v5, vm0, $0xb8;
	[tilespmem:$0x18680] =	vst v63  }
0x10b: {  	v4 =	vadd.s32 v1, v4;
	s26 =	simm.s32 $0x9500  }
0x10c: {  	[tilespmem:s26], [sflag:$0x2] =	stream.indirect_vreg.gather [hbm4b:s6+s3], $0x80, v5, vm0, $0xb8;
	[tilespmem:$0x18680] =	vst v63  }
0x10d: {  	s4 =	simm.s32 $0x9D00  }
0x10e: {  	[tilespmem:s4], [sflag:$0x2] =	stream.indirect_vreg.gather [hbm4b:s7+s3], $0x80, v5, vm0, $0xb8;
	[tilespmem:$0x18680] =	vst v63  }
0x10f: {  	s15 =	simm.s32 $0xA500  }
0x110: {  	[tilespmem:s15], [sflag:$0x2] =	stream.indirect_vreg.gather [hbm4b:s2+s3], $0x80, v4, vm0, $0xb8;
	[tilespmem:$0x18680] =	vst v63  }
0x111: {  	s20 =	simm.s32 $0xAD00  }
0x112: {  	[tilespmem:s20], [sflag:$0x2] =	stream.indirect_vreg.gather [hbm4b:s5+s3], $0x80, v4, vm0, $0xb8;
	[tilespmem:$0x18680] =	vst v63  }
0x113: {  	s24 =	simm.s32 $0xB500  }
0x114: {  	[tilespmem:s24], [sflag:$0x2] =	stream.indirect_vreg.gather [hbm4b:s6+s3], $0x80, v4, vm0, $0xb8;
	[tilespmem:$0x18680] =	vst v63  }
0x115: {  	s26 =	simm.s32 $0xBD00  }
0x116: {  	[tilespmem:s26], [sflag:$0x2] =	stream.indirect_vreg.gather [hbm4b:s7+s3], $0x80, v4, vm0, $0xb8;
	[tilespmem:$0x18680] =	vst v63  }
0x117: {  	v4 =	vld [tilespmem:$0x18590];
	_ =	sdelay $0x4  }
0x118: {  	v5 =	vshll.u32 v4, $0x3  }
0x119: {  	v4 =	vand.u32 $0x7, v4;
	v5 =	vand.u32 $0xFFFFFFC0, v5  }
0x11a: {  	v4 =	vor.u32 v4, v5  }
0x11b: {  	v5 =	vperm.xlane v4, v0;
	_ =	sdelay $0x1  }
0x11c: {  	v5 =	vadd.s32 v1, v5;
	_ =	sdelay $0x3  }
0x11d: {  	s4 =	simm.s32 $0xC500  }
0x11e: {  	[tilespmem:s4], [sflag:$0x2] =	stream.indirect_vreg.gather [hbm4b:s2+s3], $0x80, v5, vm0, $0xb8;
	[tilespmem:$0x18680] =	vst v63  }
0x11f: {  	s15 =	simm.s32 $0xCD00;
	v4 =	vperm.xlane v4, v2  }
0x120: {  	[tilespmem:s15], [sflag:$0x2] =	stream.indirect_vreg.gather [hbm4b:s5+s3], $0x80, v5, vm0, $0xb8;
	[tilespmem:$0x18680] =	vst v63  }
0x121: {  	s20 =	simm.s32 $0xD500;
	v4 =	vadd.s32 v1, v4  }
0x122: {  	[tilespmem:s20], [sflag:$0x2] =	stream.indirect_vreg.gather [hbm4b:s6+s3], $0x80, v5, vm0, $0xb8;
	[tilespmem:$0x18680] =	vst v63  }
0x123: {  	s24 =	simm.s32 $0xDD00  }
0x124: {  	[tilespmem:s24], [sflag:$0x2] =	stream.indirect_vreg.gather [hbm4b:s7+s3], $0x80, v5, vm0, $0xb8;
	[tilespmem:$0x18680] =	vst v63  }
0x125: {  	s26 =	simm.s32 $0xE500  }
0x126: {  	[tilespmem:s26], [sflag:$0x2] =	stream.indirect_vreg.gather [hbm4b:s2+s3], $0x80, v4, vm0, $0xb8;
	[tilespmem:$0x18680] =	vst v63  }
0x127: {  	s4 =	simm.s32 $0xED00  }
0x128: {  	[tilespmem:s4], [sflag:$0x2] =	stream.indirect_vreg.gather [hbm4b:s5+s3], $0x80, v4, vm0, $0xb8;
	[tilespmem:$0x18680] =	vst v63  }
0x129: {  	s15 =	simm.s32 $0xF500  }
0x12a: {  	[tilespmem:s15], [sflag:$0x2] =	stream.indirect_vreg.gather [hbm4b:s6+s3], $0x80, v4, vm0, $0xb8;
	[tilespmem:$0x18680] =	vst v63  }
0x12b: {  	s20 =	simm.s32 $0xFD00  }
0x12c: {  	[tilespmem:s20], [sflag:$0x2] =	stream.indirect_vreg.gather [hbm4b:s7+s3], $0x80, v4, vm0, $0xb8;
	[tilespmem:$0x18680] =	vst v63  }
0x12d: {  	s20 =	simm.s32 $0x3  }
0x12e: {  	_ =	swait.ge [sflag:s20], $0x8000  }
0x12f: {  	[sflag:s20] =	ssyncset.done $0x0  }
0x130: {  	s15 =	simm.s32 $0x10500;
	[sflag:s20] =	ssyncadd.s32 $0xFFFF8000  }
0x131: {  	[hbm4b:s25+s3] =	stream.linear.scatter [tilespmem:s15], [sflag:$0x6], $0x8000, $0x38;
	[tilespmem:$0x18680] =	vst v63  }
0x132: {  	s25 =	simm.s32 $0x6  }
0x133: {  	_ =	swait.ge [sflag:s25], $0x8000  }
0x134: {  	[sflag:s25] =	ssyncset.done $0x0  }
0x135: {  	s26 =	simm.s32 $0x18600;
	s24 =	rddreg [dreg:$0x13];
	[sflag:s25] =	ssyncadd.s32 $0xFFFF8000  }
0x136: {  	[tilespmem:s26], [sflag:$0x7] =	stream.linear.gather [hbm4b:s24+s3], $0x20, $0x38;
	[tilespmem:$0x18680] =	vst v63  }
0x137: {  	_ =	swait.ge [sflag:s30], $0x20  }
0x138: {  	[sflag:s30] =	ssyncset.done $0x0  }
0x139: {  	[sflag:s30] =	ssyncadd.s32 $0xFFFFFFE0  }
0x13a: {  	v4 =	vld [tilespmem:$0x18600];
	_ =	sdelay $0x4  }
0x13b: {  	v5 =	vshll.u32 v4, $0x3  }
0x13c: {  	v4 =	vand.u32 $0x7, v4;
	v5 =	vand.u32 $0xFFFFFFC0, v5  }
0x13d: {  	v4 =	vor.u32 v4, v5  }
0x13e: {  	v5 =	vperm.xlane v4, v0;
	_ =	sdelay $0x1  }
0x13f: {  	v5 =	vadd.s32 v1, v5;
	_ =	sdelay $0x4  }
0x140: {  	[tilespmem:s15], [sflag:$0x3] =	stream.indirect_vreg.gather [hbm4b:s2+s3], $0x80, v5, vm0, $0xb8;
	[tilespmem:$0x18680] =	vst v63  }
0x141: {  	v4 =	vperm.xlane v4, v2;
	s15 =	simm.s32 $0x10D00  }
0x142: {  	[tilespmem:s15], [sflag:$0x3] =	stream.indirect_vreg.gather [hbm4b:s5+s3], $0x80, v5, vm0, $0xb8;
	[tilespmem:$0x18680] =	vst v63  }
0x143: {  	s24 =	simm.s32 $0x11500;
	v4 =	vadd.s32 v1, v4  }
0x144: {  	[tilespmem:s24], [sflag:$0x3] =	stream.indirect_vreg.gather [hbm4b:s6+s3], $0x80, v5, vm0, $0xb8;
	[tilespmem:$0x18680] =	vst v63  }
0x145: {  	s26 =	simm.s32 $0x11D00  }
0x146: {  	[tilespmem:s26], [sflag:$0x3] =	stream.indirect_vreg.gather [hbm4b:s7+s3], $0x80, v5, vm0, $0xb8;
	[tilespmem:$0x18680] =	vst v63  }
0x147: {  	s4 =	simm.s32 $0x12500  }
0x148: {  	[tilespmem:s4], [sflag:$0x3] =	stream.indirect_vreg.gather [hbm4b:s2+s3], $0x80, v4, vm0, $0xb8;
	[tilespmem:$0x18680] =	vst v63  }
0x149: {  	s15 =	simm.s32 $0x12D00  }
0x14a: {  	[tilespmem:s15], [sflag:$0x3] =	stream.indirect_vreg.gather [hbm4b:s5+s3], $0x80, v4, vm0, $0xb8;
	[tilespmem:$0x18680] =	vst v63  }
0x14b: {  	s24 =	simm.s32 $0x13500  }
0x14c: {  	[tilespmem:s24], [sflag:$0x3] =	stream.indirect_vreg.gather [hbm4b:s6+s3], $0x80, v4, vm0, $0xb8;
	[tilespmem:$0x18680] =	vst v63  }
0x14d: {  	s26 =	simm.s32 $0x13D00  }
0x14e: {  	[tilespmem:s26], [sflag:$0x3] =	stream.indirect_vreg.gather [hbm4b:s7+s3], $0x80, v4, vm0, $0xb8;
	[tilespmem:$0x18680] =	vst v63  }
0x14f: {  	v4 =	vld [tilespmem:$0x18610];
	_ =	sdelay $0x4  }
0x150: {  	v5 =	vshll.u32 v4, $0x3  }
0x151: {  	v4 =	vand.u32 $0x7, v4;
	v5 =	vand.u32 $0xFFFFFFC0, v5  }
0x152: {  	v4 =	vor.u32 v4, v5  }
0x153: {  	v5 =	vperm.xlane v4, v0;
	_ =	sdelay $0x1  }
0x154: {  	v5 =	vadd.s32 v1, v5;
	_ =	sdelay $0x3  }
0x155: {  	s4 =	simm.s32 $0x14500  }
0x156: {  	[tilespmem:s4], [sflag:$0x3] =	stream.indirect_vreg.gather [hbm4b:s2+s3], $0x80, v5, vm0, $0xb8;
	[tilespmem:$0x18680] =	vst v63  }
0x157: {  	s15 =	simm.s32 $0x14D00;
	v4 =	vperm.xlane v4, v2  }
0x158: {  	[tilespmem:s15], [sflag:$0x3] =	stream.indirect_vreg.gather [hbm4b:s5+s3], $0x80, v5, vm0, $0xb8;
	[tilespmem:$0x18680] =	vst v63  }
0x159: {  	s24 =	simm.s32 $0x15500;
	v4 =	vadd.s32 v1, v4  }
0x15a: {  	[tilespmem:s24], [sflag:$0x3] =	stream.indirect_vreg.gather [hbm4b:s6+s3], $0x80, v5, vm0, $0xb8;
	[tilespmem:$0x18680] =	vst v63  }
0x15b: {  	s26 =	simm.s32 $0x15D00  }
0x15c: {  	[tilespmem:s26], [sflag:$0x3] =	stream.indirect_vreg.gather [hbm4b:s7+s3], $0x80, v5, vm0, $0xb8;
	[tilespmem:$0x18680] =	vst v63  }
0x15d: {  	s4 =	simm.s32 $0x16500  }
0x15e: {  	[tilespmem:s4], [sflag:$0x3] =	stream.indirect_vreg.gather [hbm4b:s2+s3], $0x80, v4, vm0, $0xb8;
	[tilespmem:$0x18680] =	vst v63  }
0x15f: {  	s15 =	simm.s32 $0x16D00  }
0x160: {  	[tilespmem:s15], [sflag:$0x3] =	stream.indirect_vreg.gather [hbm4b:s5+s3], $0x80, v4, vm0, $0xb8;
	[tilespmem:$0x18680] =	vst v63  }
0x161: {  	s24 =	simm.s32 $0x17500  }
0x162: {  	[tilespmem:s24], [sflag:$0x3] =	stream.indirect_vreg.gather [hbm4b:s6+s3], $0x80, v4, vm0, $0xb8;
	[tilespmem:$0x18680] =	vst v63  }
0x163: {  	s26 =	simm.s32 $0x17D00  }
0x164: {  	[tilespmem:s26], [sflag:$0x3] =	stream.indirect_vreg.gather [hbm4b:s7+s3], $0x80, v4, vm0, $0xb8;
	[tilespmem:$0x18680] =	vst v63  }
0x165: {  	_ =	swait.ge [sflag:s21], $0x8000  }
0x166: {  	[sflag:s21] =	ssyncset.done $0x0  }
0x167: {  	s15 =	simm.s32 $0x500;
	s4 =	rddreg [dreg:$0x4];
	[sflag:s21] =	ssyncadd.s32 $0xFFFF8000  }
0x168: {  	[hbm4b:s4+s3] =	stream.linear.scatter [tilespmem:s15], [sflag:$0x4], $0x8000, $0x38;
	[tilespmem:$0x18680] =	vst v63  }
0x169: {  	_ =	swait.ge [sflag:s0], $0x8000  }
0x16a: {  	[sflag:s0] =	ssyncset.done $0x0  }
0x16b: {  	s29 =	simm.s32 $0x18500;
	s24 =	rddreg [dreg:$0x5];
	[sflag:s0] =	ssyncadd.s32 $0xFFFF8000  }
0x16c: {  	[tilespmem:s29], [sflag:$0x7] =	stream.linear.gather [hbm4b:s24+s3], $0x20, $0x38;
	[tilespmem:$0x18680] =	vst v63  }
0x16d: {  	_ =	swait.ge [sflag:s30], $0x20  }
0x16e: {  	[sflag:s30] =	ssyncset.done $0x0  }
0x16f: {  	[sflag:s30] =	ssyncadd.s32 $0xFFFFFFE0  }
0x170: {  	v4 =	vld [tilespmem:$0x18500];
	_ =	sdelay $0x4  }
0x171: {  	v5 =	vshll.u32 v4, $0x3  }
0x172: {  	v4 =	vand.u32 $0x7, v4;
	v5 =	vand.u32 $0xFFFFFFC0, v5  }
0x173: {  	v4 =	vor.u32 v4, v5  }
0x174: {  	v5 =	vperm.xlane v4, v0;
	_ =	sdelay $0x1  }
0x175: {  	v5 =	vadd.s32 v1, v5;
	_ =	sdelay $0x4  }
0x176: {  	[tilespmem:s15], [sflag:$0x1] =	stream.indirect_vreg.gather [hbm4b:s2+s3], $0x80, v5, vm0, $0xb8;
	[tilespmem:$0x18680] =	vst v63  }
0x177: {  	s16 =	simm.s32 $0xD00;
	v4 =	vperm.xlane v4, v2  }
0x178: {  	[tilespmem:s16], [sflag:$0x1] =	stream.indirect_vreg.gather [hbm4b:s5+s3], $0x80, v5, vm0, $0xb8;
	[tilespmem:$0x18680] =	vst v63  }
0x179: {  	s26 =	simm.s32 $0x1500;
	v4 =	vadd.s32 v1, v4  }
0x17a: {  	[tilespmem:s26], [sflag:$0x1] =	stream.indirect_vreg.gather [hbm4b:s6+s3], $0x80, v5, vm0, $0xb8;
	[tilespmem:$0x18680] =	vst v63  }
0x17b: {  	s29 =	simm.s32 $0x1D00  }
0x17c: {  	[tilespmem:s29], [sflag:$0x1] =	stream.indirect_vreg.gather [hbm4b:s7+s3], $0x80, v5, vm0, $0xb8;
	[tilespmem:$0x18680] =	vst v63  }
0x17d: {  	s16 =	simm.s32 $0x2500  }
0x17e: {  	[tilespmem:s16], [sflag:$0x1] =	stream.indirect_vreg.gather [hbm4b:s2+s3], $0x80, v4, vm0, $0xb8;
	[tilespmem:$0x18680] =	vst v63  }
0x17f: {  	s24 =	simm.s32 $0x2D00  }
0x180: {  	[tilespmem:s24], [sflag:$0x1] =	stream.indirect_vreg.gather [hbm4b:s5+s3], $0x80, v4, vm0, $0xb8;
	[tilespmem:$0x18680] =	vst v63  }
0x181: {  	s26 =	simm.s32 $0x3500  }
0x182: {  	[tilespmem:s26], [sflag:$0x1] =	stream.indirect_vreg.gather [hbm4b:s6+s3], $0x80, v4, vm0, $0xb8;
	[tilespmem:$0x18680] =	vst v63  }
0x183: {  	s29 =	simm.s32 $0x3D00  }
0x184: {  	[tilespmem:s29], [sflag:$0x1] =	stream.indirect_vreg.gather [hbm4b:s7+s3], $0x80, v4, vm0, $0xb8;
	[tilespmem:$0x18680] =	vst v63  }
0x185: {  	v4 =	vld [tilespmem:$0x18510];
	_ =	sdelay $0x4  }
0x186: {  	v5 =	vshll.u32 v4, $0x3  }
0x187: {  	v4 =	vand.u32 $0x7, v4;
	v5 =	vand.u32 $0xFFFFFFC0, v5  }
0x188: {  	v4 =	vor.u32 v4, v5  }
0x189: {  	v5 =	vperm.xlane v4, v0;
	_ =	sdelay $0x1  }
0x18a: {  	v5 =	vadd.s32 v1, v5;
	_ =	sdelay $0x4  }
0x18b: {  	[tilespmem:s17], [sflag:$0x1] =	stream.indirect_vreg.gather [hbm4b:s2+s3], $0x80, v5, vm0, $0xb8;
	[tilespmem:$0x18680] =	vst v63  }
0x18c: {  	v4 =	vperm.xlane v4, v2  }
0x18d: {  	[tilespmem:s28], [sflag:$0x1] =	stream.indirect_vreg.gather [hbm4b:s5+s3], $0x80, v5, vm0, $0xb8;
	[tilespmem:$0x18680] =	vst v63  }
0x18e: {  	s15 =	simm.s32 $0x5500;
	v4 =	vadd.s32 v1, v4  }
0x18f: {  	[tilespmem:s15], [sflag:$0x1] =	stream.indirect_vreg.gather [hbm4b:s6+s3], $0x80, v5, vm0, $0xb8;
	[tilespmem:$0x18680] =	vst v63  }
0x190: {  	s28 =	simm.s32 $0x5D00  }
0x191: {  	[tilespmem:s28], [sflag:$0x1] =	stream.indirect_vreg.gather [hbm4b:s7+s3], $0x80, v5, vm0, $0xb8;
	[tilespmem:$0x18680] =	vst v63  }
0x192: {  	s15 =	simm.s32 $0x6500  }
0x193: {  	[tilespmem:s15], [sflag:$0x1] =	stream.indirect_vreg.gather [hbm4b:s2+s3], $0x80, v4, vm0, $0xb8;
	[tilespmem:$0x18680] =	vst v63  }
0x194: {  	s28 =	simm.s32 $0x6D00  }
0x195: {  	[tilespmem:s28], [sflag:$0x1] =	stream.indirect_vreg.gather [hbm4b:s5+s3], $0x80, v4, vm0, $0xb8;
	[tilespmem:$0x18680] =	vst v63  }
0x196: {  	s15 =	simm.s32 $0x7500  }
0x197: {  	[tilespmem:s15], [sflag:$0x1] =	stream.indirect_vreg.gather [hbm4b:s6+s3], $0x80, v4, vm0, $0xb8;
	[tilespmem:$0x18680] =	vst v63  }
0x198: {  	s28 =	simm.s32 $0x7D00  }
0x199: {  	[tilespmem:s28], [sflag:$0x1] =	stream.indirect_vreg.gather [hbm4b:s7+s3], $0x80, v4, vm0, $0xb8;
	[tilespmem:$0x18680] =	vst v63  }
0x19a: {  	s17 =	rddreg [dreg:$0x10];
	_ =	swait.ge [sflag:s9], $0x8000  }
0x19b: {  	[sflag:s9] =	ssyncset.done $0x0  }
0x19c: {  	s1 =	simm.s32 $0x8500;
	[sflag:s9] =	ssyncadd.s32 $0xFFFF8000  }
0x19d: {  	[hbm4b:s11+s3] =	stream.linear.scatter [tilespmem:s1], [sflag:$0x5], $0x8000, $0x38;
	[tilespmem:$0x18680] =	vst v63  }
0x19e: {  	_ =	swait.ge [sflag:s12], $0x8000  }
0x19f: {  	[sflag:s12] =	ssyncset.done $0x0  }
0x1a0: {  	s15 =	simm.s32 $0x18580;
	[sflag:s12] =	ssyncadd.s32 $0xFFFF8000  }
0x1a1: {  	[tilespmem:s15], [sflag:$0x7] =	stream.linear.gather [hbm4b:s23+s3], $0x20, $0x38;
	[tilespmem:$0x18680] =	vst v63  }
0x1a2: {  	_ =	swait.ge [sflag:s30], $0x20  }
0x1a3: {  	[sflag:s30] =	ssyncset.done $0x0  }
0x1a4: {  	[sflag:s30] =	ssyncadd.s32 $0xFFFFFFE0  }
0x1a5: {  	v4 =	vld [tilespmem:$0x18580];
	_ =	sdelay $0x4  }
0x1a6: {  	v5 =	vshll.u32 v4, $0x3  }
0x1a7: {  	v4 =	vand.u32 $0x7, v4;
	v5 =	vand.u32 $0xFFFFFFC0, v5  }
0x1a8: {  	v4 =	vor.u32 v4, v5  }
0x1a9: {  	v5 =	vperm.xlane v4, v0;
	_ =	sdelay $0x1  }
0x1aa: {  	v5 =	vadd.s32 v1, v5;
	_ =	sdelay $0x4  }
0x1ab: {  	[tilespmem:s1], [sflag:$0x2] =	stream.indirect_vreg.gather [hbm4b:s2+s3], $0x80, v5, vm0, $0xb8;
	[tilespmem:$0x18680] =	vst v63  }
0x1ac: {  	s28 =	simm.s32 $0x8D00;
	v4 =	vperm.xlane v4, v2  }
0x1ad: {  	[tilespmem:s28], [sflag:$0x2] =	stream.indirect_vreg.gather [hbm4b:s5+s3], $0x80, v5, vm0, $0xb8;
	[tilespmem:$0x18680] =	vst v63  }
0x1ae: {  	s15 =	simm.s32 $0x9500;
	v4 =	vadd.s32 v1, v4  }
0x1af: {  	[tilespmem:s15], [sflag:$0x2] =	stream.indirect_vreg.gather [hbm4b:s6+s3], $0x80, v5, vm0, $0xb8;
	[tilespmem:$0x18680] =	vst v63  }
0x1b0: {  	s28 =	simm.s32 $0x9D00  }
0x1b1: {  	[tilespmem:s28], [sflag:$0x2] =	stream.indirect_vreg.gather [hbm4b:s7+s3], $0x80, v5, vm0, $0xb8;
	[tilespmem:$0x18680] =	vst v63  }
0x1b2: {  	s15 =	simm.s32 $0xA500  }
0x1b3: {  	[tilespmem:s15], [sflag:$0x2] =	stream.indirect_vreg.gather [hbm4b:s2+s3], $0x80, v4, vm0, $0xb8;
	[tilespmem:$0x18680] =	vst v63  }
0x1b4: {  	s28 =	simm.s32 $0xAD00  }
0x1b5: {  	[tilespmem:s28], [sflag:$0x2] =	stream.indirect_vreg.gather [hbm4b:s5+s3], $0x80, v4, vm0, $0xb8;
	[tilespmem:$0x18680] =	vst v63  }
0x1b6: {  	s15 =	simm.s32 $0xB500  }
0x1b7: {  	[tilespmem:s15], [sflag:$0x2] =	stream.indirect_vreg.gather [hbm4b:s6+s3], $0x80, v4, vm0, $0xb8;
	[tilespmem:$0x18680] =	vst v63  }
0x1b8: {  	s28 =	simm.s32 $0xBD00  }
0x1b9: {  	[tilespmem:s28], [sflag:$0x2] =	stream.indirect_vreg.gather [hbm4b:s7+s3], $0x80, v4, vm0, $0xb8;
	[tilespmem:$0x18680] =	vst v63  }
0x1ba: {  	v4 =	vld [tilespmem:$0x18590];
	_ =	sdelay $0x4  }
0x1bb: {  	v5 =	vshll.u32 v4, $0x3  }
0x1bc: {  	v4 =	vand.u32 $0x7, v4;
	v5 =	vand.u32 $0xFFFFFFC0, v5  }
0x1bd: {  	v4 =	vor.u32 v4, v5  }
0x1be: {  	v5 =	vperm.xlane v4, v0;
	_ =	sdelay $0x1  }
0x1bf: {  	v5 =	vadd.s32 v1, v5;
	_ =	sdelay $0x3  }
0x1c0: {  	s15 =	simm.s32 $0xC500  }
0x1c1: {  	[tilespmem:s15], [sflag:$0x2] =	stream.indirect_vreg.gather [hbm4b:s2+s3], $0x80, v5, vm0, $0xb8;
	[tilespmem:$0x18680] =	vst v63  }
0x1c2: {  	s28 =	simm.s32 $0xCD00;
	v4 =	vperm.xlane v4, v2  }
0x1c3: {  	[tilespmem:s28], [sflag:$0x2] =	stream.indirect_vreg.gather [hbm4b:s5+s3], $0x80, v5, vm0, $0xb8;
	[tilespmem:$0x18680] =	vst v63  }
0x1c4: {  	v4 =	vadd.s32 v1, v4;
	s15 =	simm.s32 $0xD500  }
0x1c5: {  	[tilespmem:s15], [sflag:$0x2] =	stream.indirect_vreg.gather [hbm4b:s6+s3], $0x80, v5, vm0, $0xb8;
	[tilespmem:$0x18680] =	vst v63  }
0x1c6: {  	s28 =	simm.s32 $0xDD00  }
0x1c7: {  	[tilespmem:s28], [sflag:$0x2] =	stream.indirect_vreg.gather [hbm4b:s7+s3], $0x80, v5, vm0, $0xb8;
	[tilespmem:$0x18680] =	vst v63  }
0x1c8: {  	s15 =	simm.s32 $0xE500  }
0x1c9: {  	[tilespmem:s15], [sflag:$0x2] =	stream.indirect_vreg.gather [hbm4b:s2+s3], $0x80, v4, vm0, $0xb8;
	[tilespmem:$0x18680] =	vst v63  }
0x1ca: {  	s28 =	simm.s32 $0xED00  }
0x1cb: {  	[tilespmem:s28], [sflag:$0x2] =	stream.indirect_vreg.gather [hbm4b:s5+s3], $0x80, v4, vm0, $0xb8;
	[tilespmem:$0x18680] =	vst v63  }
0x1cc: {  	s15 =	simm.s32 $0xF500  }
0x1cd: {  	[tilespmem:s15], [sflag:$0x2] =	stream.indirect_vreg.gather [hbm4b:s6+s3], $0x80, v4, vm0, $0xb8;
	[tilespmem:$0x18680] =	vst v63  }
0x1ce: {  	s28 =	simm.s32 $0xFD00  }
0x1cf: {  	[tilespmem:s28], [sflag:$0x2] =	stream.indirect_vreg.gather [hbm4b:s7+s3], $0x80, v4, vm0, $0xb8;
	[tilespmem:$0x18680] =	vst v63  }
0x1d0: {  	_ =	swait.ge [sflag:s20], $0x8000  }
0x1d1: {  	[sflag:s20] =	ssyncset.done $0x0  }
0x1d2: {  	s28 =	simm.s32 $0x10500;
	s15 =	rddreg [dreg:$0x8];
	[sflag:s20] =	ssyncadd.s32 $0xFFFF8000  }
0x1d3: {  	[hbm4b:s15+s3] =	stream.linear.scatter [tilespmem:s28], [sflag:$0x6], $0x8000, $0x38;
	[tilespmem:$0x18680] =	vst v63  }
0x1d4: {  	_ =	swait.ge [sflag:s25], $0x8000  }
0x1d5: {  	[sflag:s25] =	ssyncset.done $0x0  }
0x1d6: {  	s15 =	simm.s32 $0x18600;
	[sflag:s25] =	ssyncadd.s32 $0xFFFF8000  }
0x1d7: {  	[tilespmem:s15], [sflag:$0x7] =	stream.linear.gather [hbm4b:s8+s3], $0x10, $0x38;
	[tilespmem:$0x18680] =	vst v63  }
0x1d8: {  	_ =	swait.ge [sflag:s30], $0x10  }
0x1d9: {  	[sflag:s30] =	ssyncset.done $0x0  }
0x1da: {  	[sflag:s30] =	ssyncadd.s32 $0xFFFFFFF0  }
0x1db: {  	v4 =	vld [tilespmem:$0x18600];
	_ =	sdelay $0x4  }
0x1dc: {  	v5 =	vshll.u32 v4, $0x3  }
0x1dd: {  	v4 =	vand.u32 $0x7, v4;
	v5 =	vand.u32 $0xFFFFFFC0, v5  }
0x1de: {  	v4 =	vor.u32 v4, v5  }
0x1df: {  	v5 =	vperm.xlane v4, v0;
	_ =	sdelay $0x1  }
0x1e0: {  	v5 =	vadd.s32 v1, v5;
	_ =	sdelay $0x4  }
0x1e1: {  	[tilespmem:s28], [sflag:$0x3] =	stream.indirect_vreg.gather [hbm4b:s2+s3], $0x80, v5, vm0, $0xb8;
	[tilespmem:$0x18680] =	vst v63  }
0x1e2: {  	s15 =	simm.s32 $0x10D00;
	v4 =	vperm.xlane v4, v2  }
0x1e3: {  	[tilespmem:s15], [sflag:$0x3] =	stream.indirect_vreg.gather [hbm4b:s5+s3], $0x80, v5, vm0, $0xb8;
	[tilespmem:$0x18680] =	vst v63  }
0x1e4: {  	v4 =	vadd.s32 v1, v4;
	s15 =	simm.s32 $0x11500  }
0x1e5: {  	[tilespmem:s15], [sflag:$0x3] =	stream.indirect_vreg.gather [hbm4b:s6+s3], $0x80, v5, vm0, $0xb8;
	[tilespmem:$0x18680] =	vst v63  }
0x1e6: {  	s15 =	simm.s32 $0x11D00  }
0x1e7: {  	[tilespmem:s15], [sflag:$0x3] =	stream.indirect_vreg.gather [hbm4b:s7+s3], $0x80, v5, vm0, $0xb8;
	[tilespmem:$0x18680] =	vst v63  }
0x1e8: {  	s15 =	simm.s32 $0x12500  }
0x1e9: {  	[tilespmem:s15], [sflag:$0x3] =	stream.indirect_vreg.gather [hbm4b:s2+s3], $0x80, v4, vm0, $0xb8;
	[tilespmem:$0x18680] =	vst v63  }
0x1ea: {  	s15 =	simm.s32 $0x12D00  }
0x1eb: {  	[tilespmem:s15], [sflag:$0x3] =	stream.indirect_vreg.gather [hbm4b:s5+s3], $0x80, v4, vm0, $0xb8;
	[tilespmem:$0x18680] =	vst v63  }
0x1ec: {  	s15 =	simm.s32 $0x13500  }
0x1ed: {  	[tilespmem:s15], [sflag:$0x3] =	stream.indirect_vreg.gather [hbm4b:s6+s3], $0x80, v4, vm0, $0xb8;
	[tilespmem:$0x18680] =	vst v63  }
0x1ee: {  	s15 =	simm.s32 $0x13D00  }
0x1ef: {  	[tilespmem:s15], [sflag:$0x3] =	stream.indirect_vreg.gather [hbm4b:s7+s3], $0x80, v4, vm0, $0xb8;
	[tilespmem:$0x18680] =	vst v63  }
0x1f0: {  	_ =	swait.ge [sflag:s21], $0x8000  }
0x1f1: {  	[sflag:s21] =	ssyncset.done $0x0  }
0x1f2: {  	s4 =	simm.s32 $0x500;
	[sflag:s21] =	ssyncadd.s32 $0xFFFF8000  }
0x1f3: {  	[hbm4b:s13+s3] =	stream.linear.scatter [tilespmem:s4], [sflag:$0x4], $0x8000, $0x38;
	[tilespmem:$0x18680] =	vst v63  }
0x1f4: {  	_ =	swait.ge [sflag:s0], $0x8000  }
0x1f5: {  	[sflag:s0] =	ssyncset.done $0x0  }
0x1f6: {  	s15 =	simm.s32 $0x18500;
	s1 =	rddreg [dreg:$0xb];
	[sflag:s0] =	ssyncadd.s32 $0xFFFF8000  }
0x1f7: {  	[tilespmem:s15], [sflag:$0x7] =	stream.linear.gather [hbm4b:s1+s3], $0x10, $0x38;
	[tilespmem:$0x18680] =	vst v63  }
0x1f8: {  	_ =	swait.ge [sflag:s30], $0x10  }
0x1f9: {  	[sflag:s30] =	ssyncset.done $0x0  }
0x1fa: {  	[sflag:s30] =	ssyncadd.s32 $0xFFFFFFF0  }
0x1fb: {  	v4 =	vld [tilespmem:$0x18500];
	_ =	sdelay $0x4  }
0x1fc: {  	v5 =	vshll.u32 v4, $0x3  }
0x1fd: {  	v4 =	vand.u32 $0x7, v4;
	v5 =	vand.u32 $0xFFFFFFC0, v5  }
0x1fe: {  	v4 =	vor.u32 v4, v5  }
0x1ff: {  	v5 =	vperm.xlane v4, v0;
	_ =	sdelay $0x1  }
0x200: {  	v5 =	vadd.s32 v1, v5;
	_ =	sdelay $0x4  }
0x201: {  	[tilespmem:s4], [sflag:$0x1] =	stream.indirect_vreg.gather [hbm4b:s2+s3], $0x80, v5, vm0, $0xb8;
	[tilespmem:$0x18680] =	vst v63  }
0x202: {  	s15 =	simm.s32 $0xD00;
	v4 =	vperm.xlane v4, v2  }
0x203: {  	[tilespmem:s15], [sflag:$0x1] =	stream.indirect_vreg.gather [hbm4b:s5+s3], $0x80, v5, vm0, $0xb8;
	[tilespmem:$0x18680] =	vst v63  }
0x204: {  	v4 =	vadd.s32 v1, v4;
	s15 =	simm.s32 $0x1500  }
0x205: {  	[tilespmem:s15], [sflag:$0x1] =	stream.indirect_vreg.gather [hbm4b:s6+s3], $0x80, v5, vm0, $0xb8;
	[tilespmem:$0x18680] =	vst v63  }
0x206: {  	s15 =	simm.s32 $0x1D00  }
0x207: {  	[tilespmem:s15], [sflag:$0x1] =	stream.indirect_vreg.gather [hbm4b:s7+s3], $0x80, v5, vm0, $0xb8;
	[tilespmem:$0x18680] =	vst v63  }
0x208: {  	_ = 	snop  }
0x209: {  	[tilespmem:s16], [sflag:$0x1] =	stream.indirect_vreg.gather [hbm4b:s2+s3], $0x80, v4, vm0, $0xb8;
	[tilespmem:$0x18680] =	vst v63  }
0x20a: {  	_ = 	snop  }
0x20b: {  	[tilespmem:s24], [sflag:$0x1] =	stream.indirect_vreg.gather [hbm4b:s5+s3], $0x80, v4, vm0, $0xb8;
	[tilespmem:$0x18680] =	vst v63  }
0x20c: {  	_ = 	snop  }
0x20d: {  	[tilespmem:s26], [sflag:$0x1] =	stream.indirect_vreg.gather [hbm4b:s6+s3], $0x80, v4, vm0, $0xb8;
	[tilespmem:$0x18680] =	vst v63  }
0x20e: {  	_ = 	snop  }
0x20f: {  	[tilespmem:s29], [sflag:$0x1] =	stream.indirect_vreg.gather [hbm4b:s7+s3], $0x80, v4, vm0, $0xb8;
	[tilespmem:$0x18680] =	vst v63  }
0x210: {  	_ =	swait.ge [sflag:s9], $0x8000  }
0x211: {  	[sflag:s9] =	ssyncset.done $0x0  }
0x212: {  	s24 =	simm.s32 $0x8500;
	s16 =	rddreg [dreg:$0xc];
	[sflag:s9] =	ssyncadd.s32 $0xFFFF8000  }
0x213: {  	[hbm4b:s16+s3] =	stream.linear.scatter [tilespmem:s24], [sflag:$0x5], $0x8000, $0x38;
	[tilespmem:$0x18680] =	vst v63  }
0x214: {  	_ =	swait.ge [sflag:s20], $0x4000  }
0x215: {  	[sflag:s20] =	ssyncset.done $0x0  }
0x216: {  	s28 =	simm.s32 $0x10500;
	s26 =	rddreg [dreg:$0xe];
	[sflag:s20] =	ssyncadd.s32 $0xFFFFC000  }
0x217: {  	[hbm4b:s26+s3] =	stream.linear.scatter [tilespmem:s28], [sflag:$0x6], $0x4000, $0x38;
	[tilespmem:$0x18680] =	vst v63  }
0x218: {  	s20 =	rddreg [dreg:$0x11];
	_ =	swait.ge [sflag:s21], $0x4000  }
0x219: {  	[sflag:s21] =	ssyncset.done $0x0  }
0x21a: {  	s28 =	rddreg [dreg:$0xf];
	[sflag:s21] =	ssyncadd.s32 $0xFFFFC000  }
0x21b: {  	[hbm4b:s28+s3] =	stream.linear.scatter [tilespmem:s4], [sflag:$0x4], $0x4000, $0x38;
	[tilespmem:$0x18680] =	vst v63  }
0x21c: {  	_ =	swait.ge [sflag:s12], $0x8000  }
0x21d: {  	[sflag:s12] =	ssyncset.done $0x0  }
0x21e: {  	[sflag:s12] =	ssyncadd.s32 $0xFFFF8000  }
0x21f: {  	_ =	swait.ge [sflag:s25], $0x4000  }
0x220: {  	[sflag:s25] =	ssyncset.done $0x0  }
0x221: {  	[sflag:s25] =	ssyncadd.s32 $0xFFFFC000  }
0x222: {  	s25 =	rddreg [dreg:$0x12];
	_ =	swait.ge [sflag:s0], $0x4000  }
0x223: {  	s29 =	rddreg [dreg:$0x14]  }
0x224: {  	p0 =	sne.s32 s29, $0x80000000  }
.Ltmp2:
0x225: {  	_ = 	snop;
	(pc) =	sbr.rel @p0 .LBB2_5-.Ltmp2, $3  }
0x226: {  	_ =	sdelay $0x1  }
0x227: {  	[sflag:s0] =	ssyncset.done $0x0  }
0x228: {  	[sflag:s0] =	ssyncadd.s32 $0xFFFFC000  }
0x229: {  	[tilespmem:$0x100] =	vst v3  }
0x22a: {  	[tilespmem:$0x110] =	vst v3  }
0x22b: {  	[tilespmem:$0x120] =	vst v3  }
0x22c: {  	[tilespmem:$0x130] =	vst v3  }
0x22d: {  	[tilespmem:$0x140] =	vst v3  }
0x22e: {  	[tilespmem:$0x150] =	vst v3  }
0x22f: {  	[tilespmem:$0x160] =	vst v3  }
0x230: {  	[tilespmem:$0x170] =	vst v3  }
0x231: {  	[tilespmem:$0x180] =	vst v3  }
0x232: {  	[tilespmem:$0x190] =	vst v3  }
0x233: {  	[tilespmem:$0x1A0] =	vst v3  }
0x234: {  	[tilespmem:$0x1B0] =	vst v3  }
0x235: {  	[tilespmem:$0x1C0] =	vst v3  }
0x236: {  	[tilespmem:$0x1D0] =	vst v3  }
0x237: {  	[tilespmem:$0x1E0] =	vst v3  }
0x238: {  	[tilespmem:$0x1F0] =	vst v3  }
0x239: {  	[tilespmem:$0x200] =	vst v3  }
0x23a: {  	[tilespmem:$0x210] =	vst v3  }
0x23b: {  	[tilespmem:$0x220] =	vst v3  }
0x23c: {  	[tilespmem:$0x230] =	vst v3  }
0x23d: {  	[tilespmem:$0x240] =	vst v3  }
0x23e: {  	[tilespmem:$0x250] =	vst v3  }
0x23f: {  	[tilespmem:$0x260] =	vst v3  }
0x240: {  	[tilespmem:$0x270] =	vst v3  }
0x241: {  	[tilespmem:$0x280] =	vst v3  }
0x242: {  	[tilespmem:$0x290] =	vst v3  }
0x243: {  	[tilespmem:$0x2A0] =	vst v3  }
0x244: {  	[tilespmem:$0x2B0] =	vst v3  }
0x245: {  	[tilespmem:$0x2C0] =	vst v3  }
0x246: {  	[tilespmem:$0x2D0] =	vst v3  }
0x247: {  	[tilespmem:$0x2E0] =	vst v3  }
0x248: {  	[tilespmem:$0x2F0] =	vst v3  }
0x249: {  	[tilespmem:$0x300] =	vst v3  }
0x24a: {  	[tilespmem:$0x310] =	vst v3  }
0x24b: {  	[tilespmem:$0x320] =	vst v3  }
0x24c: {  	[tilespmem:$0x330] =	vst v3  }
0x24d: {  	[tilespmem:$0x340] =	vst v3  }
0x24e: {  	[tilespmem:$0x350] =	vst v3  }
0x24f: {  	[tilespmem:$0x360] =	vst v3  }
0x250: {  	[tilespmem:$0x370] =	vst v3  }
0x251: {  	[tilespmem:$0x380] =	vst v3  }
0x252: {  	[tilespmem:$0x390] =	vst v3  }
0x253: {  	[tilespmem:$0x3A0] =	vst v3  }
0x254: {  	[tilespmem:$0x3B0] =	vst v3  }
0x255: {  	[tilespmem:$0x3C0] =	vst v3  }
0x256: {  	[tilespmem:$0x3D0] =	vst v3  }
0x257: {  	[tilespmem:$0x3E0] =	vst v3  }
0x258: {  	[tilespmem:$0x3F0] =	vst v3  }
0x259: {  	[tilespmem:$0x400] =	vst v3  }
0x25a: {  	[tilespmem:$0x410] =	vst v3  }
0x25b: {  	[tilespmem:$0x420] =	vst v3  }
0x25c: {  	[tilespmem:$0x430] =	vst v3  }
0x25d: {  	[tilespmem:$0x440] =	vst v3  }
0x25e: {  	[tilespmem:$0x450] =	vst v3  }
0x25f: {  	[tilespmem:$0x460] =	vst v3  }
0x260: {  	[tilespmem:$0x470] =	vst v3  }
0x261: {  	[tilespmem:$0x480] =	vst v3  }
0x262: {  	[tilespmem:$0x490] =	vst v3  }
0x263: {  	[tilespmem:$0x4A0] =	vst v3;
	s15 =	simm.s32 $0x0  }
0x264: {  	[tilespmem:$0x4B0] =	vst v3;
	v4 =	vmov s15  }
0x265: {  	[tilespmem:$0x4C0] =	vst v3  }
0x266: {  	[tilespmem:$0x4D0] =	vst v3  }
0x267: {  	[tilespmem:$0x4E0] =	vst v3  }
0x268: {  	[tilespmem:$0x4F0] =	vst v3  }
0x269: {  	v4 =	vld.idx.msk [tilespmem:v4+s3+$0x0], $0xffff;
	_ =	sdelay $0x4  }
0x26a: {  	(v2sf) =	vpush v4, $0x0;
	_ =	sdelay $0xe  }
0x26b: {  	s11 =	smov.u32 s19;
	s9 =	smov.u32 s18;
	s28 =	spop (v2sf)  }
0x26c: {  	s8 =	smov.u32 s17;
	s0 =	smov.u32 s14;
	p1 =	sne.s32 s28, $0x0  }
0x26d: {  	s29 =	simm.s32 $0x1;
	s14 =	sand.u32 @!p1 $0x7C00, s15;
	s17 =	sand.u32 @!p1 $0x70, s15  }
0x26e: {  	s18 =	simm.s32 @!p1 $0x7;
	s19 =	simm.s32 @!p1 $0x80;
	s14 =	sor.u32 @!p1 s17, s14  }
0x26f: {  	s4 =	simm.s32 @!p1 $0x400;
	s17 =	simm.s32 @!p1 $0x100;
	s14 =	sadd.s32 @!p1 s14, s10  }
0x270: {  	v4 =	vmov s29;
	[hbm4b:s14+s19] =	stream.strided.scatter @!p1 [tilespmem:s17], [sflag:$0x7], $0x400, s4, s19, $0x38;
	[tilespmem:$0x18680] =	vst v63  }
0x271: {  	s16 =	smov.u32 s25;
	s12 =	smov.u32 s20;
	_ =	swait.ge @!p1 [sflag:s18], $0x400  }
0x272: {  	s17 =	simm.s32 $0x2;
	s14 =	simm.s32 $0x80;
	[sflag:s18] =	ssyncset.done @!p1 $0x0  }
.LBB2_3:
0x273: {  	[sflag:s18] =	ssyncadd.s32 @!p1 $0xFFFFFC00  }
0x274: {  	s15 =	sadd.s32 $0x10, s15;
	s4 =	smov.u32 s17;
	s17 =	sadd.s32 $0x1, s17  }
0x275: {  	p0 =	sne.s32 s17, $0x100;
	v4 =	vld.idx.msk [tilespmem:v4+s3+$0x0], $0xffff;
	_ =	sdelay $0x5  }
0x276: {  	(v2sf) =	vpush v4, $0x0;
	_ =	sdelay $0xe  }
0x277: {  	s18 =	spop (v2sf)  }
0x278: {  	p1 =	sne.s32 s18, $0x0  }
0x279: {  	s19 =	sand.u32 @!p1 $0x7C00, s14;
	s29 =	sand.u32 @!p1 $0x70, s15;
	s18 =	simm.s32 @!p1 $0x7  }
.Ltmp3:
0x27a: {  	s19 =	sor.u32 @!p1 s29, s19;
	s29 =	simm.s32 @!p1 $0x100;
	(pc) =	sbr.rel @p0 .LBB2_3-.Ltmp3, $4  }
0x27b: {  	v4 =	vmov s4;
	s1 =	simm.s32 @!p1 $0x400;
	s4 =	sadd.s32 @!p1 s19, s10;
	s19 =	simm.s32 @!p1 $0x80  }
0x27c: {  	[hbm4b:s4+s19] =	stream.strided.scatter @!p1 [tilespmem:s29], [sflag:$0x7], $0x400, s1, s19, $0x38;
	[tilespmem:$0x18680] =	vst v63  }
0x27d: {  	_ =	swait.ge @!p1 [sflag:s18], $0x400  }
0x27e: {  	s14 =	sadd.s32 $0x80, s14;
	[sflag:s18] =	ssyncset.done @!p1 $0x0  }
.Ltmp4:
0x27f: {  	_ = 	snop;
	(pc) =	sbr.rel .LBB2_4-.Ltmp4, $1  }
0x280: {  	_ =	sdelay $0x3  }
.LBB2_6:
0x281: {  	_ =	sfence.sel $0x180000  }
0x282: {  	[bflag:$0x0] =	sbarrier.arrive $0xFFFF  }
0x283: {  	_ =	strace $0x90000047  }
0x284: {  	s0 =	stileid.u32;
	[bflag:$0x2] =	sbarrier.arrive $0xFFFF  }
0x285: {  	p0 =	sne.s32 s0, $0x0;
	s0 =	rddreg [dreg:$0x3]  }
0x286: {  	s0 =	sadd.s32 @!p0 $0x100000, s0  }
0x287: {  	[sflag:s0] =	ssyncadd.tile.s32 @!p0 $0x1;
	_ =	shalt  }
.Lfunc_end2:
_tile_overlayer_lowered:
.L_overlay_start_2:
0x288: {  	(tag) =	ssettag $0x2  }
0x289: {  	s0 =	rddreg [dreg:$0x0];
	s2 =	stileid.u32  }
0x28a: {  	s1 =	rddreg [dreg:$0x1];
	p0 =	sne.s32 s2, $0x0  }
0x28b: {  	s3 =	rddreg [dreg:$0x2];
	[bflag:$0x3] =	sbarrier.arrive $0xFFFF;
	s2 =	simm.s32 @!p0 $0x1C07  }
0x28c: {  	[timem:s3], [sflag:s2] =	dma.local @!p0 [hbm:s0], s1  }
0x28d: {  	s0 =	simm.s32 @!p0 $0x7  }
0x28e: {  	_ =	swait.ge @!p0 [sflag:s0], s1  }
0x28f: {  	s1 =	ssub.s32 @!p0 $0x0, s1;
	[sflag:s0] =	ssyncset.done @!p0 $0x0  }
0x290: {  	[sflag:s0] =	ssyncadd.s32 @!p0 s1  }
0x291: {  	[bflag:$0x3] =	sbarrier.arrive $0xFFFF  }
0x292: {  	_ =	shalt  }

</sc_bundles>
